<compile_context>
chip_gen: v7x
topology: tpu7x:2x2x1
jax: 0.10.2.dev20260603
libtpu: 0.0.44.dev20260713+nightly
codegen_flags: <defaults>
</compile_context>

<pallas_src>
import functools

import jax
import jax.numpy as jnp
from jax import lax
from jax.experimental import pallas as pl
from jax.experimental.pallas import tpu as pltpu
from jax.experimental.pallas import tpu_sc as plsc

N_NODES = 10000
N_EDGES = 320000
F = 128
EPS = 1e-6

NC = 2
NS = 16
NW = NC * NS
EDGES_PER_TILE = N_EDGES // NW
CHUNK = 96
NCHUNKS = -(-EDGES_PER_TILE // CHUNK)
TILE_E = NCHUNKS * CHUNK
N_PAD = 10112
ROWS_PER_TILE = N_PAD // NS

ROW_BLOCK = 2000


def _segment_sum_sc(support, src2d, dst3d):
    mesh = plsc.VectorSubcoreMesh(core_axis_name="c", subcore_axis_name="s")

    @functools.partial(
        pl.kernel,
        out_type=jax.ShapeDtypeStruct((NC, N_PAD, F), jnp.float32),
        mesh=mesh,
        scratch_types=[
            pltpu.VMEM((TILE_E,), jnp.int32),
            pltpu.VMEM((NCHUNKS, CHUNK), jnp.int32),
            pltpu.VMEM((CHUNK, F), jnp.float32),
            pltpu.VMEM((CHUNK, F), jnp.float32),
            pltpu.VMEM_SHARED((N_PAD, F), jnp.float32),
            pltpu.SemaphoreType.DMA,
            pltpu.SemaphoreType.DMA,
            pltpu.SemaphoreType.DMA,
            pltpu.SemaphoreType.DMA,
        ],
    )
    def kern(sup_hbm, src_hbm, dst_hbm, out_hbm,
             src_v, dst_v, buf0, buf1, acc, g0, g1, g2, g3):
        cid = lax.axis_index("c")
        sid = lax.axis_index("s")
        wid = cid * NS + sid

        base = sid * ROWS_PER_TILE
        TAIL = ROWS_PER_TILE % CHUNK

        pltpu.sync_copy(src_hbm.at[wid], src_v)
        pltpu.make_async_copy(dst_hbm.at[wid], dst_v, g3).start()

        H = CHUNK // 2

        def start_gather(c, buf, semA, semB):
            pltpu.make_async_copy(
                sup_hbm.at[src_v.at[pl.ds(c * CHUNK, H)]],
                buf.at[pl.ds(0, H)], semA,
            ).start()
            pltpu.make_async_copy(
                sup_hbm.at[src_v.at[pl.ds(c * CHUNK + H, H)]],
                buf.at[pl.ds(H, H)], semB,
            ).start()

        def wait_gather(buf, semA, semB):
            pltpu.make_async_copy(
                sup_hbm.at[src_v.at[pl.ds(0, H)]], buf.at[pl.ds(0, H)], semA
            ).wait()
            pltpu.make_async_copy(
                sup_hbm.at[src_v.at[pl.ds(0, H)]], buf.at[pl.ds(H, H)], semB
            ).wait()

        def scatter_add(c, buf):
            pltpu.sync_copy(buf, acc.at[dst_v.at[c]], add=True)

        start_gather(0, buf1, g0, g1)

        @pl.loop(0, CHUNK)
        def _zr(r):
            @pl.loop(0, F, step=16)
            def _zc(c):
                buf0[r, pl.ds(c, 16)] = jnp.zeros((16,), jnp.float32)

        @pl.loop(0, ROWS_PER_TILE - CHUNK, step=CHUNK)
        def _za(r0):
            pltpu.make_async_copy(buf0, acc.at[pl.ds(base + r0, CHUNK)],
                                  g2).start()

        pltpu.make_async_copy(
            buf0.at[pl.ds(0, TAIL)],
            acc.at[pl.ds(base + ROWS_PER_TILE - TAIL, TAIL)], g2,
        ).start()

        @pl.loop(0, ROWS_PER_TILE - CHUNK, step=CHUNK)
        def _zw(r0):
            pltpu.make_async_copy(buf0, acc.at[pl.ds(base + r0, CHUNK)],
                                  g2).wait()

        pltpu.make_async_copy(
            buf0.at[pl.ds(0, TAIL)],
            acc.at[pl.ds(base + ROWS_PER_TILE - TAIL, TAIL)], g2,
        ).wait()
        pltpu.make_async_copy(dst_hbm.at[wid], dst_v, g3).wait()

        plsc.subcore_barrier()

        @pl.loop(0, NCHUNKS - 1, step=2)
        def _body(c):
            start_gather(c + 1, buf0, g2, g3)
            wait_gather(buf1, g0, g1)
            scatter_add(c, buf1)
            start_gather(c + 2, buf1, g0, g1)
            wait_gather(buf0, g2, g3)
            scatter_add(c + 1, buf0)

        wait_gather(buf1, g0, g1)
        scatter_add(NCHUNKS - 1, buf1)

        plsc.subcore_barrier()

        pltpu.sync_copy(
            acc.at[pl.ds(base, ROWS_PER_TILE)],
            out_hbm.at[cid].at[pl.ds(base, ROWS_PER_TILE)],
        )

    return kern(support, src2d, dst3d)


def _full_spec():
    return pl.BlockSpec(index_map=lambda i: (0, 0))


def _row_spec():
    return pl.BlockSpec((ROW_BLOCK, F), lambda i: (i, 0))


def _parts_spec():
    return pl.BlockSpec((NC, ROW_BLOCK, F), lambda i: (0, i, 0))


def _mm(a, b):
    return jnp.dot(a, b, preferred_element_type=jnp.float32)


def _tc_head(x, fc1_w, fc1_b, fc2_w, fc2_b, gamma, beta, wn, ws):

    def body(x_ref, w1, b1, w2, b2, g, bt, wn_ref, ws_ref, sup_ref, slf_ref):
        h = jnp.maximum(_mm(x_ref[...], w1[...]) + b1[...], 0.0)
        h = jnp.maximum(_mm(h, w2[...]) + b2[...], 0.0)
        mean = jnp.mean(h, axis=1, keepdims=True)
        var = jnp.sum((h - mean) ** 2, axis=1, keepdims=True) * (1.0 / (F - 1))
        h = g[...] * (h - mean) / (jnp.sqrt(var) + EPS) + bt[...]
        sup_ref[...] = _mm(h, wn_ref[...])
        slf_ref[...] = _mm(h, ws_ref[...])

    return pl.pallas_call(
        body,
        grid=(N_NODES // ROW_BLOCK,),
        in_specs=[_row_spec()] + [_full_spec()] * 8,
        out_specs=[_row_spec(), _row_spec()],
        out_shape=[jax.ShapeDtypeStruct((N_NODES, F), jnp.float32)] * 2,
    )(x, fc1_w, fc1_b, fc2_w, fc2_b, gamma, beta, wn, ws)


def _tc_mid(slf, parts, b, wn, ws):

    def body(slf_ref, p_ref, b_ref, wn_ref, ws_ref, sup_ref, slf_ref_o):
        h = jnp.maximum(slf_ref[...] + p_ref[0] + p_ref[1] + b_ref[...], 0.0)
        sup_ref[...] = _mm(h, wn_ref[...])
        slf_ref_o[...] = _mm(h, ws_ref[...])

    return pl.pallas_call(
        body,
        grid=(N_NODES // ROW_BLOCK,),
        in_specs=[
            _row_spec(),
            _parts_spec(),
            _full_spec(),
            _full_spec(),
            _full_spec(),
        ],
        out_specs=[_row_spec(), _row_spec()],
        out_shape=[jax.ShapeDtypeStruct((N_NODES, F), jnp.float32)] * 2,
    )(slf, parts, b, wn, ws)


def _tc_final(slf, parts, b):
    def body(slf_ref, p_ref, b_ref, out_ref):
        out_ref[...] = jnp.maximum(
            slf_ref[...] + p_ref[0] + p_ref[1] + b_ref[...], 0.0)

    return pl.pallas_call(
        body,
        grid=(N_NODES // ROW_BLOCK,),
        in_specs=[
            _row_spec(),
            _parts_spec(),
            _full_spec(),
        ],
        out_specs=_row_spec(),
        out_shape=jax.ShapeDtypeStruct((N_NODES, F), jnp.float32),
    )(slf, parts, b)


def kernel(x, edge_index, fc1_w, fc1_b, fc2_w, fc2_b,
           gc1_wn, gc1_ws, gc1_b, gc2_wn, gc2_ws, gc2_b,
           gc3_wn, gc3_ws, gc3_b, gc4_wn, gc4_ws, gc4_b,
           ln_gamma, ln_beta):
    ei = edge_index.astype(jnp.int32)
    pad_e = TILE_E - EDGES_PER_TILE
    src2d = jnp.pad(ei[0].reshape(NW, EDGES_PER_TILE), ((0, 0), (0, pad_e)),
                    constant_values=0)
    dst3d = jnp.pad(ei[1].reshape(NW, EDGES_PER_TILE), ((0, 0), (0, pad_e)),
                    constant_values=N_NODES).reshape(NW, NCHUNKS, CHUNK)

    b2 = lambda v: v.reshape(1, F)

    sup, slf = _tc_head(x, fc1_w, b2(fc1_b), fc2_w, b2(fc2_b),
                        b2(ln_gamma), b2(ln_beta), gc1_wn, gc1_ws)

    parts = _segment_sum_sc(sup, src2d, dst3d)
    sup, slf = _tc_mid(slf, parts, b2(gc1_b), gc2_wn, gc2_ws)

    parts = _segment_sum_sc(sup, src2d, dst3d)
    sup, slf = _tc_mid(slf, parts, b2(gc2_b), gc3_wn, gc3_ws)

    parts = _segment_sum_sc(sup, src2d, dst3d)
    sup, slf = _tc_mid(slf, parts, b2(gc3_b), gc4_wn, gc4_ws)

    parts = _segment_sum_sc(sup, src2d, dst3d)
    return _tc_final(slf, parts, b2(gc4_b))

# --- scband reference (transcript-rebuilt; emitter-appended) ---
"""Pipeline reference for scband-node-gnn-63084479644011 (READ-ONLY COPY).

The authoritative reference and input builder live on the scoring server;
editing this copy changes nothing except your own understanding.
"""

import jax, jax.numpy as jnp
import numpy as np

N_NODES = 10000
N_EDGES = 320000
NFEAT = 128
NHID = 128
OPFEAT = 128
EPS = 1e-6


def setup_inputs(seed: int = 0) -> dict:
    key = jax.random.key(seed)
    ks = jax.random.split(key, 20)
    x = jax.random.normal(ks[0], (N_NODES, NFEAT), dtype=jnp.float32)
    edge_index = jax.random.randint(ks[1], (2, N_EDGES), 0, N_NODES, dtype=jnp.int64 if jax.config.read('jax_enable_x64') else jnp.int32)
    stdv = 1.0 / np.sqrt(NHID)
    def u(k, shape):
        return jax.random.uniform(k, shape, minval=-stdv, maxval=stdv, dtype=jnp.float32)
    inp = {
        'x': x,
        'edge_index': edge_index,
        'fc1_w': u(ks[2], (NFEAT, NHID)), 'fc1_b': u(ks[3], (NHID,)),
        'fc2_w': u(ks[4], (NHID, NHID)), 'fc2_b': u(ks[5], (NHID,)),
        'gc1_wn': u(ks[6], (NHID, NHID)), 'gc1_ws': u(ks[7], (NHID, NHID)), 'gc1_b': u(ks[8], (NHID,)),
        'gc2_wn': u(ks[9], (NHID, NHID)), 'gc2_ws': u(ks[10], (NHID, NHID)), 'gc2_b': u(ks[11], (NHID,)),
        'gc3_wn': u(ks[12], (NHID, NHID)), 'gc3_ws': u(ks[13], (NHID, NHID)), 'gc3_b': u(ks[14], (NHID,)),
        'gc4_wn': u(ks[15], (NHID, OPFEAT)), 'gc4_ws': u(ks[16], (NHID, OPFEAT)), 'gc4_b': u(ks[17], (OPFEAT,)),
        'ln_gamma': jnp.ones((NHID,), dtype=jnp.float32),
        'ln_beta': jnp.zeros((NHID,), dtype=jnp.float32),
    }
    return inp


def _gcn_first_order(h, wn, ws, b, src, dst):
    act_self = jnp.dot(h, ws)
    support = jnp.dot(h, wn)
    msg = jnp.take(support, src, axis=0)
    act_neighbor = jax.ops.segment_sum(msg, dst, num_segments=N_NODES)
    return act_self + act_neighbor + b


def _layer_norm(h, gamma, beta):
    mean = jnp.mean(h, axis=-1, keepdims=True)
    std = jnp.std(h, axis=-1, keepdims=True, ddof=1)
    return gamma * (h - mean) / (std + EPS) + beta


def reference(x, edge_index, fc1_w, fc1_b, fc2_w, fc2_b,
              gc1_wn, gc1_ws, gc1_b, gc2_wn, gc2_ws, gc2_b,
              gc3_wn, gc3_ws, gc3_b, gc4_wn, gc4_ws, gc4_b,
              ln_gamma, ln_beta):
    src = edge_index[0]
    dst = edge_index[1]
    h = jax.nn.relu(jnp.dot(x, fc1_w) + fc1_b)
    h = jax.nn.relu(jnp.dot(h, fc2_w) + fc2_b)
    h = _layer_norm(h, ln_gamma, ln_beta)
    h = jax.nn.relu(_gcn_first_order(h, gc1_wn, gc1_ws, gc1_b, src, dst))
    h = jax.nn.relu(_gcn_first_order(h, gc2_wn, gc2_ws, gc2_b, src, dst))
    h = jax.nn.relu(_gcn_first_order(h, gc3_wn, gc3_ws, gc3_b, src, dst))
    h = jax.nn.relu(_gcn_first_order(h, gc4_wn, gc4_ws, gc4_b, src, dst))
    return h

if __name__ == "__main__":
    import jax
    _d = setup_inputs()
    print(jax.jit(kernel)(*tuple(_d.values())))

</pallas_src>

<mosaic_0001>
#map = affine_map<(d0, d1) -> (0, 0)>
#map1 = affine_map<(d0, d1) -> (0, 0, 0)>
module attributes {stable_mosaic.version = 14 : i64} {
  func.func @kern(%arg0: i32, %arg1: i32, %arg2: memref<10000x128xf32, #tpu.memory_space<hbm>>, %arg3: memref<32x10080xi32, #tpu.memory_space<hbm>>, %arg4: memref<32x105x96xi32, #tpu.memory_space<hbm>>, %arg5: memref<2x10112x128xf32, #tpu.memory_space<hbm>>, %arg6: memref<10080xi32, #tpu.memory_space<vmem>>, %arg7: memref<105x96xi32, #tpu.memory_space<vmem>>, %arg8: memref<96x128xf32, #tpu.memory_space<vmem>>, %arg9: memref<96x128xf32, #tpu.memory_space<vmem>>, %arg10: memref<10112x128xf32, #tpu.memory_space<vmem_shared>>, %arg11: memref<!tpu.dma_semaphore, #tpu.memory_space<semaphore_mem>>, %arg12: memref<!tpu.dma_semaphore, #tpu.memory_space<semaphore_mem>>, %arg13: memref<!tpu.dma_semaphore, #tpu.memory_space<semaphore_mem>>, %arg14: memref<!tpu.dma_semaphore, #tpu.memory_space<semaphore_mem>>) attributes {dimension_semantics = [#tpu.dimension_semantics<core_parallel>, #tpu.dimension_semantics<subcore_parallel>], iteration_bounds = array<i64: 2, 16>, scalar_prefetch = 0 : i64, scratch_operands = 9 : i64, tpu.core_type = #tpu.core_type<sc_vector_subcore>, window_params = [{transform_indices = #map}, {transform_indices = #map}, {transform_indices = #map1}, {transform_indices = #map1}]} {
    %mul3A = arith.constant 16 : i32
    %mul3A_0 = arith.muli %arg0, %mul3A : i32
    %add3A = arith.addi %mul3A_0, %arg1 : i32
    %mul3A_1 = arith.constant 632 : i32
    %mul3A_2 = arith.muli %arg1, %mul3A_1 : i32
    "tpu.region"() ({
      %run_scoped3A_96 = tpu.sem_alloc : memref<!tpu.dma_semaphore, #tpu.memory_space<semaphore_mem>>
      %dma_start3A_97 = arith.constant 0 : i32
      %dma_start3A_98 = tpu.memref_slice %arg3[%add3A, %dma_start3A_97] : memref<32x10080xi32, #tpu.memory_space<hbm>> -> memref<1x10080xi32, #tpu.memory_space<hbm>>
      %dma_start3A_99 = tpu.memref_squeeze %dma_start3A_98 : memref<1x10080xi32, #tpu.memory_space<hbm>> -> memref<10080xi32, #tpu.memory_space<hbm>>
      %dma_start3A_100 = arith.constant 0 : i32
      %dma_start3A_101 = tpu.memref_slice %arg3[%add3A, %dma_start3A_100] : memref<32x10080xi32, #tpu.memory_space<hbm>> -> memref<1x10080xi32, #tpu.memory_space<hbm>>
      %dma_start3A_102 = tpu.memref_squeeze %dma_start3A_101 : memref<1x10080xi32, #tpu.memory_space<hbm>> -> memref<10080xi32, #tpu.memory_space<hbm>>
      tpu.enqueue_dma source(%dma_start3A_102 : memref<10080xi32, #tpu.memory_space<hbm>>) target(%arg6 : memref<10080xi32, #tpu.memory_space<vmem>>) target_semaphore(%run_scoped3A_96 : memref<!tpu.dma_semaphore, #tpu.memory_space<semaphore_mem>>)
      %dma_wait3A_103 = arith.constant 0 : i32
      %dma_wait3A_104 = tpu.memref_slice %arg3[%add3A, %dma_wait3A_103] : memref<32x10080xi32, #tpu.memory_space<hbm>> -> memref<1x10080xi32, #tpu.memory_space<hbm>>
      %dma_wait3A_105 = tpu.memref_squeeze %dma_wait3A_104 : memref<1x10080xi32, #tpu.memory_space<hbm>> -> memref<10080xi32, #tpu.memory_space<hbm>>
      %dma_wait3A_106 = arith.constant 0 : i32
      %dma_wait3A_107 = tpu.memref_slice %arg3[%add3A, %dma_wait3A_106] : memref<32x10080xi32, #tpu.memory_space<hbm>> -> memref<1x10080xi32, #tpu.memory_space<hbm>>
      %dma_wait3A_108 = tpu.memref_squeeze %dma_wait3A_107 : memref<1x10080xi32, #tpu.memory_space<hbm>> -> memref<10080xi32, #tpu.memory_space<hbm>>
      tpu.wait_dma2 semaphore(%run_scoped3A_96 : memref<!tpu.dma_semaphore, #tpu.memory_space<semaphore_mem>>) src(%dma_wait3A_108 : memref<10080xi32, #tpu.memory_space<hbm>>) dst(%arg6 : memref<10080xi32, #tpu.memory_space<vmem>>)
      tpu.yield
    }) : () -> ()
    %dma_start3A = arith.constant 0 : i32
    %dma_start3A_3 = arith.constant 0 : i32
    %dma_start3A_4 = tpu.memref_slice %arg4[%add3A, %dma_start3A, %dma_start3A_3] : memref<32x105x96xi32, #tpu.memory_space<hbm>> -> memref<1x105x96xi32, #tpu.memory_space<hbm>>
    %dma_start3A_5 = tpu.memref_squeeze %dma_start3A_4 : memref<1x105x96xi32, #tpu.memory_space<hbm>> -> memref<105x96xi32, #tpu.memory_space<hbm>>
    %dma_start3A_6 = arith.constant 0 : i32
    %dma_start3A_7 = arith.constant 0 : i32
    %dma_start3A_8 = tpu.memref_slice %arg4[%add3A, %dma_start3A_6, %dma_start3A_7] : memref<32x105x96xi32, #tpu.memory_space<hbm>> -> memref<1x105x96xi32, #tpu.memory_space<hbm>>
    %dma_start3A_9 = tpu.memref_squeeze %dma_start3A_8 : memref<1x105x96xi32, #tpu.memory_space<hbm>> -> memref<105x96xi32, #tpu.memory_space<hbm>>
    tpu.enqueue_dma source(%dma_start3A_9 : memref<105x96xi32, #tpu.memory_space<hbm>>) target(%arg7 : memref<105x96xi32, #tpu.memory_space<vmem>>) target_semaphore(%arg14 : memref<!tpu.dma_semaphore, #tpu.memory_space<semaphore_mem>>)
    %dma_start3A_10 = arith.constant 0 : i32
    %dma_start3A_11 = arith.constant 0 : i32
    %dma_start3A_12 = tpu.memref_slice %arg9[%dma_start3A_10, %dma_start3A_11] : memref<96x128xf32, #tpu.memory_space<vmem>> -> memref<48x128xf32, #tpu.memory_space<vmem>>
    %dma_start3A_13 = arith.constant 0 : i32
    %dma_start3A_14 = tpu.memref_slice %arg6[%dma_start3A_13] : memref<10080xi32, #tpu.memory_space<vmem>> -> memref<48xi32, #tpu.memory_space<vmem>>
    %dma_start3A_15 = arith.constant 0 : i32
    %dma_start3A_16 = arith.constant 0 : i32
    %dma_start3A_17 = tpu.memref_slice %arg2[%dma_start3A_15, %dma_start3A_16] : memref<10000x128xf32, #tpu.memory_space<hbm>> -> memref<10000x128xf32, #tpu.memory_space<hbm>>
    tpu.enqueue_indirect_dma source(%dma_start3A_17 : memref<10000x128xf32, #tpu.memory_space<hbm>>) target(%dma_start3A_12 : memref<48x128xf32, #tpu.memory_space<vmem>>) offsets(%dma_start3A_14 : memref<48xi32, #tpu.memory_space<vmem>>) semaphore(%arg11 : memref<!tpu.dma_semaphore, #tpu.memory_space<semaphore_mem>>)
    %dma_start3A_18 = arith.constant 48 : i32
    %dma_start3A_19 = arith.constant 0 : i32
    %dma_start3A_20 = tpu.memref_slice %arg9[%dma_start3A_18, %dma_start3A_19] : memref<96x128xf32, #tpu.memory_space<vmem>> -> memref<48x128xf32, #tpu.memory_space<vmem>>
    %dma_start3A_21 = arith.constant 48 : i32
    %dma_start3A_22 = tpu.memref_slice %arg6[%dma_start3A_21] : memref<10080xi32, #tpu.memory_space<vmem>> -> memref<48xi32, #tpu.memory_space<vmem>>
    %dma_start3A_23 = arith.constant 0 : i32
    %dma_start3A_24 = arith.constant 0 : i32
    %dma_start3A_25 = tpu.memref_slice %arg2[%dma_start3A_23, %dma_start3A_24] : memref<10000x128xf32, #tpu.memory_space<hbm>> -> memref<10000x128xf32, #tpu.memory_space<hbm>>
    tpu.enqueue_indirect_dma source(%dma_start3A_25 : memref<10000x128xf32, #tpu.memory_space<hbm>>) target(%dma_start3A_20 : memref<48x128xf32, #tpu.memory_space<vmem>>) offsets(%dma_start3A_22 : memref<48xi32, #tpu.memory_space<vmem>>) semaphore(%arg12 : memref<!tpu.dma_semaphore, #tpu.memory_space<semaphore_mem>>)
    %scan3A = arith.constant 0 : i32
    %scan3A_26 = arith.constant 96 : i32
    %scan3A_27 = arith.addi %scan3A, %scan3A_26 : i32
    %scan3A_28 = arith.constant 1 : i32
    scf.for %scan3A_96 = %scan3A to %scan3A_27 step %scan3A_28  : i32 {
      %mul3A_97 = arith.constant 1 : i32
      %mul3A_98 = arith.muli %scan3A_96, %mul3A_97 : i32
      %add3A_99 = arith.constant 0 : i32
      %add3A_100 = arith.addi %add3A_99, %mul3A_98 : i32
      %scan3A_101 = arith.constant 0 : i32
      %scan3A_102 = arith.constant 8 : i32
      %scan3A_103 = arith.addi %scan3A_101, %scan3A_102 : i32
      %scan3A_104 = arith.constant 1 : i32
      scf.for %scan3A_106 = %scan3A_101 to %scan3A_103 step %scan3A_104  : i32 {
        %mul3A_107 = arith.constant 16 : i32
        %mul3A_108 = arith.muli %scan3A_106, %mul3A_107 : i32
        %add3A_109 = arith.constant 0 : i32
        %add3A_110 = arith.addi %add3A_109, %mul3A_108 : i32
        %broadcast_in_dim3A = arith.constant 0.000000e+00 : f32
        %broadcast_in_dim3A_111 = vector.broadcast %broadcast_in_dim3A : f32 to vector<16xf32>
        %swap3A = arith.index_cast %add3A_100 : i32 to index
        %swap3A_112 = arith.index_cast %add3A_110 : i32 to index
        %swap3A_113 = tpu.vector_load %arg8[%swap3A, %swap3A_112] {strides = array<i32>} : memref<96x128xf32, #tpu.memory_space<vmem>>, vector<1x16xf32>,
        %swap3A_114 = vector.shape_cast %swap3A_113 : vector<1x16xf32> to vector<16xf32>
        %swap3A_115 = vector.shape_cast %broadcast_in_dim3A_111 : vector<16xf32> to vector<1x16xf32>
        tpu.vector_store %arg8[%swap3A, %swap3A_112], %swap3A_115 {strides = array<i32>} : memref<96x128xf32, #tpu.memory_space<vmem>>, vector<1x16xf32>,
      }
      %scan3A_105 = arith.constant 8 : i32
    }
    %scan3A_29 = arith.constant 96 : i32
    %scan3A_30 = arith.constant 0 : i32
    %scan3A_31 = arith.constant 6 : i32
    %scan3A_32 = arith.addi %scan3A_30, %scan3A_31 : i32
    %scan3A_33 = arith.constant 1 : i32
    scf.for %scan3A_96 = %scan3A_30 to %scan3A_32 step %scan3A_33  : i32 {
      %mul3A_97 = arith.constant 96 : i32
      %mul3A_98 = arith.muli %scan3A_96, %mul3A_97 : i32
      %add3A_99 = arith.constant 0 : i32
      %add3A_100 = arith.addi %add3A_99, %mul3A_98 : i32
      %add3A_101 = arith.addi %mul3A_2, %add3A_100 : i32
      %dma_start3A_102 = arith.constant 0 : i32
      %dma_start3A_103 = tpu.memref_slice %arg10[%add3A_101, %dma_start3A_102] : memref<10112x128xf32, #tpu.memory_space<vmem_shared>> -> memref<96x128xf32, #tpu.memory_space<vmem_shared>>
      %dma_start3A_104 = arith.constant 0 : i32
      %dma_start3A_105 = tpu.memref_slice %arg10[%add3A_101, %dma_start3A_104] : memref<10112x128xf32, #tpu.memory_space<vmem_shared>> -> memref<96x128xf32, #tpu.memory_space<vmem_shared>>
      tpu.enqueue_dma source(%arg8 : memref<96x128xf32, #tpu.memory_space<vmem>>) target(%dma_start3A_105 : memref<96x128xf32, #tpu.memory_space<vmem_shared>>) target_semaphore(%arg13 : memref<!tpu.dma_semaphore, #tpu.memory_space<semaphore_mem>>)
    }
    %scan3A_34 = arith.constant 6 : i32
    %add3A_35 = arith.constant 632 : i32
    %add3A_36 = arith.addi %mul3A_2, %add3A_35 : i32
    %sub3A = arith.constant 56 : i32
    %sub3A_37 = arith.subi %add3A_36, %sub3A : i32
    %dma_start3A_38 = arith.constant 0 : i32
    %dma_start3A_39 = arith.constant 0 : i32
    %dma_start3A_40 = tpu.memref_slice %arg8[%dma_start3A_38, %dma_start3A_39] : memref<96x128xf32, #tpu.memory_space<vmem>> -> memref<56x128xf32, #tpu.memory_space<vmem>>
    %dma_start3A_41 = arith.constant 0 : i32
    %dma_start3A_42 = tpu.memref_slice %arg10[%sub3A_37, %dma_start3A_41] : memref<10112x128xf32, #tpu.memory_space<vmem_shared>> -> memref<56x128xf32, #tpu.memory_space<vmem_shared>>
    %dma_start3A_43 = arith.constant 0 : i32
    %dma_start3A_44 = tpu.memref_slice %arg10[%sub3A_37, %dma_start3A_43] : memref<10112x128xf32, #tpu.memory_space<vmem_shared>> -> memref<56x128xf32, #tpu.memory_space<vmem_shared>>
    %dma_start3A_45 = arith.constant 0 : i32
    %dma_start3A_46 = arith.constant 0 : i32
    %dma_start3A_47 = tpu.memref_slice %arg8[%dma_start3A_45, %dma_start3A_46] : memref<96x128xf32, #tpu.memory_space<vmem>> -> memref<56x128xf32, #tpu.memory_space<vmem>>
    tpu.enqueue_dma source(%dma_start3A_47 : memref<56x128xf32, #tpu.memory_space<vmem>>) target(%dma_start3A_44 : memref<56x128xf32, #tpu.memory_space<vmem_shared>>) target_semaphore(%arg13 : memref<!tpu.dma_semaphore, #tpu.memory_space<semaphore_mem>>)
    %scan3A_48 = arith.constant 0 : i32
    %scan3A_49 = arith.constant 6 : i32
    %scan3A_50 = arith.addi %scan3A_48, %scan3A_49 : i32
    %scan3A_51 = arith.constant 1 : i32
    scf.for %scan3A_96 = %scan3A_48 to %scan3A_50 step %scan3A_51  : i32 {
      %mul3A_97 = arith.constant 96 : i32
      %mul3A_98 = arith.muli %scan3A_96, %mul3A_97 : i32
      %add3A_99 = arith.constant 0 : i32
      %add3A_100 = arith.addi %add3A_99, %mul3A_98 : i32
      %add3A_101 = arith.addi %mul3A_2, %add3A_100 : i32
      %dma_wait3A_102 = arith.constant 0 : i32
      %dma_wait3A_103 = tpu.memref_slice %arg10[%add3A_101, %dma_wait3A_102] : memref<10112x128xf32, #tpu.memory_space<vmem_shared>> -> memref<96x128xf32, #tpu.memory_space<vmem_shared>>
      %dma_wait3A_104 = arith.constant 0 : i32
      %dma_wait3A_105 = tpu.memref_slice %arg10[%add3A_101, %dma_wait3A_104] : memref<10112x128xf32, #tpu.memory_space<vmem_shared>> -> memref<96x128xf32, #tpu.memory_space<vmem_shared>>
      tpu.wait_dma2 semaphore(%arg13 : memref<!tpu.dma_semaphore, #tpu.memory_space<semaphore_mem>>) src(%arg8 : memref<96x128xf32, #tpu.memory_space<vmem>>) dst(%dma_wait3A_105 : memref<96x128xf32, #tpu.memory_space<vmem_shared>>)
    }
    %scan3A_52 = arith.constant 6 : i32
    %add3A_53 = arith.constant 632 : i32
    %add3A_54 = arith.addi %mul3A_2, %add3A_53 : i32
    %sub3A_55 = arith.constant 56 : i32
    %sub3A_56 = arith.subi %add3A_54, %sub3A_55 : i32
    %dma_wait3A = arith.constant 0 : i32
    %dma_wait3A_57 = arith.constant 0 : i32
    %dma_wait3A_58 = tpu.memref_slice %arg8[%dma_wait3A, %dma_wait3A_57] : memref<96x128xf32, #tpu.memory_space<vmem>> -> memref<56x128xf32, #tpu.memory_space<vmem>>
    %dma_wait3A_59 = arith.constant 0 : i32
    %dma_wait3A_60 = tpu.memref_slice %arg10[%sub3A_56, %dma_wait3A_59] : memref<10112x128xf32, #tpu.memory_space<vmem_shared>> -> memref<56x128xf32, #tpu.memory_space<vmem_shared>>
    %dma_wait3A_61 = arith.constant 0 : i32
    %dma_wait3A_62 = tpu.memref_slice %arg10[%sub3A_56, %dma_wait3A_61] : memref<10112x128xf32, #tpu.memory_space<vmem_shared>> -> memref<56x128xf32, #tpu.memory_space<vmem_shared>>
    %dma_wait3A_63 = arith.constant 0 : i32
    %dma_wait3A_64 = arith.constant 0 : i32
    %dma_wait3A_65 = tpu.memref_slice %arg8[%dma_wait3A_63, %dma_wait3A_64] : memref<96x128xf32, #tpu.memory_space<vmem>> -> memref<56x128xf32, #tpu.memory_space<vmem>>
    tpu.wait_dma2 semaphore(%arg13 : memref<!tpu.dma_semaphore, #tpu.memory_space<semaphore_mem>>) src(%dma_wait3A_65 : memref<56x128xf32, #tpu.memory_space<vmem>>) dst(%dma_wait3A_62 : memref<56x128xf32, #tpu.memory_space<vmem_shared>>)
    %dma_wait3A_66 = arith.constant 0 : i32
    %dma_wait3A_67 = arith.constant 0 : i32
    %dma_wait3A_68 = tpu.memref_slice %arg4[%add3A, %dma_wait3A_66, %dma_wait3A_67] : memref<32x105x96xi32, #tpu.memory_space<hbm>> -> memref<1x105x96xi32, #tpu.memory_space<hbm>>
    %dma_wait3A_69 = tpu.memref_squeeze %dma_wait3A_68 : memref<1x105x96xi32, #tpu.memory_space<hbm>> -> memref<105x96xi32, #tpu.memory_space<hbm>>
    %dma_wait3A_70 = arith.constant 0 : i32
    %dma_wait3A_71 = arith.constant 0 : i32
    %dma_wait3A_72 = tpu.memref_slice %arg4[%add3A, %dma_wait3A_70, %dma_wait3A_71] : memref<32x105x96xi32, #tpu.memory_space<hbm>> -> memref<1x105x96xi32, #tpu.memory_space<hbm>>
    %dma_wait3A_73 = tpu.memref_squeeze %dma_wait3A_72 : memref<1x105x96xi32, #tpu.memory_space<hbm>> -> memref<105x96xi32, #tpu.memory_space<hbm>>
    tpu.wait_dma2 semaphore(%arg14 : memref<!tpu.dma_semaphore, #tpu.memory_space<semaphore_mem>>) src(%dma_wait3A_73 : memref<105x96xi32, #tpu.memory_space<hbm>>) dst(%arg7 : memref<105x96xi32, #tpu.memory_space<vmem>>)
    %barrier3A = arith.constant 0 : index
    tpu.barrier barrier_id(%barrier3A)
    %scan3A_74 = arith.constant 0 : i32
    %scan3A_75 = arith.constant 52 : i32
    %scan3A_76 = arith.addi %scan3A_74, %scan3A_75 : i32
    %scan3A_77 = arith.constant 1 : i32
    scf.for %scan3A_96 = %scan3A_74 to %scan3A_76 step %scan3A_77  : i32 {
      %mul3A_97 = arith.constant 2 : i32
      %mul3A_98 = arith.muli %scan3A_96, %mul3A_97 : i32
      %add3A_99 = arith.constant 0 : i32
      %add3A_100 = arith.addi %add3A_99, %mul3A_98 : i32
      %add3A_101 = arith.constant 1 : i32
      %add3A_102 = arith.addi %add3A_100, %add3A_101 : i32
      %mul3A_103 = arith.constant 96 : i32
      %mul3A_104 = arith.muli %add3A_102, %mul3A_103 : i32
      %dma_start3A_105 = arith.constant 0 : i32
      %dma_start3A_106 = arith.constant 0 : i32
      %dma_start3A_107 = tpu.memref_slice %arg8[%dma_start3A_105, %dma_start3A_106] : memref<96x128xf32, #tpu.memory_space<vmem>> -> memref<48x128xf32, #tpu.memory_space<vmem>>
      %dma_start3A_108 = tpu.memref_slice %arg6[%mul3A_104] : memref<10080xi32, #tpu.memory_space<vmem>> -> memref<48xi32, #tpu.memory_space<vmem>>
      %dma_start3A_109 = arith.constant 0 : i32
      %dma_start3A_110 = arith.constant 0 : i32
      %dma_start3A_111 = tpu.memref_slice %arg2[%dma_start3A_109, %dma_start3A_110] : memref<10000x128xf32, #tpu.memory_space<hbm>> -> memref<10000x128xf32, #tpu.memory_space<hbm>>
      tpu.enqueue_indirect_dma source(%dma_start3A_111 : memref<10000x128xf32, #tpu.memory_space<hbm>>) target(%dma_start3A_107 : memref<48x128xf32, #tpu.memory_space<vmem>>) offsets(%dma_start3A_108 : memref<48xi32, #tpu.memory_space<vmem>>) semaphore(%arg13 : memref<!tpu.dma_semaphore, #tpu.memory_space<semaphore_mem>>)
      %mul3A_112 = arith.constant 96 : i32
      %mul3A_113 = arith.muli %add3A_102, %mul3A_112 : i32
      %add3A_114 = arith.constant 48 : i32
      %add3A_115 = arith.addi %mul3A_113, %add3A_114 : i32
      %dma_start3A_116 = arith.constant 48 : i32
      %dma_start3A_117 = arith.constant 0 : i32
      %dma_start3A_118 = tpu.memref_slice %arg8[%dma_start3A_116, %dma_start3A_117] : memref<96x128xf32, #tpu.memory_space<vmem>> -> memref<48x128xf32, #tpu.memory_space<vmem>>
      %dma_start3A_119 = tpu.memref_slice %arg6[%add3A_115] : memref<10080xi32, #tpu.memory_space<vmem>> -> memref<48xi32, #tpu.memory_space<vmem>>
      %dma_start3A_120 = arith.constant 0 : i32
      %dma_start3A_121 = arith.constant 0 : i32
      %dma_start3A_122 = tpu.memref_slice %arg2[%dma_start3A_120, %dma_start3A_121] : memref<10000x128xf32, #tpu.memory_space<hbm>> -> memref<10000x128xf32, #tpu.memory_space<hbm>>
      tpu.enqueue_indirect_dma source(%dma_start3A_122 : memref<10000x128xf32, #tpu.memory_space<hbm>>) target(%dma_start3A_118 : memref<48x128xf32, #tpu.memory_space<vmem>>) offsets(%dma_start3A_119 : memref<48xi32, #tpu.memory_space<vmem>>) semaphore(%arg14 : memref<!tpu.dma_semaphore, #tpu.memory_space<semaphore_mem>>)
      %dma_wait3A_123 = arith.constant 0 : i32
      %dma_wait3A_124 = arith.constant 0 : i32
      %dma_wait3A_125 = tpu.memref_slice %arg9[%dma_wait3A_123, %dma_wait3A_124] : memref<96x128xf32, #tpu.memory_space<vmem>> -> memref<48x128xf32, #tpu.memory_space<vmem>>
      %dma_wait3A_126 = arith.constant 0 : i32
      %dma_wait3A_127 = tpu.memref_slice %arg6[%dma_wait3A_126] : memref<10080xi32, #tpu.memory_space<vmem>> -> memref<48xi32, #tpu.memory_space<vmem>>
      %dma_wait3A_128 = arith.constant 0 : i32
      %dma_wait3A_129 = arith.constant 0 : i32
      %dma_wait3A_130 = tpu.memref_slice %arg2[%dma_wait3A_128, %dma_wait3A_129] : memref<10000x128xf32, #tpu.memory_space<hbm>> -> memref<10000x128xf32, #tpu.memory_space<hbm>>
      tpu.wait_indirect_dma semaphore(%arg11 : memref<!tpu.dma_semaphore, #tpu.memory_space<semaphore_mem>>) src(%dma_wait3A_130 : memref<10000x128xf32, #tpu.memory_space<hbm>>) dst(%dma_wait3A_125 : memref<48x128xf32, #tpu.memory_space<vmem>>)
      %dma_wait3A_131 = arith.constant 48 : i32
      %dma_wait3A_132 = arith.constant 0 : i32
      %dma_wait3A_133 = tpu.memref_slice %arg9[%dma_wait3A_131, %dma_wait3A_132] : memref<96x128xf32, #tpu.memory_space<vmem>> -> memref<48x128xf32, #tpu.memory_space<vmem>>
      %dma_wait3A_134 = arith.constant 0 : i32
      %dma_wait3A_135 = tpu.memref_slice %arg6[%dma_wait3A_134] : memref<10080xi32, #tpu.memory_space<vmem>> -> memref<48xi32, #tpu.memory_space<vmem>>
      %dma_wait3A_136 = arith.constant 0 : i32
      %dma_wait3A_137 = arith.constant 0 : i32
      %dma_wait3A_138 = tpu.memref_slice %arg2[%dma_wait3A_136, %dma_wait3A_137] : memref<10000x128xf32, #tpu.memory_space<hbm>> -> memref<10000x128xf32, #tpu.memory_space<hbm>>
      tpu.wait_indirect_dma semaphore(%arg12 : memref<!tpu.dma_semaphore, #tpu.memory_space<semaphore_mem>>) src(%dma_wait3A_138 : memref<10000x128xf32, #tpu.memory_space<hbm>>) dst(%dma_wait3A_133 : memref<48x128xf32, #tpu.memory_space<vmem>>)
      "tpu.region"() ({
        %run_scoped3A_179 = tpu.sem_alloc : memref<!tpu.dma_semaphore, #tpu.memory_space<semaphore_mem>>
        %dma_start3A_180 = arith.constant 0 : i32
        %dma_start3A_181 = tpu.memref_slice %arg7[%add3A_100, %dma_start3A_180] : memref<105x96xi32, #tpu.memory_space<vmem>> -> memref<1x96xi32, #tpu.memory_space<vmem>>
        %dma_start3A_182 = tpu.memref_squeeze %dma_start3A_181 : memref<1x96xi32, #tpu.memory_space<vmem>> -> memref<96xi32, #tpu.memory_space<vmem>>
        %dma_start3A_183 = arith.constant 0 : i32
        %dma_start3A_184 = arith.constant 0 : i32
        %dma_start3A_185 = tpu.memref_slice %arg10[%dma_start3A_183, %dma_start3A_184] : memref<10112x128xf32, #tpu.memory_space<vmem_shared>> -> memref<10112x128xf32, #tpu.memory_space<vmem_shared>>
        tpu.enqueue_indirect_dma source(%arg9 : memref<96x128xf32, #tpu.memory_space<vmem>>) target(%dma_start3A_185 : memref<10112x128xf32, #tpu.memory_space<vmem_shared>>) offsets(%dma_start3A_182 : memref<96xi32, #tpu.memory_space<vmem>>) semaphore(%run_scoped3A_179 : memref<!tpu.dma_semaphore, #tpu.memory_space<semaphore_mem>>) {add = true}
        %dma_wait3A_186 = arith.constant 0 : i32
        %dma_wait3A_187 = tpu.memref_slice %arg7[%add3A_100, %dma_wait3A_186] : memref<105x96xi32, #tpu.memory_space<vmem>> -> memref<1x96xi32, #tpu.memory_space<vmem>>
        %dma_wait3A_188 = tpu.memref_squeeze %dma_wait3A_187 : memref<1x96xi32, #tpu.memory_space<vmem>> -> memref<96xi32, #tpu.memory_space<vmem>>
        %dma_wait3A_189 = arith.constant 0 : i32
        %dma_wait3A_190 = arith.constant 0 : i32
        %dma_wait3A_191 = tpu.memref_slice %arg10[%dma_wait3A_189, %dma_wait3A_190] : memref<10112x128xf32, #tpu.memory_space<vmem_shared>> -> memref<10112x128xf32, #tpu.memory_space<vmem_shared>>
        tpu.wait_indirect_dma semaphore(%run_scoped3A_179 : memref<!tpu.dma_semaphore, #tpu.memory_space<semaphore_mem>>) src(%arg9 : memref<96x128xf32, #tpu.memory_space<vmem>>) dst(%dma_wait3A_191 : memref<10112x128xf32, #tpu.memory_space<vmem_shared>>)
        tpu.yield
      }) : () -> ()
      %add3A_139 = arith.constant 2 : i32
      %add3A_140 = arith.addi %add3A_100, %add3A_139 : i32
      %mul3A_141 = arith.constant 96 : i32
      %mul3A_142 = arith.muli %add3A_140, %mul3A_141 : i32
      %dma_start3A_143 = arith.constant 0 : i32
      %dma_start3A_144 = arith.constant 0 : i32
      %dma_start3A_145 = tpu.memref_slice %arg9[%dma_start3A_143, %dma_start3A_144] : memref<96x128xf32, #tpu.memory_space<vmem>> -> memref<48x128xf32, #tpu.memory_space<vmem>>
      %dma_start3A_146 = tpu.memref_slice %arg6[%mul3A_142] : memref<10080xi32, #tpu.memory_space<vmem>> -> memref<48xi32, #tpu.memory_space<vmem>>
      %dma_start3A_147 = arith.constant 0 : i32
      %dma_start3A_148 = arith.constant 0 : i32
      %dma_start3A_149 = tpu.memref_slice %arg2[%dma_start3A_147, %dma_start3A_148] : memref<10000x128xf32, #tpu.memory_space<hbm>> -> memref<10000x128xf32, #tpu.memory_space<hbm>>
      tpu.enqueue_indirect_dma source(%dma_start3A_149 : memref<10000x128xf32, #tpu.memory_space<hbm>>) target(%dma_start3A_145 : memref<48x128xf32, #tpu.memory_space<vmem>>) offsets(%dma_start3A_146 : memref<48xi32, #tpu.memory_space<vmem>>) semaphore(%arg11 : memref<!tpu.dma_semaphore, #tpu.memory_space<semaphore_mem>>)
      %mul3A_150 = arith.constant 96 : i32
      %mul3A_151 = arith.muli %add3A_140, %mul3A_150 : i32
      %add3A_152 = arith.constant 48 : i32
      %add3A_153 = arith.addi %mul3A_151, %add3A_152 : i32
      %dma_start3A_154 = arith.constant 48 : i32
      %dma_start3A_155 = arith.constant 0 : i32
      %dma_start3A_156 = tpu.memref_slice %arg9[%dma_start3A_154, %dma_start3A_155] : memref<96x128xf32, #tpu.memory_space<vmem>> -> memref<48x128xf32, #tpu.memory_space<vmem>>
      %dma_start3A_157 = tpu.memref_slice %arg6[%add3A_153] : memref<10080xi32, #tpu.memory_space<vmem>> -> memref<48xi32, #tpu.memory_space<vmem>>
      %dma_start3A_158 = arith.constant 0 : i32
      %dma_start3A_159 = arith.constant 0 : i32
      %dma_start3A_160 = tpu.memref_slice %arg2[%dma_start3A_158, %dma_start3A_159] : memref<10000x128xf32, #tpu.memory_space<hbm>> -> memref<10000x128xf32, #tpu.memory_space<hbm>>
      tpu.enqueue_indirect_dma source(%dma_start3A_160 : memref<10000x128xf32, #tpu.memory_space<hbm>>) target(%dma_start3A_156 : memref<48x128xf32, #tpu.memory_space<vmem>>) offsets(%dma_start3A_157 : memref<48xi32, #tpu.memory_space<vmem>>) semaphore(%arg12 : memref<!tpu.dma_semaphore, #tpu.memory_space<semaphore_mem>>)
      %dma_wait3A_161 = arith.constant 0 : i32
      %dma_wait3A_162 = arith.constant 0 : i32
      %dma_wait3A_163 = tpu.memref_slice %arg8[%dma_wait3A_161, %dma_wait3A_162] : memref<96x128xf32, #tpu.memory_space<vmem>> -> memref<48x128xf32, #tpu.memory_space<vmem>>
      %dma_wait3A_164 = arith.constant 0 : i32
      %dma_wait3A_165 = tpu.memref_slice %arg6[%dma_wait3A_164] : memref<10080xi32, #tpu.memory_space<vmem>> -> memref<48xi32, #tpu.memory_space<vmem>>
      %dma_wait3A_166 = arith.constant 0 : i32
      %dma_wait3A_167 = arith.constant 0 : i32
      %dma_wait3A_168 = tpu.memref_slice %arg2[%dma_wait3A_166, %dma_wait3A_167] : memref<10000x128xf32, #tpu.memory_space<hbm>> -> memref<10000x128xf32, #tpu.memory_space<hbm>>
      tpu.wait_indirect_dma semaphore(%arg13 : memref<!tpu.dma_semaphore, #tpu.memory_space<semaphore_mem>>) src(%dma_wait3A_168 : memref<10000x128xf32, #tpu.memory_space<hbm>>) dst(%dma_wait3A_163 : memref<48x128xf32, #tpu.memory_space<vmem>>)
      %dma_wait3A_169 = arith.constant 48 : i32
      %dma_wait3A_170 = arith.constant 0 : i32
      %dma_wait3A_171 = tpu.memref_slice %arg8[%dma_wait3A_169, %dma_wait3A_170] : memref<96x128xf32, #tpu.memory_space<vmem>> -> memref<48x128xf32, #tpu.memory_space<vmem>>
      %dma_wait3A_172 = arith.constant 0 : i32
      %dma_wait3A_173 = tpu.memref_slice %arg6[%dma_wait3A_172] : memref<10080xi32, #tpu.memory_space<vmem>> -> memref<48xi32, #tpu.memory_space<vmem>>
      %dma_wait3A_174 = arith.constant 0 : i32
      %dma_wait3A_175 = arith.constant 0 : i32
      %dma_wait3A_176 = tpu.memref_slice %arg2[%dma_wait3A_174, %dma_wait3A_175] : memref<10000x128xf32, #tpu.memory_space<hbm>> -> memref<10000x128xf32, #tpu.memory_space<hbm>>
      tpu.wait_indirect_dma semaphore(%arg14 : memref<!tpu.dma_semaphore, #tpu.memory_space<semaphore_mem>>) src(%dma_wait3A_176 : memref<10000x128xf32, #tpu.memory_space<hbm>>) dst(%dma_wait3A_171 : memref<48x128xf32, #tpu.memory_space<vmem>>)
      %add3A_177 = arith.constant 1 : i32
      %add3A_178 = arith.addi %add3A_100, %add3A_177 : i32
      "tpu.region"() ({
        %run_scoped3A_179 = tpu.sem_alloc : memref<!tpu.dma_semaphore, #tpu.memory_space<semaphore_mem>>
        %dma_start3A_180 = arith.constant 0 : i32
        %dma_start3A_181 = tpu.memref_slice %arg7[%add3A_178, %dma_start3A_180] : memref<105x96xi32, #tpu.memory_space<vmem>> -> memref<1x96xi32, #tpu.memory_space<vmem>>
        %dma_start3A_182 = tpu.memref_squeeze %dma_start3A_181 : memref<1x96xi32, #tpu.memory_space<vmem>> -> memref<96xi32, #tpu.memory_space<vmem>>
        %dma_start3A_183 = arith.constant 0 : i32
        %dma_start3A_184 = arith.constant 0 : i32
        %dma_start3A_185 = tpu.memref_slice %arg10[%dma_start3A_183, %dma_start3A_184] : memref<10112x128xf32, #tpu.memory_space<vmem_shared>> -> memref<10112x128xf32, #tpu.memory_space<vmem_shared>>
        tpu.enqueue_indirect_dma source(%arg8 : memref<96x128xf32, #tpu.memory_space<vmem>>) target(%dma_start3A_185 : memref<10112x128xf32, #tpu.memory_space<vmem_shared>>) offsets(%dma_start3A_182 : memref<96xi32, #tpu.memory_space<vmem>>) semaphore(%run_scoped3A_179 : memref<!tpu.dma_semaphore, #tpu.memory_space<semaphore_mem>>) {add = true}
        %dma_wait3A_186 = arith.constant 0 : i32
        %dma_wait3A_187 = tpu.memref_slice %arg7[%add3A_178, %dma_wait3A_186] : memref<105x96xi32, #tpu.memory_space<vmem>> -> memref<1x96xi32, #tpu.memory_space<vmem>>
        %dma_wait3A_188 = tpu.memref_squeeze %dma_wait3A_187 : memref<1x96xi32, #tpu.memory_space<vmem>> -> memref<96xi32, #tpu.memory_space<vmem>>
        %dma_wait3A_189 = arith.constant 0 : i32
        %dma_wait3A_190 = arith.constant 0 : i32
        %dma_wait3A_191 = tpu.memref_slice %arg10[%dma_wait3A_189, %dma_wait3A_190] : memref<10112x128xf32, #tpu.memory_space<vmem_shared>> -> memref<10112x128xf32, #tpu.memory_space<vmem_shared>>
        tpu.wait_indirect_dma semaphore(%run_scoped3A_179 : memref<!tpu.dma_semaphore, #tpu.memory_space<semaphore_mem>>) src(%arg8 : memref<96x128xf32, #tpu.memory_space<vmem>>) dst(%dma_wait3A_191 : memref<10112x128xf32, #tpu.memory_space<vmem_shared>>)
        tpu.yield
      }) : () -> ()
    }
    %scan3A_78 = arith.constant 52 : i32
    %dma_wait3A_79 = arith.constant 0 : i32
    %dma_wait3A_80 = arith.constant 0 : i32
    %dma_wait3A_81 = tpu.memref_slice %arg9[%dma_wait3A_79, %dma_wait3A_80] : memref<96x128xf32, #tpu.memory_space<vmem>> -> memref<48x128xf32, #tpu.memory_space<vmem>>
    %dma_wait3A_82 = arith.constant 0 : i32
    %dma_wait3A_83 = tpu.memref_slice %arg6[%dma_wait3A_82] : memref<10080xi32, #tpu.memory_space<vmem>> -> memref<48xi32, #tpu.memory_space<vmem>>
    %dma_wait3A_84 = arith.constant 0 : i32
    %dma_wait3A_85 = arith.constant 0 : i32
    %dma_wait3A_86 = tpu.memref_slice %arg2[%dma_wait3A_84, %dma_wait3A_85] : memref<10000x128xf32, #tpu.memory_space<hbm>> -> memref<10000x128xf32, #tpu.memory_space<hbm>>
    tpu.wait_indirect_dma semaphore(%arg11 : memref<!tpu.dma_semaphore, #tpu.memory_space<semaphore_mem>>) src(%dma_wait3A_86 : memref<10000x128xf32, #tpu.memory_space<hbm>>) dst(%dma_wait3A_81 : memref<48x128xf32, #tpu.memory_space<vmem>>)
    %dma_wait3A_87 = arith.constant 48 : i32
    %dma_wait3A_88 = arith.constant 0 : i32
    %dma_wait3A_89 = tpu.memref_slice %arg9[%dma_wait3A_87, %dma_wait3A_88] : memref<96x128xf32, #tpu.memory_space<vmem>> -> memref<48x128xf32, #tpu.memory_space<vmem>>
    %dma_wait3A_90 = arith.constant 0 : i32
    %dma_wait3A_91 = tpu.memref_slice %arg6[%dma_wait3A_90] : memref<10080xi32, #tpu.memory_space<vmem>> -> memref<48xi32, #tpu.memory_space<vmem>>
    %dma_wait3A_92 = arith.constant 0 : i32
    %dma_wait3A_93 = arith.constant 0 : i32
    %dma_wait3A_94 = tpu.memref_slice %arg2[%dma_wait3A_92, %dma_wait3A_93] : memref<10000x128xf32, #tpu.memory_space<hbm>> -> memref<10000x128xf32, #tpu.memory_space<hbm>>
    tpu.wait_indirect_dma semaphore(%arg12 : memref<!tpu.dma_semaphore, #tpu.memory_space<semaphore_mem>>) src(%dma_wait3A_94 : memref<10000x128xf32, #tpu.memory_space<hbm>>) dst(%dma_wait3A_89 : memref<48x128xf32, #tpu.memory_space<vmem>>)
    %run_scoped3A = arith.constant 104 : i32
    "tpu.region"() ({
      %run_scoped3A_96 = tpu.sem_alloc : memref<!tpu.dma_semaphore, #tpu.memory_space<semaphore_mem>>
      %dma_start3A_97 = arith.constant 0 : i32
      %dma_start3A_98 = tpu.memref_slice %arg7[%run_scoped3A, %dma_start3A_97] : memref<105x96xi32, #tpu.memory_space<vmem>> -> memref<1x96xi32, #tpu.memory_space<vmem>>
      %dma_start3A_99 = tpu.memref_squeeze %dma_start3A_98 : memref<1x96xi32, #tpu.memory_space<vmem>> -> memref<96xi32, #tpu.memory_space<vmem>>
      %dma_start3A_100 = arith.constant 0 : i32
      %dma_start3A_101 = arith.constant 0 : i32
      %dma_start3A_102 = tpu.memref_slice %arg10[%dma_start3A_100, %dma_start3A_101] : memref<10112x128xf32, #tpu.memory_space<vmem_shared>> -> memref<10112x128xf32, #tpu.memory_space<vmem_shared>>
      tpu.enqueue_indirect_dma source(%arg9 : memref<96x128xf32, #tpu.memory_space<vmem>>) target(%dma_start3A_102 : memref<10112x128xf32, #tpu.memory_space<vmem_shared>>) offsets(%dma_start3A_99 : memref<96xi32, #tpu.memory_space<vmem>>) semaphore(%run_scoped3A_96 : memref<!tpu.dma_semaphore, #tpu.memory_space<semaphore_mem>>) {add = true}
      %dma_wait3A_103 = arith.constant 0 : i32
      %dma_wait3A_104 = tpu.memref_slice %arg7[%run_scoped3A, %dma_wait3A_103] : memref<105x96xi32, #tpu.memory_space<vmem>> -> memref<1x96xi32, #tpu.memory_space<vmem>>
      %dma_wait3A_105 = tpu.memref_squeeze %dma_wait3A_104 : memref<1x96xi32, #tpu.memory_space<vmem>> -> memref<96xi32, #tpu.memory_space<vmem>>
      %dma_wait3A_106 = arith.constant 0 : i32
      %dma_wait3A_107 = arith.constant 0 : i32
      %dma_wait3A_108 = tpu.memref_slice %arg10[%dma_wait3A_106, %dma_wait3A_107] : memref<10112x128xf32, #tpu.memory_space<vmem_shared>> -> memref<10112x128xf32, #tpu.memory_space<vmem_shared>>
      tpu.wait_indirect_dma semaphore(%run_scoped3A_96 : memref<!tpu.dma_semaphore, #tpu.memory_space<semaphore_mem>>) src(%arg9 : memref<96x128xf32, #tpu.memory_space<vmem>>) dst(%dma_wait3A_108 : memref<10112x128xf32, #tpu.memory_space<vmem_shared>>)
      tpu.yield
    }) : () -> ()
    %barrier3A_95 = arith.constant 0 : index
    tpu.barrier barrier_id(%barrier3A_95)
    "tpu.region"() ({
      %run_scoped3A_96 = tpu.sem_alloc : memref<!tpu.dma_semaphore, #tpu.memory_space<semaphore_mem>>
      %dma_start3A_97 = arith.constant 0 : i32
      %dma_start3A_98 = arith.constant 0 : i32
      %dma_start3A_99 = tpu.memref_slice %arg5[%arg0, %dma_start3A_97, %dma_start3A_98] : memref<2x10112x128xf32, #tpu.memory_space<hbm>> -> memref<1x10112x128xf32, #tpu.memory_space<hbm>>
      %dma_start3A_100 = tpu.memref_squeeze %dma_start3A_99 : memref<1x10112x128xf32, #tpu.memory_space<hbm>> -> memref<10112x128xf32, #tpu.memory_space<hbm>>
      %dma_start3A_101 = arith.constant 0 : i32
      %dma_start3A_102 = tpu.memref_slice %dma_start3A_100[%mul3A_2, %dma_start3A_101] : memref<10112x128xf32, #tpu.memory_space<hbm>> -> memref<632x128xf32, #tpu.memory_space<hbm>>
      %dma_start3A_103 = arith.constant 0 : i32
      %dma_start3A_104 = tpu.memref_slice %arg10[%mul3A_2, %dma_start3A_103] : memref<10112x128xf32, #tpu.memory_space<vmem_shared>> -> memref<632x128xf32, #tpu.memory_space<vmem_shared>>
      tpu.enqueue_dma source(%dma_start3A_104 : memref<632x128xf32, #tpu.memory_space<vmem_shared>>) target(%dma_start3A_102 : memref<632x128xf32, #tpu.memory_space<hbm>>) target_semaphore(%run_scoped3A_96 : memref<!tpu.dma_semaphore, #tpu.memory_space<semaphore_mem>>)
      %dma_wait3A_105 = arith.constant 0 : i32
      %dma_wait3A_106 = arith.constant 0 : i32
      %dma_wait3A_107 = tpu.memref_slice %arg5[%arg0, %dma_wait3A_105, %dma_wait3A_106] : memref<2x10112x128xf32, #tpu.memory_space<hbm>> -> memref<1x10112x128xf32, #tpu.memory_space<hbm>>
      %dma_wait3A_108 = tpu.memref_squeeze %dma_wait3A_107 : memref<1x10112x128xf32, #tpu.memory_space<hbm>> -> memref<10112x128xf32, #tpu.memory_space<hbm>>
      %dma_wait3A_109 = arith.constant 0 : i32
      %dma_wait3A_110 = tpu.memref_slice %dma_wait3A_108[%mul3A_2, %dma_wait3A_109] : memref<10112x128xf32, #tpu.memory_space<hbm>> -> memref<632x128xf32, #tpu.memory_space<hbm>>
      %dma_wait3A_111 = arith.constant 0 : i32
      %dma_wait3A_112 = tpu.memref_slice %arg10[%mul3A_2, %dma_wait3A_111] : memref<10112x128xf32, #tpu.memory_space<vmem_shared>> -> memref<632x128xf32, #tpu.memory_space<vmem_shared>>
      tpu.wait_dma2 semaphore(%run_scoped3A_96 : memref<!tpu.dma_semaphore, #tpu.memory_space<semaphore_mem>>) src(%dma_wait3A_112 : memref<632x128xf32, #tpu.memory_space<vmem_shared>>) dst(%dma_wait3A_110 : memref<632x128xf32, #tpu.memory_space<hbm>>)
      tpu.yield
    }) : () -> ()
    return
  }
}

#map = affine_map<(d0, d1) -> (0, 0)>
#map1 = affine_map<(d0, d1) -> (0, 0, 0)>
module attributes {stable_mosaic.version = 14 : i64} {
  func.func @kern(%arg0: i32, %arg1: i32, %arg2: memref<10000x128xf32, #tpu.memory_space<hbm>>, %arg3: memref<32x10080xi32, #tpu.memory_space<hbm>>, %arg4: memref<32x105x96xi32, #tpu.memory_space<hbm>>, %arg5: memref<2x10112x128xf32, #tpu.memory_space<hbm>>, %arg6: memref<10080xi32, #tpu.memory_space<vmem>>, %arg7: memref<105x96xi32, #tpu.memory_space<vmem>>, %arg8: memref<96x128xf32, #tpu.memory_space<vmem>>, %arg9: memref<96x128xf32, #tpu.memory_space<vmem>>, %arg10: memref<10112x128xf32, #tpu.memory_space<vmem_shared>>, %arg11: memref<!tpu.dma_semaphore, #tpu.memory_space<semaphore_mem>>, %arg12: memref<!tpu.dma_semaphore, #tpu.memory_space<semaphore_mem>>, %arg13: memref<!tpu.dma_semaphore, #tpu.memory_space<semaphore_mem>>, %arg14: memref<!tpu.dma_semaphore, #tpu.memory_space<semaphore_mem>>) attributes {dimension_semantics = [#tpu.dimension_semantics<core_parallel>, #tpu.dimension_semantics<subcore_parallel>], iteration_bounds = array<i64: 2, 16>, scalar_prefetch = 0 : i64, scratch_operands = 9 : i64, tpu.core_type = #tpu.core_type<sc_vector_subcore>, window_params = [{transform_indices = #map}, {transform_indices = #map}, {transform_indices = #map1}, {transform_indices = #map1}]} {
    %mul3A = arith.constant 16 : i32
    %mul3A_0 = arith.muli %arg0, %mul3A : i32
    %add3A = arith.addi %mul3A_0, %arg1 : i32
    %mul3A_1 = arith.constant 632 : i32
    %mul3A_2 = arith.muli %arg1, %mul3A_1 : i32
    "tpu.region"() ({
      %run_scoped3A_96 = tpu.sem_alloc : memref<!tpu.dma_semaphore, #tpu.memory_space<semaphore_mem>>
      %dma_start3A_97 = arith.constant 0 : i32
      %dma_start3A_98 = tpu.memref_slice %arg3[%add3A, %dma_start3A_97] : memref<32x10080xi32, #tpu.memory_space<hbm>> -> memref<1x10080xi32, #tpu.memory_space<hbm>>
      %dma_start3A_99 = tpu.memref_squeeze %dma_start3A_98 : memref<1x10080xi32, #tpu.memory_space<hbm>> -> memref<10080xi32, #tpu.memory_space<hbm>>
      %dma_start3A_100 = arith.constant 0 : i32
      %dma_start3A_101 = tpu.memref_slice %arg3[%add3A, %dma_start3A_100] : memref<32x10080xi32, #tpu.memory_space<hbm>> -> memref<1x10080xi32, #tpu.memory_space<hbm>>
      %dma_start3A_102 = tpu.memref_squeeze %dma_start3A_101 : memref<1x10080xi32, #tpu.memory_space<hbm>> -> memref<10080xi32, #tpu.memory_space<hbm>>
      tpu.enqueue_dma source(%dma_start3A_102 : memref<10080xi32, #tpu.memory_space<hbm>>) target(%arg6 : memref<10080xi32, #tpu.memory_space<vmem>>) target_semaphore(%run_scoped3A_96 : memref<!tpu.dma_semaphore, #tpu.memory_space<semaphore_mem>>)
      %dma_wait3A_103 = arith.constant 0 : i32
      %dma_wait3A_104 = tpu.memref_slice %arg3[%add3A, %dma_wait3A_103] : memref<32x10080xi32, #tpu.memory_space<hbm>> -> memref<1x10080xi32, #tpu.memory_space<hbm>>
      %dma_wait3A_105 = tpu.memref_squeeze %dma_wait3A_104 : memref<1x10080xi32, #tpu.memory_space<hbm>> -> memref<10080xi32, #tpu.memory_space<hbm>>
      %dma_wait3A_106 = arith.constant 0 : i32
      %dma_wait3A_107 = tpu.memref_slice %arg3[%add3A, %dma_wait3A_106] : memref<32x10080xi32, #tpu.memory_space<hbm>> -> memref<1x10080xi32, #tpu.memory_space<hbm>>
      %dma_wait3A_108 = tpu.memref_squeeze %dma_wait3A_107 : memref<1x10080xi32, #tpu.memory_space<hbm>> -> memref<10080xi32, #tpu.memory_space<hbm>>
      tpu.wait_dma2 semaphore(%run_scoped3A_96 : memref<!tpu.dma_semaphore, #tpu.memory_space<semaphore_mem>>) src(%dma_wait3A_108 : memref<10080xi32, #tpu.memory_space<hbm>>) dst(%arg6 : memref<10080xi32, #tpu.memory_space<vmem>>)
      tpu.yield
    }) : () -> ()
    %dma_start3A = arith.constant 0 : i32
    %dma_start3A_3 = arith.constant 0 : i32
    %dma_start3A_4 = tpu.memref_slice %arg4[%add3A, %dma_start3A, %dma_start3A_3] : memref<32x105x96xi32, #tpu.memory_space<hbm>> -> memref<1x105x96xi32, #tpu.memory_space<hbm>>
    %dma_start3A_5 = tpu.memref_squeeze %dma_start3A_4 : memref<1x105x96xi32, #tpu.memory_space<hbm>> -> memref<105x96xi32, #tpu.memory_space<hbm>>
    %dma_start3A_6 = arith.constant 0 : i32
    %dma_start3A_7 = arith.constant 0 : i32
    %dma_start3A_8 = tpu.memref_slice %arg4[%add3A, %dma_start3A_6, %dma_start3A_7] : memref<32x105x96xi32, #tpu.memory_space<hbm>> -> memref<1x105x96xi32, #tpu.memory_space<hbm>>
    %dma_start3A_9 = tpu.memref_squeeze %dma_start3A_8 : memref<1x105x96xi32, #tpu.memory_space<hbm>> -> memref<105x96xi32, #tpu.memory_space<hbm>>
    tpu.enqueue_dma source(%dma_start3A_9 : memref<105x96xi32, #tpu.memory_space<hbm>>) target(%arg7 : memref<105x96xi32, #tpu.memory_space<vmem>>) target_semaphore(%arg14 : memref<!tpu.dma_semaphore, #tpu.memory_space<semaphore_mem>>)
    %dma_start3A_10 = arith.constant 0 : i32
    %dma_start3A_11 = arith.constant 0 : i32
    %dma_start3A_12 = tpu.memref_slice %arg9[%dma_start3A_10, %dma_start3A_11] : memref<96x128xf32, #tpu.memory_space<vmem>> -> memref<48x128xf32, #tpu.memory_space<vmem>>
    %dma_start3A_13 = arith.constant 0 : i32
    %dma_start3A_14 = tpu.memref_slice %arg6[%dma_start3A_13] : memref<10080xi32, #tpu.memory_space<vmem>> -> memref<48xi32, #tpu.memory_space<vmem>>
    %dma_start3A_15 = arith.constant 0 : i32
    %dma_start3A_16 = arith.constant 0 : i32
    %dma_start3A_17 = tpu.memref_slice %arg2[%dma_start3A_15, %dma_start3A_16] : memref<10000x128xf32, #tpu.memory_space<hbm>> -> memref<10000x128xf32, #tpu.memory_space<hbm>>
    tpu.enqueue_indirect_dma source(%dma_start3A_17 : memref<10000x128xf32, #tpu.memory_space<hbm>>) target(%dma_start3A_12 : memref<48x128xf32, #tpu.memory_space<vmem>>) offsets(%dma_start3A_14 : memref<48xi32, #tpu.memory_space<vmem>>) semaphore(%arg11 : memref<!tpu.dma_semaphore, #tpu.memory_space<semaphore_mem>>)
    %dma_start3A_18 = arith.constant 48 : i32
    %dma_start3A_19 = arith.constant 0 : i32
    %dma_start3A_20 = tpu.memref_slice %arg9[%dma_start3A_18, %dma_start3A_19] : memref<96x128xf32, #tpu.memory_space<vmem>> -> memref<48x128xf32, #tpu.memory_space<vmem>>
    %dma_start3A_21 = arith.constant 48 : i32
    %dma_start3A_22 = tpu.memref_slice %arg6[%dma_start3A_21] : memref<10080xi32, #tpu.memory_space<vmem>> -> memref<48xi32, #tpu.memory_space<vmem>>
    %dma_start3A_23 = arith.constant 0 : i32
    %dma_start3A_24 = arith.constant 0 : i32
    %dma_start3A_25 = tpu.memref_slice %arg2[%dma_start3A_23, %dma_start3A_24] : memref<10000x128xf32, #tpu.memory_space<hbm>> -> memref<10000x128xf32, #tpu.memory_space<hbm>>
    tpu.enqueue_indirect_dma source(%dma_start3A_25 : memref<10000x128xf32, #tpu.memory_space<hbm>>) target(%dma_start3A_20 : memref<48x128xf32, #tpu.memory_space<vmem>>) offsets(%dma_start3A_22 : memref<48xi32, #tpu.memory_space<vmem>>) semaphore(%arg12 : memref<!tpu.dma_semaphore, #tpu.memory_space<semaphore_mem>>)
    %scan3A = arith.constant 0 : i32
    %scan3A_26 = arith.constant 96 : i32
    %scan3A_27 = arith.addi %scan3A, %scan3A_26 : i32
    %scan3A_28 = arith.constant 1 : i32
    scf.for %scan3A_96 = %scan3A to %scan3A_27 step %scan3A_28  : i32 {
      %mul3A_97 = arith.constant 1 : i32
      %mul3A_98 = arith.muli %scan3A_96, %mul3A_97 : i32
      %add3A_99 = arith.constant 0 : i32
      %add3A_100 = arith.addi %add3A_99, %mul3A_98 : i32
      %scan3A_101 = arith.constant 0 : i32
      %scan3A_102 = arith.constant 8 : i32
      %scan3A_103 = arith.addi %scan3A_101, %scan3A_102 : i32
      %scan3A_104 = arith.constant 1 : i32
      scf.for %scan3A_106 = %scan3A_101 to %scan3A_103 step %scan3A_104  : i32 {
        %mul3A_107 = arith.constant 16 : i32
        %mul3A_108 = arith.muli %scan3A_106, %mul3A_107 : i32
        %add3A_109 = arith.constant 0 : i32
        %add3A_110 = arith.addi %add3A_109, %mul3A_108 : i32
        %broadcast_in_dim3A = arith.constant 0.000000e+00 : f32
        %broadcast_in_dim3A_111 = vector.broadcast %broadcast_in_dim3A : f32 to vector<16xf32>
        %swap3A = arith.index_cast %add3A_100 : i32 to index
        %swap3A_112 = arith.index_cast %add3A_110 : i32 to index
        %swap3A_113 = tpu.vector_load %arg8[%swap3A, %swap3A_112] {strides = array<i32>} : memref<96x128xf32, #tpu.memory_space<vmem>>, vector<1x16xf32>,
        %swap3A_114 = vector.shape_cast %swap3A_113 : vector<1x16xf32> to vector<16xf32>
        %swap3A_115 = vector.shape_cast %broadcast_in_dim3A_111 : vector<16xf32> to vector<1x16xf32>
        tpu.vector_store %arg8[%swap3A, %swap3A_112], %swap3A_115 {strides = array<i32>} : memref<96x128xf32, #tpu.memory_space<vmem>>, vector<1x16xf32>,
      }
      %scan3A_105 = arith.constant 8 : i32
    }
    %scan3A_29 = arith.constant 96 : i32
    %scan3A_30 = arith.constant 0 : i32
    %scan3A_31 = arith.constant 6 : i32
    %scan3A_32 = arith.addi %scan3A_30, %scan3A_31 : i32
    %scan3A_33 = arith.constant 1 : i32
    scf.for %scan3A_96 = %scan3A_30 to %scan3A_32 step %scan3A_33  : i32 {
      %mul3A_97 = arith.constant 96 : i32
      %mul3A_98 = arith.muli %scan3A_96, %mul3A_97 : i32
      %add3A_99 = arith.constant 0 : i32
      %add3A_100 = arith.addi %add3A_99, %mul3A_98 : i32
      %add3A_101 = arith.addi %mul3A_2, %add3A_100 : i32
      %dma_start3A_102 = arith.constant 0 : i32
      %dma_start3A_103 = tpu.memref_slice %arg10[%add3A_101, %dma_start3A_102] : memref<10112x128xf32, #tpu.memory_space<vmem_shared>> -> memref<96x128xf32, #tpu.memory_space<vmem_shared>>
      %dma_start3A_104 = arith.constant 0 : i32
      %dma_start3A_105 = tpu.memref_slice %arg10[%add3A_101, %dma_start3A_104] : memref<10112x128xf32, #tpu.memory_space<vmem_shared>> -> memref<96x128xf32, #tpu.memory_space<vmem_shared>>
      tpu.enqueue_dma source(%arg8 : memref<96x128xf32, #tpu.memory_space<vmem>>) target(%dma_start3A_105 : memref<96x128xf32, #tpu.memory_space<vmem_shared>>) target_semaphore(%arg13 : memref<!tpu.dma_semaphore, #tpu.memory_space<semaphore_mem>>)
    }
    %scan3A_34 = arith.constant 6 : i32
    %add3A_35 = arith.constant 632 : i32
    %add3A_36 = arith.addi %mul3A_2, %add3A_35 : i32
    %sub3A = arith.constant 56 : i32
    %sub3A_37 = arith.subi %add3A_36, %sub3A : i32
    %dma_start3A_38 = arith.constant 0 : i32
    %dma_start3A_39 = arith.constant 0 : i32
    %dma_start3A_40 = tpu.memref_slice %arg8[%dma_start3A_38, %dma_start3A_39] : memref<96x128xf32, #tpu.memory_space<vmem>> -> memref<56x128xf32, #tpu.memory_space<vmem>>
    %dma_start3A_41 = arith.constant 0 : i32
    %dma_start3A_42 = tpu.memref_slice %arg10[%sub3A_37, %dma_start3A_41] : memref<10112x128xf32, #tpu.memory_space<vmem_shared>> -> memref<56x128xf32, #tpu.memory_space<vmem_shared>>
    %dma_start3A_43 = arith.constant 0 : i32
    %dma_start3A_44 = tpu.memref_slice %arg10[%sub3A_37, %dma_start3A_43] : memref<10112x128xf32, #tpu.memory_space<vmem_shared>> -> memref<56x128xf32, #tpu.memory_space<vmem_shared>>
    %dma_start3A_45 = arith.constant 0 : i32
    %dma_start3A_46 = arith.constant 0 : i32
    %dma_start3A_47 = tpu.memref_slice %arg8[%dma_start3A_45, %dma_start3A_46] : memref<96x128xf32, #tpu.memory_space<vmem>> -> memref<56x128xf32, #tpu.memory_space<vmem>>
    tpu.enqueue_dma source(%dma_start3A_47 : memref<56x128xf32, #tpu.memory_space<vmem>>) target(%dma_start3A_44 : memref<56x128xf32, #tpu.memory_space<vmem_shared>>) target_semaphore(%arg13 : memref<!tpu.dma_semaphore, #tpu.memory_space<semaphore_mem>>)
    %scan3A_48 = arith.constant 0 : i32
    %scan3A_49 = arith.constant 6 : i32
    %scan3A_50 = arith.addi %scan3A_48, %scan3A_49 : i32
    %scan3A_51 = arith.constant 1 : i32
    scf.for %scan3A_96 = %scan3A_48 to %scan3A_50 step %scan3A_51  : i32 {
      %mul3A_97 = arith.constant 96 : i32
      %mul3A_98 = arith.muli %scan3A_96, %mul3A_97 : i32
      %add3A_99 = arith.constant 0 : i32
      %add3A_100 = arith.addi %add3A_99, %mul3A_98 : i32
      %add3A_101 = arith.addi %mul3A_2, %add3A_100 : i32
      %dma_wait3A_102 = arith.constant 0 : i32
      %dma_wait3A_103 = tpu.memref_slice %arg10[%add3A_101, %dma_wait3A_102] : memref<10112x128xf32, #tpu.memory_space<vmem_shared>> -> memref<96x128xf32, #tpu.memory_space<vmem_shared>>
      %dma_wait3A_104 = arith.constant 0 : i32
      %dma_wait3A_105 = tpu.memref_slice %arg10[%add3A_101, %dma_wait3A_104] : memref<10112x128xf32, #tpu.memory_space<vmem_shared>> -> memref<96x128xf32, #tpu.memory_space<vmem_shared>>
      tpu.wait_dma2 semaphore(%arg13 : memref<!tpu.dma_semaphore, #tpu.memory_space<semaphore_mem>>) src(%arg8 : memref<96x128xf32, #tpu.memory_space<vmem>>) dst(%dma_wait3A_105 : memref<96x128xf32, #tpu.memory_space<vmem_shared>>)
    }
    %scan3A_52 = arith.constant 6 : i32
    %add3A_53 = arith.constant 632 : i32
    %add3A_54 = arith.addi %mul3A_2, %add3A_53 : i32
    %sub3A_55 = arith.constant 56 : i32
    %sub3A_56 = arith.subi %add3A_54, %sub3A_55 : i32
    %dma_wait3A = arith.constant 0 : i32
    %dma_wait3A_57 = arith.constant 0 : i32
    %dma_wait3A_58 = tpu.memref_slice %arg8[%dma_wait3A, %dma_wait3A_57] : memref<96x128xf32, #tpu.memory_space<vmem>> -> memref<56x128xf32, #tpu.memory_space<vmem>>
    %dma_wait3A_59 = arith.constant 0 : i32
    %dma_wait3A_60 = tpu.memref_slice %arg10[%sub3A_56, %dma_wait3A_59] : memref<10112x128xf32, #tpu.memory_space<vmem_shared>> -> memref<56x128xf32, #tpu.memory_space<vmem_shared>>
    %dma_wait3A_61 = arith.constant 0 : i32
    %dma_wait3A_62 = tpu.memref_slice %arg10[%sub3A_56, %dma_wait3A_61] : memref<10112x128xf32, #tpu.memory_space<vmem_shared>> -> memref<56x128xf32, #tpu.memory_space<vmem_shared>>
    %dma_wait3A_63 = arith.constant 0 : i32
    %dma_wait3A_64 = arith.constant 0 : i32
    %dma_wait3A_65 = tpu.memref_slice %arg8[%dma_wait3A_63, %dma_wait3A_64] : memref<96x128xf32, #tpu.memory_space<vmem>> -> memref<56x128xf32, #tpu.memory_space<vmem>>
    tpu.wait_dma2 semaphore(%arg13 : memref<!tpu.dma_semaphore, #tpu.memory_space<semaphore_mem>>) src(%dma_wait3A_65 : memref<56x128xf32, #tpu.memory_space<vmem>>) dst(%dma_wait3A_62 : memref<56x128xf32, #tpu.memory_space<vmem_shared>>)
    %dma_wait3A_66 = arith.constant 0 : i32
    %dma_wait3A_67 = arith.constant 0 : i32
    %dma_wait3A_68 = tpu.memref_slice %arg4[%add3A, %dma_wait3A_66, %dma_wait3A_67] : memref<32x105x96xi32, #tpu.memory_space<hbm>> -> memref<1x105x96xi32, #tpu.memory_space<hbm>>
    %dma_wait3A_69 = tpu.memref_squeeze %dma_wait3A_68 : memref<1x105x96xi32, #tpu.memory_space<hbm>> -> memref<105x96xi32, #tpu.memory_space<hbm>>
    %dma_wait3A_70 = arith.constant 0 : i32
    %dma_wait3A_71 = arith.constant 0 : i32
    %dma_wait3A_72 = tpu.memref_slice %arg4[%add3A, %dma_wait3A_70, %dma_wait3A_71] : memref<32x105x96xi32, #tpu.memory_space<hbm>> -> memref<1x105x96xi32, #tpu.memory_space<hbm>>
    %dma_wait3A_73 = tpu.memref_squeeze %dma_wait3A_72 : memref<1x105x96xi32, #tpu.memory_space<hbm>> -> memref<105x96xi32, #tpu.memory_space<hbm>>
    tpu.wait_dma2 semaphore(%arg14 : memref<!tpu.dma_semaphore, #tpu.memory_space<semaphore_mem>>) src(%dma_wait3A_73 : memref<105x96xi32, #tpu.memory_space<hbm>>) dst(%arg7 : memref<105x96xi32, #tpu.memory_space<vmem>>)
    %barrier3A = arith.constant 0 : index
    tpu.barrier barrier_id(%barrier3A)
    %scan3A_74 = arith.constant 0 : i32
    %scan3A_75 = arith.constant 52 : i32
    %scan3A_76 = arith.addi %scan3A_74, %scan3A_75 : i32
    %scan3A_77 = arith.constant 1 : i32
    scf.for %scan3A_96 = %scan3A_74 to %scan3A_76 step %scan3A_77  : i32 {
      %mul3A_97 = arith.constant 2 : i32
      %mul3A_98 = arith.muli %scan3A_96, %mul3A_97 : i32
      %add3A_99 = arith.constant 0 : i32
      %add3A_100 = arith.addi %add3A_99, %mul3A_98 : i32
      %add3A_101 = arith.constant 1 : i32
      %add3A_102 = arith.addi %add3A_100, %add3A_101 : i32
      %mul3A_103 = arith.constant 96 : i32
      %mul3A_104 = arith.muli %add3A_102, %mul3A_103 : i32
      %dma_start3A_105 = arith.constant 0 : i32
      %dma_start3A_106 = arith.constant 0 : i32
      %dma_start3A_107 = tpu.memref_slice %arg8[%dma_start3A_105, %dma_start3A_106] : memref<96x128xf32, #tpu.memory_space<vmem>> -> memref<48x128xf32, #tpu.memory_space<vmem>>
      %dma_start3A_108 = tpu.memref_slice %arg6[%mul3A_104] : memref<10080xi32, #tpu.memory_space<vmem>> -> memref<48xi32, #tpu.memory_space<vmem>>
      %dma_start3A_109 = arith.constant 0 : i32
      %dma_start3A_110 = arith.constant 0 : i32
      %dma_start3A_111 = tpu.memref_slice %arg2[%dma_start3A_109, %dma_start3A_110] : memref<10000x128xf32, #tpu.memory_space<hbm>> -> memref<10000x128xf32, #tpu.memory_space<hbm>>
      tpu.enqueue_indirect_dma source(%dma_start3A_111 : memref<10000x128xf32, #tpu.memory_space<hbm>>) target(%dma_start3A_107 : memref<48x128xf32, #tpu.memory_space<vmem>>) offsets(%dma_start3A_108 : memref<48xi32, #tpu.memory_space<vmem>>) semaphore(%arg13 : memref<!tpu.dma_semaphore, #tpu.memory_space<semaphore_mem>>)
      %mul3A_112 = arith.constant 96 : i32
      %mul3A_113 = arith.muli %add3A_102, %mul3A_112 : i32
      %add3A_114 = arith.constant 48 : i32
      %add3A_115 = arith.addi %mul3A_113, %add3A_114 : i32
      %dma_start3A_116 = arith.constant 48 : i32
      %dma_start3A_117 = arith.constant 0 : i32
      %dma_start3A_118 = tpu.memref_slice %arg8[%dma_start3A_116, %dma_start3A_117] : memref<96x128xf32, #tpu.memory_space<vmem>> -> memref<48x128xf32, #tpu.memory_space<vmem>>
      %dma_start3A_119 = tpu.memref_slice %arg6[%add3A_115] : memref<10080xi32, #tpu.memory_space<vmem>> -> memref<48xi32, #tpu.memory_space<vmem>>
      %dma_start3A_120 = arith.constant 0 : i32
      %dma_start3A_121 = arith.constant 0 : i32
      %dma_start3A_122 = tpu.memref_slice %arg2[%dma_start3A_120, %dma_start3A_121] : memref<10000x128xf32, #tpu.memory_space<hbm>> -> memref<10000x128xf32, #tpu.memory_space<hbm>>
      tpu.enqueue_indirect_dma source(%dma_start3A_122 : memref<10000x128xf32, #tpu.memory_space<hbm>>) target(%dma_start3A_118 : memref<48x128xf32, #tpu.memory_space<vmem>>) offsets(%dma_start3A_119 : memref<48xi32, #tpu.memory_space<vmem>>) semaphore(%arg14 : memref<!tpu.dma_semaphore, #tpu.memory_space<semaphore_mem>>)
      %dma_wait3A_123 = arith.constant 0 : i32
      %dma_wait3A_124 = arith.constant 0 : i32
      %dma_wait3A_125 = tpu.memref_slice %arg9[%dma_wait3A_123, %dma_wait3A_124] : memref<96x128xf32, #tpu.memory_space<vmem>> -> memref<48x128xf32, #tpu.memory_space<vmem>>
      %dma_wait3A_126 = arith.constant 0 : i32
      %dma_wait3A_127 = tpu.memref_slice %arg6[%dma_wait3A_126] : memref<10080xi32, #tpu.memory_space<vmem>> -> memref<48xi32, #tpu.memory_space<vmem>>
      %dma_wait3A_128 = arith.constant 0 : i32
      %dma_wait3A_129 = arith.constant 0 : i32
      %dma_wait3A_130 = tpu.memref_slice %arg2[%dma_wait3A_128, %dma_wait3A_129] : memref<10000x128xf32, #tpu.memory_space<hbm>> -> memref<10000x128xf32, #tpu.memory_space<hbm>>
      tpu.wait_indirect_dma semaphore(%arg11 : memref<!tpu.dma_semaphore, #tpu.memory_space<semaphore_mem>>) src(%dma_wait3A_130 : memref<10000x128xf32, #tpu.memory_space<hbm>>) dst(%dma_wait3A_125 : memref<48x128xf32, #tpu.memory_space<vmem>>)
      %dma_wait3A_131 = arith.constant 48 : i32
      %dma_wait3A_132 = arith.constant 0 : i32
      %dma_wait3A_133 = tpu.memref_slice %arg9[%dma_wait3A_131, %dma_wait3A_132] : memref<96x128xf32, #tpu.memory_space<vmem>> -> memref<48x128xf32, #tpu.memory_space<vmem>>
      %dma_wait3A_134 = arith.constant 0 : i32
      %dma_wait3A_135 = tpu.memref_slice %arg6[%dma_wait3A_134] : memref<10080xi32, #tpu.memory_space<vmem>> -> memref<48xi32, #tpu.memory_space<vmem>>
      %dma_wait3A_136 = arith.constant 0 : i32
      %dma_wait3A_137 = arith.constant 0 : i32
      %dma_wait3A_138 = tpu.memref_slice %arg2[%dma_wait3A_136, %dma_wait3A_137] : memref<10000x128xf32, #tpu.memory_space<hbm>> -> memref<10000x128xf32, #tpu.memory_space<hbm>>
      tpu.wait_indirect_dma semaphore(%arg12 : memref<!tpu.dma_semaphore, #tpu.memory_space<semaphore_mem>>) src(%dma_wait3A_138 : memref<10000x128xf32, #tpu.memory_space<hbm>>) dst(%dma_wait3A_133 : memref<48x128xf32, #tpu.memory_space<vmem>>)
      "tpu.region"() ({
        %run_scoped3A_179 = tpu.sem_alloc : memref<!tpu.dma_semaphore, #tpu.memory_space<semaphore_mem>>
        %dma_start3A_180 = arith.constant 0 : i32
        %dma_start3A_181 = tpu.memref_slice %arg7[%add3A_100, %dma_start3A_180] : memref<105x96xi32, #tpu.memory_space<vmem>> -> memref<1x96xi32, #tpu.memory_space<vmem>>
        %dma_start3A_182 = tpu.memref_squeeze %dma_start3A_181 : memref<1x96xi32, #tpu.memory_space<vmem>> -> memref<96xi32, #tpu.memory_space<vmem>>
        %dma_start3A_183 = arith.constant 0 : i32
        %dma_start3A_184 = arith.constant 0 : i32
        %dma_start3A_185 = tpu.memref_slice %arg10[%dma_start3A_183, %dma_start3A_184] : memref<10112x128xf32, #tpu.memory_space<vmem_shared>> -> memref<10112x128xf32, #tpu.memory_space<vmem_shared>>
        tpu.enqueue_indirect_dma source(%arg9 : memref<96x128xf32, #tpu.memory_space<vmem>>) target(%dma_start3A_185 : memref<10112x128xf32, #tpu.memory_space<vmem_shared>>) offsets(%dma_start3A_182 : memref<96xi32, #tpu.memory_space<vmem>>) semaphore(%run_scoped3A_179 : memref<!tpu.dma_semaphore, #tpu.memory_space<semaphore_mem>>) {add = true}
        %dma_wait3A_186 = arith.constant 0 : i32
        %dma_wait3A_187 = tpu.memref_slice %arg7[%add3A_100, %dma_wait3A_186] : memref<105x96xi32, #tpu.memory_space<vmem>> -> memref<1x96xi32, #tpu.memory_space<vmem>>
        %dma_wait3A_188 = tpu.memref_squeeze %dma_wait3A_187 : memref<1x96xi32, #tpu.memory_space<vmem>> -> memref<96xi32, #tpu.memory_space<vmem>>
        %dma_wait3A_189 = arith.constant 0 : i32
        %dma_wait3A_190 = arith.constant 0 : i32
        %dma_wait3A_191 = tpu.memref_slice %arg10[%dma_wait3A_189, %dma_wait3A_190] : memref<10112x128xf32, #tpu.memory_space<vmem_shared>> -> memref<10112x128xf32, #tpu.memory_space<vmem_shared>>
        tpu.wait_indirect_dma semaphore(%run_scoped3A_179 : memref<!tpu.dma_semaphore, #tpu.memory_space<semaphore_mem>>) src(%arg9 : memref<96x128xf32, #tpu.memory_space<vmem>>) dst(%dma_wait3A_191 : memref<10112x128xf32, #tpu.memory_space<vmem_shared>>)
        tpu.yield
      }) : () -> ()
      %add3A_139 = arith.constant 2 : i32
      %add3A_140 = arith.addi %add3A_100, %add3A_139 : i32
      %mul3A_141 = arith.constant 96 : i32
      %mul3A_142 = arith.muli %add3A_140, %mul3A_141 : i32
      %dma_start3A_143 = arith.constant 0 : i32
      %dma_start3A_144 = arith.constant 0 : i32
      %dma_start3A_145 = tpu.memref_slice %arg9[%dma_start3A_143, %dma_start3A_144] : memref<96x128xf32, #tpu.memory_space<vmem>> -> memref<48x128xf32, #tpu.memory_space<vmem>>
      %dma_start3A_146 = tpu.memref_slice %arg6[%mul3A_142] : memref<10080xi32, #tpu.memory_space<vmem>> -> memref<48xi32, #tpu.memory_space<vmem>>
      %dma_start3A_147 = arith.constant 0 : i32
      %dma_start3A_148 = arith.constant 0 : i32
      %dma_start3A_149 = tpu.memref_slice %arg2[%dma_start3A_147, %dma_start3A_148] : memref<10000x128xf32, #tpu.memory_space<hbm>> -> memref<10000x128xf32, #tpu.memory_space<hbm>>
      tpu.enqueue_indirect_dma source(%dma_start3A_149 : memref<10000x128xf32, #tpu.memory_space<hbm>>) target(%dma_start3A_145 : memref<48x128xf32, #tpu.memory_space<vmem>>) offsets(%dma_start3A_146 : memref<48xi32, #tpu.memory_space<vmem>>) semaphore(%arg11 : memref<!tpu.dma_semaphore, #tpu.memory_space<semaphore_mem>>)
      %mul3A_150 = arith.constant 96 : i32
      %mul3A_151 = arith.muli %add3A_140, %mul3A_150 : i32
      %add3A_152 = arith.constant 48 : i32
      %add3A_153 = arith.addi %mul3A_151, %add3A_152 : i32
      %dma_start3A_154 = arith.constant 48 : i32
      %dma_start3A_155 = arith.constant 0 : i32
      %dma_start3A_156 = tpu.memref_slice %arg9[%dma_start3A_154, %dma_start3A_155] : memref<96x128xf32, #tpu.memory_space<vmem>> -> memref<48x128xf32, #tpu.memory_space<vmem>>
      %dma_start3A_157 = tpu.memref_slice %arg6[%add3A_153] : memref<10080xi32, #tpu.memory_space<vmem>> -> memref<48xi32, #tpu.memory_space<vmem>>
      %dma_start3A_158 = arith.constant 0 : i32
      %dma_start3A_159 = arith.constant 0 : i32
      %dma_start3A_160 = tpu.memref_slice %arg2[%dma_start3A_158, %dma_start3A_159] : memref<10000x128xf32, #tpu.memory_space<hbm>> -> memref<10000x128xf32, #tpu.memory_space<hbm>>
      tpu.enqueue_indirect_dma source(%dma_start3A_160 : memref<10000x128xf32, #tpu.memory_space<hbm>>) target(%dma_start3A_156 : memref<48x128xf32, #tpu.memory_space<vmem>>) offsets(%dma_start3A_157 : memref<48xi32, #tpu.memory_space<vmem>>) semaphore(%arg12 : memref<!tpu.dma_semaphore, #tpu.memory_space<semaphore_mem>>)
      %dma_wait3A_161 = arith.constant 0 : i32
      %dma_wait3A_162 = arith.constant 0 : i32
      %dma_wait3A_163 = tpu.memref_slice %arg8[%dma_wait3A_161, %dma_wait3A_162] : memref<96x128xf32, #tpu.memory_space<vmem>> -> memref<48x128xf32, #tpu.memory_space<vmem>>
      %dma_wait3A_164 = arith.constant 0 : i32
      %dma_wait3A_165 = tpu.memref_slice %arg6[%dma_wait3A_164] : memref<10080xi32, #tpu.memory_space<vmem>> -> memref<48xi32, #tpu.memory_space<vmem>>
      %dma_wait3A_166 = arith.constant 0 : i32
      %dma_wait3A_167 = arith.constant 0 : i32
      %dma_wait3A_168 = tpu.memref_slice %arg2[%dma_wait3A_166, %dma_wait3A_167] : memref<10000x128xf32, #tpu.memory_space<hbm>> -> memref<10000x128xf32, #tpu.memory_space<hbm>>
      tpu.wait_indirect_dma semaphore(%arg13 : memref<!tpu.dma_semaphore, #tpu.memory_space<semaphore_mem>>) src(%dma_wait3A_168 : memref<10000x128xf32, #tpu.memory_space<hbm>>) dst(%dma_wait3A_163 : memref<48x128xf32, #tpu.memory_space<vmem>>)
      %dma_wait3A_169 = arith.constant 48 : i32
      %dma_wait3A_170 = arith.constant 0 : i32
      %dma_wait3A_171 = tpu.memref_slice %arg8[%dma_wait3A_169, %dma_wait3A_170] : memref<96x128xf32, #tpu.memory_space<vmem>> -> memref<48x128xf32, #tpu.memory_space<vmem>>
      %dma_wait3A_172 = arith.constant 0 : i32
      %dma_wait3A_173 = tpu.memref_slice %arg6[%dma_wait3A_172] : memref<10080xi32, #tpu.memory_space<vmem>> -> memref<48xi32, #tpu.memory_space<vmem>>
      %dma_wait3A_174 = arith.constant 0 : i32
      %dma_wait3A_175 = arith.constant 0 : i32
      %dma_wait3A_176 = tpu.memref_slice %arg2[%dma_wait3A_174, %dma_wait3A_175] : memref<10000x128xf32, #tpu.memory_space<hbm>> -> memref<10000x128xf32, #tpu.memory_space<hbm>>
      tpu.wait_indirect_dma semaphore(%arg14 : memref<!tpu.dma_semaphore, #tpu.memory_space<semaphore_mem>>) src(%dma_wait3A_176 : memref<10000x128xf32, #tpu.memory_space<hbm>>) dst(%dma_wait3A_171 : memref<48x128xf32, #tpu.memory_space<vmem>>)
      %add3A_177 = arith.constant 1 : i32
      %add3A_178 = arith.addi %add3A_100, %add3A_177 : i32
      "tpu.region"() ({
        %run_scoped3A_179 = tpu.sem_alloc : memref<!tpu.dma_semaphore, #tpu.memory_space<semaphore_mem>>
        %dma_start3A_180 = arith.constant 0 : i32
        %dma_start3A_181 = tpu.memref_slice %arg7[%add3A_178, %dma_start3A_180] : memref<105x96xi32, #tpu.memory_space<vmem>> -> memref<1x96xi32, #tpu.memory_space<vmem>>
        %dma_start3A_182 = tpu.memref_squeeze %dma_start3A_181 : memref<1x96xi32, #tpu.memory_space<vmem>> -> memref<96xi32, #tpu.memory_space<vmem>>
        %dma_start3A_183 = arith.constant 0 : i32
        %dma_start3A_184 = arith.constant 0 : i32
        %dma_start3A_185 = tpu.memref_slice %arg10[%dma_start3A_183, %dma_start3A_184] : memref<10112x128xf32, #tpu.memory_space<vmem_shared>> -> memref<10112x128xf32, #tpu.memory_space<vmem_shared>>
        tpu.enqueue_indirect_dma source(%arg8 : memref<96x128xf32, #tpu.memory_space<vmem>>) target(%dma_start3A_185 : memref<10112x128xf32, #tpu.memory_space<vmem_shared>>) offsets(%dma_start3A_182 : memref<96xi32, #tpu.memory_space<vmem>>) semaphore(%run_scoped3A_179 : memref<!tpu.dma_semaphore, #tpu.memory_space<semaphore_mem>>) {add = true}
        %dma_wait3A_186 = arith.constant 0 : i32
        %dma_wait3A_187 = tpu.memref_slice %arg7[%add3A_178, %dma_wait3A_186] : memref<105x96xi32, #tpu.memory_space<vmem>> -> memref<1x96xi32, #tpu.memory_space<vmem>>
        %dma_wait3A_188 = tpu.memref_squeeze %dma_wait3A_187 : memref<1x96xi32, #tpu.memory_space<vmem>> -> memref<96xi32, #tpu.memory_space<vmem>>
        %dma_wait3A_189 = arith.constant 0 : i32
        %dma_wait3A_190 = arith.constant 0 : i32
        %dma_wait3A_191 = tpu.memref_slice %arg10[%dma_wait3A_189, %dma_wait3A_190] : memref<10112x128xf32, #tpu.memory_space<vmem_shared>> -> memref<10112x128xf32, #tpu.memory_space<vmem_shared>>
        tpu.wait_indirect_dma semaphore(%run_scoped3A_179 : memref<!tpu.dma_semaphore, #tpu.memory_space<semaphore_mem>>) src(%arg8 : memref<96x128xf32, #tpu.memory_space<vmem>>) dst(%dma_wait3A_191 : memref<10112x128xf32, #tpu.memory_space<vmem_shared>>)
        tpu.yield
      }) : () -> ()
    }
    %scan3A_78 = arith.constant 52 : i32
    %dma_wait3A_79 = arith.constant 0 : i32
    %dma_wait3A_80 = arith.constant 0 : i32
    %dma_wait3A_81 = tpu.memref_slice %arg9[%dma_wait3A_79, %dma_wait3A_80] : memref<96x128xf32, #tpu.memory_space<vmem>> -> memref<48x128xf32, #tpu.memory_space<vmem>>
    %dma_wait3A_82 = arith.constant 0 : i32
    %dma_wait3A_83 = tpu.memref_slice %arg6[%dma_wait3A_82] : memref<10080xi32, #tpu.memory_space<vmem>> -> memref<48xi32, #tpu.memory_space<vmem>>
    %dma_wait3A_84 = arith.constant 0 : i32
    %dma_wait3A_85 = arith.constant 0 : i32
    %dma_wait3A_86 = tpu.memref_slice %arg2[%dma_wait3A_84, %dma_wait3A_85] : memref<10000x128xf32, #tpu.memory_space<hbm>> -> memref<10000x128xf32, #tpu.memory_space<hbm>>
    tpu.wait_indirect_dma semaphore(%arg11 : memref<!tpu.dma_semaphore, #tpu.memory_space<semaphore_mem>>) src(%dma_wait3A_86 : memref<10000x128xf32, #tpu.memory_space<hbm>>) dst(%dma_wait3A_81 : memref<48x128xf32, #tpu.memory_space<vmem>>)
    %dma_wait3A_87 = arith.constant 48 : i32
    %dma_wait3A_88 = arith.constant 0 : i32
    %dma_wait3A_89 = tpu.memref_slice %arg9[%dma_wait3A_87, %dma_wait3A_88] : memref<96x128xf32, #tpu.memory_space<vmem>> -> memref<48x128xf32, #tpu.memory_space<vmem>>
    %dma_wait3A_90 = arith.constant 0 : i32
    %dma_wait3A_91 = tpu.memref_slice %arg6[%dma_wait3A_90] : memref<10080xi32, #tpu.memory_space<vmem>> -> memref<48xi32, #tpu.memory_space<vmem>>
    %dma_wait3A_92 = arith.constant 0 : i32
    %dma_wait3A_93 = arith.constant 0 : i32
    %dma_wait3A_94 = tpu.memref_slice %arg2[%dma_wait3A_92, %dma_wait3A_93] : memref<10000x128xf32, #tpu.memory_space<hbm>> -> memref<10000x128xf32, #tpu.memory_space<hbm>>
    tpu.wait_indirect_dma semaphore(%arg12 : memref<!tpu.dma_semaphore, #tpu.memory_space<semaphore_mem>>) src(%dma_wait3A_94 : memref<10000x128xf32, #tpu.memory_space<hbm>>) dst(%dma_wait3A_89 : memref<48x128xf32, #tpu.memory_space<vmem>>)
    %run_scoped3A = arith.constant 104 : i32
    "tpu.region"() ({
      %run_scoped3A_96 = tpu.sem_alloc : memref<!tpu.dma_semaphore, #tpu.memory_space<semaphore_mem>>
      %dma_start3A_97 = arith.constant 0 : i32
      %dma_start3A_98 = tpu.memref_slice %arg7[%run_scoped3A, %dma_start3A_97] : memref<105x96xi32, #tpu.memory_space<vmem>> -> memref<1x96xi32, #tpu.memory_space<vmem>>
      %dma_start3A_99 = tpu.memref_squeeze %dma_start3A_98 : memref<1x96xi32, #tpu.memory_space<vmem>> -> memref<96xi32, #tpu.memory_space<vmem>>
      %dma_start3A_100 = arith.constant 0 : i32
      %dma_start3A_101 = arith.constant 0 : i32
      %dma_start3A_102 = tpu.memref_slice %arg10[%dma_start3A_100, %dma_start3A_101] : memref<10112x128xf32, #tpu.memory_space<vmem_shared>> -> memref<10112x128xf32, #tpu.memory_space<vmem_shared>>
      tpu.enqueue_indirect_dma source(%arg9 : memref<96x128xf32, #tpu.memory_space<vmem>>) target(%dma_start3A_102 : memref<10112x128xf32, #tpu.memory_space<vmem_shared>>) offsets(%dma_start3A_99 : memref<96xi32, #tpu.memory_space<vmem>>) semaphore(%run_scoped3A_96 : memref<!tpu.dma_semaphore, #tpu.memory_space<semaphore_mem>>) {add = true}
      %dma_wait3A_103 = arith.constant 0 : i32
      %dma_wait3A_104 = tpu.memref_slice %arg7[%run_scoped3A, %dma_wait3A_103] : memref<105x96xi32, #tpu.memory_space<vmem>> -> memref<1x96xi32, #tpu.memory_space<vmem>>
      %dma_wait3A_105 = tpu.memref_squeeze %dma_wait3A_104 : memref<1x96xi32, #tpu.memory_space<vmem>> -> memref<96xi32, #tpu.memory_space<vmem>>
      %dma_wait3A_106 = arith.constant 0 : i32
      %dma_wait3A_107 = arith.constant 0 : i32
      %dma_wait3A_108 = tpu.memref_slice %arg10[%dma_wait3A_106, %dma_wait3A_107] : memref<10112x128xf32, #tpu.memory_space<vmem_shared>> -> memref<10112x128xf32, #tpu.memory_space<vmem_shared>>
      tpu.wait_indirect_dma semaphore(%run_scoped3A_96 : memref<!tpu.dma_semaphore, #tpu.memory_space<semaphore_mem>>) src(%arg9 : memref<96x128xf32, #tpu.memory_space<vmem>>) dst(%dma_wait3A_108 : memref<10112x128xf32, #tpu.memory_space<vmem_shared>>)
      tpu.yield
    }) : () -> ()
    %barrier3A_95 = arith.constant 0 : index
    tpu.barrier barrier_id(%barrier3A_95)
    "tpu.region"() ({
      %run_scoped3A_96 = tpu.sem_alloc : memref<!tpu.dma_semaphore, #tpu.memory_space<semaphore_mem>>
      %dma_start3A_97 = arith.constant 0 : i32
      %dma_start3A_98 = arith.constant 0 : i32
      %dma_start3A_99 = tpu.memref_slice %arg5[%arg0, %dma_start3A_97, %dma_start3A_98] : memref<2x10112x128xf32, #tpu.memory_space<hbm>> -> memref<1x10112x128xf32, #tpu.memory_space<hbm>>
      %dma_start3A_100 = tpu.memref_squeeze %dma_start3A_99 : memref<1x10112x128xf32, #tpu.memory_space<hbm>> -> memref<10112x128xf32, #tpu.memory_space<hbm>>
      %dma_start3A_101 = arith.constant 0 : i32
      %dma_start3A_102 = tpu.memref_slice %dma_start3A_100[%mul3A_2, %dma_start3A_101] : memref<10112x128xf32, #tpu.memory_space<hbm>> -> memref<632x128xf32, #tpu.memory_space<hbm>>
      %dma_start3A_103 = arith.constant 0 : i32
      %dma_start3A_104 = tpu.memref_slice %arg10[%mul3A_2, %dma_start3A_103] : memref<10112x128xf32, #tpu.memory_space<vmem_shared>> -> memref<632x128xf32, #tpu.memory_space<vmem_shared>>
      tpu.enqueue_dma source(%dma_start3A_104 : memref<632x128xf32, #tpu.memory_space<vmem_shared>>) target(%dma_start3A_102 : memref<632x128xf32, #tpu.memory_space<hbm>>) target_semaphore(%run_scoped3A_96 : memref<!tpu.dma_semaphore, #tpu.memory_space<semaphore_mem>>)
      %dma_wait3A_105 = arith.constant 0 : i32
      %dma_wait3A_106 = arith.constant 0 : i32
      %dma_wait3A_107 = tpu.memref_slice %arg5[%arg0, %dma_wait3A_105, %dma_wait3A_106] : memref<2x10112x128xf32, #tpu.memory_space<hbm>> -> memref<1x10112x128xf32, #tpu.memory_space<hbm>>
      %dma_wait3A_108 = tpu.memref_squeeze %dma_wait3A_107 : memref<1x10112x128xf32, #tpu.memory_space<hbm>> -> memref<10112x128xf32, #tpu.memory_space<hbm>>
      %dma_wait3A_109 = arith.constant 0 : i32
      %dma_wait3A_110 = tpu.memref_slice %dma_wait3A_108[%mul3A_2, %dma_wait3A_109] : memref<10112x128xf32, #tpu.memory_space<hbm>> -> memref<632x128xf32, #tpu.memory_space<hbm>>
      %dma_wait3A_111 = arith.constant 0 : i32
      %dma_wait3A_112 = tpu.memref_slice %arg10[%mul3A_2, %dma_wait3A_111] : memref<10112x128xf32, #tpu.memory_space<vmem_shared>> -> memref<632x128xf32, #tpu.memory_space<vmem_shared>>
      tpu.wait_dma2 semaphore(%run_scoped3A_96 : memref<!tpu.dma_semaphore, #tpu.memory_space<semaphore_mem>>) src(%dma_wait3A_112 : memref<632x128xf32, #tpu.memory_space<vmem_shared>>) dst(%dma_wait3A_110 : memref<632x128xf32, #tpu.memory_space<hbm>>)
      tpu.yield
    }) : () -> ()
    return
  }
}

#map = affine_map<(d0, d1) -> (0, 0)>
#map1 = affine_map<(d0, d1) -> (0, 0, 0)>
module attributes {stable_mosaic.version = 14 : i64} {
  func.func @kern(%arg0: i32, %arg1: i32, %arg2: memref<10000x128xf32, #tpu.memory_space<hbm>>, %arg3: memref<32x10080xi32, #tpu.memory_space<hbm>>, %arg4: memref<32x105x96xi32, #tpu.memory_space<hbm>>, %arg5: memref<2x10112x128xf32, #tpu.memory_space<hbm>>, %arg6: memref<10080xi32, #tpu.memory_space<vmem>>, %arg7: memref<105x96xi32, #tpu.memory_space<vmem>>, %arg8: memref<96x128xf32, #tpu.memory_space<vmem>>, %arg9: memref<96x128xf32, #tpu.memory_space<vmem>>, %arg10: memref<10112x128xf32, #tpu.memory_space<vmem_shared>>, %arg11: memref<!tpu.dma_semaphore, #tpu.memory_space<semaphore_mem>>, %arg12: memref<!tpu.dma_semaphore, #tpu.memory_space<semaphore_mem>>, %arg13: memref<!tpu.dma_semaphore, #tpu.memory_space<semaphore_mem>>, %arg14: memref<!tpu.dma_semaphore, #tpu.memory_space<semaphore_mem>>) attributes {dimension_semantics = [#tpu.dimension_semantics<core_parallel>, #tpu.dimension_semantics<subcore_parallel>], iteration_bounds = array<i64: 2, 16>, scalar_prefetch = 0 : i64, scratch_operands = 9 : i64, tpu.core_type = #tpu.core_type<sc_vector_subcore>, window_params = [{transform_indices = #map}, {transform_indices = #map}, {transform_indices = #map1}, {transform_indices = #map1}]} {
    %mul3A = arith.constant 16 : i32
    %mul3A_0 = arith.muli %arg0, %mul3A : i32
    %add3A = arith.addi %mul3A_0, %arg1 : i32
    %mul3A_1 = arith.constant 632 : i32
    %mul3A_2 = arith.muli %arg1, %mul3A_1 : i32
    "tpu.region"() ({
      %run_scoped3A_96 = tpu.sem_alloc : memref<!tpu.dma_semaphore, #tpu.memory_space<semaphore_mem>>
      %dma_start3A_97 = arith.constant 0 : i32
      %dma_start3A_98 = tpu.memref_slice %arg3[%add3A, %dma_start3A_97] : memref<32x10080xi32, #tpu.memory_space<hbm>> -> memref<1x10080xi32, #tpu.memory_space<hbm>>
      %dma_start3A_99 = tpu.memref_squeeze %dma_start3A_98 : memref<1x10080xi32, #tpu.memory_space<hbm>> -> memref<10080xi32, #tpu.memory_space<hbm>>
      %dma_start3A_100 = arith.constant 0 : i32
      %dma_start3A_101 = tpu.memref_slice %arg3[%add3A, %dma_start3A_100] : memref<32x10080xi32, #tpu.memory_space<hbm>> -> memref<1x10080xi32, #tpu.memory_space<hbm>>
      %dma_start3A_102 = tpu.memref_squeeze %dma_start3A_101 : memref<1x10080xi32, #tpu.memory_space<hbm>> -> memref<10080xi32, #tpu.memory_space<hbm>>
      tpu.enqueue_dma source(%dma_start3A_102 : memref<10080xi32, #tpu.memory_space<hbm>>) target(%arg6 : memref<10080xi32, #tpu.memory_space<vmem>>) target_semaphore(%run_scoped3A_96 : memref<!tpu.dma_semaphore, #tpu.memory_space<semaphore_mem>>)
      %dma_wait3A_103 = arith.constant 0 : i32
      %dma_wait3A_104 = tpu.memref_slice %arg3[%add3A, %dma_wait3A_103] : memref<32x10080xi32, #tpu.memory_space<hbm>> -> memref<1x10080xi32, #tpu.memory_space<hbm>>
      %dma_wait3A_105 = tpu.memref_squeeze %dma_wait3A_104 : memref<1x10080xi32, #tpu.memory_space<hbm>> -> memref<10080xi32, #tpu.memory_space<hbm>>
      %dma_wait3A_106 = arith.constant 0 : i32
      %dma_wait3A_107 = tpu.memref_slice %arg3[%add3A, %dma_wait3A_106] : memref<32x10080xi32, #tpu.memory_space<hbm>> -> memref<1x10080xi32, #tpu.memory_space<hbm>>
      %dma_wait3A_108 = tpu.memref_squeeze %dma_wait3A_107 : memref<1x10080xi32, #tpu.memory_space<hbm>> -> memref<10080xi32, #tpu.memory_space<hbm>>
      tpu.wait_dma2 semaphore(%run_scoped3A_96 : memref<!tpu.dma_semaphore, #tpu.memory_space<semaphore_mem>>) src(%dma_wait3A_108 : memref<10080xi32, #tpu.memory_space<hbm>>) dst(%arg6 : memref<10080xi32, #tpu.memory_space<vmem>>)
      tpu.yield
    }) : () -> ()
    %dma_start3A = arith.constant 0 : i32
    %dma_start3A_3 = arith.constant 0 : i32
    %dma_start3A_4 = tpu.memref_slice %arg4[%add3A, %dma_start3A, %dma_start3A_3] : memref<32x105x96xi32, #tpu.memory_space<hbm>> -> memref<1x105x96xi32, #tpu.memory_space<hbm>>
    %dma_start3A_5 = tpu.memref_squeeze %dma_start3A_4 : memref<1x105x96xi32, #tpu.memory_space<hbm>> -> memref<105x96xi32, #tpu.memory_space<hbm>>
    %dma_start3A_6 = arith.constant 0 : i32
    %dma_start3A_7 = arith.constant 0 : i32
    %dma_start3A_8 = tpu.memref_slice %arg4[%add3A, %dma_start3A_6, %dma_start3A_7] : memref<32x105x96xi32, #tpu.memory_space<hbm>> -> memref<1x105x96xi32, #tpu.memory_space<hbm>>
    %dma_start3A_9 = tpu.memref_squeeze %dma_start3A_8 : memref<1x105x96xi32, #tpu.memory_space<hbm>> -> memref<105x96xi32, #tpu.memory_space<hbm>>
    tpu.enqueue_dma source(%dma_start3A_9 : memref<105x96xi32, #tpu.memory_space<hbm>>) target(%arg7 : memref<105x96xi32, #tpu.memory_space<vmem>>) target_semaphore(%arg14 : memref<!tpu.dma_semaphore, #tpu.memory_space<semaphore_mem>>)
    %dma_start3A_10 = arith.constant 0 : i32
    %dma_start3A_11 = arith.constant 0 : i32
    %dma_start3A_12 = tpu.memref_slice %arg9[%dma_start3A_10, %dma_start3A_11] : memref<96x128xf32, #tpu.memory_space<vmem>> -> memref<48x128xf32, #tpu.memory_space<vmem>>
    %dma_start3A_13 = arith.constant 0 : i32
    %dma_start3A_14 = tpu.memref_slice %arg6[%dma_start3A_13] : memref<10080xi32, #tpu.memory_space<vmem>> -> memref<48xi32, #tpu.memory_space<vmem>>
    %dma_start3A_15 = arith.constant 0 : i32
    %dma_start3A_16 = arith.constant 0 : i32
    %dma_start3A_17 = tpu.memref_slice %arg2[%dma_start3A_15, %dma_start3A_16] : memref<10000x128xf32, #tpu.memory_space<hbm>> -> memref<10000x128xf32, #tpu.memory_space<hbm>>
    tpu.enqueue_indirect_dma source(%dma_start3A_17 : memref<10000x128xf32, #tpu.memory_space<hbm>>) target(%dma_start3A_12 : memref<48x128xf32, #tpu.memory_space<vmem>>) offsets(%dma_start3A_14 : memref<48xi32, #tpu.memory_space<vmem>>) semaphore(%arg11 : memref<!tpu.dma_semaphore, #tpu.memory_space<semaphore_mem>>)
    %dma_start3A_18 = arith.constant 48 : i32
    %dma_start3A_19 = arith.constant 0 : i32
    %dma_start3A_20 = tpu.memref_slice %arg9[%dma_start3A_18, %dma_start3A_19] : memref<96x128xf32, #tpu.memory_space<vmem>> -> memref<48x128xf32, #tpu.memory_space<vmem>>
    %dma_start3A_21 = arith.constant 48 : i32
    %dma_start3A_22 = tpu.memref_slice %arg6[%dma_start3A_21] : memref<10080xi32, #tpu.memory_space<vmem>> -> memref<48xi32, #tpu.memory_space<vmem>>
    %dma_start3A_23 = arith.constant 0 : i32
    %dma_start3A_24 = arith.constant 0 : i32
    %dma_start3A_25 = tpu.memref_slice %arg2[%dma_start3A_23, %dma_start3A_24] : memref<10000x128xf32, #tpu.memory_space<hbm>> -> memref<10000x128xf32, #tpu.memory_space<hbm>>
    tpu.enqueue_indirect_dma source(%dma_start3A_25 : memref<10000x128xf32, #tpu.memory_space<hbm>>) target(%dma_start3A_20 : memref<48x128xf32, #tpu.memory_space<vmem>>) offsets(%dma_start3A_22 : memref<48xi32, #tpu.memory_space<vmem>>) semaphore(%arg12 : memref<!tpu.dma_semaphore, #tpu.memory_space<semaphore_mem>>)
    %scan3A = arith.constant 0 : i32
    %scan3A_26 = arith.constant 96 : i32
    %scan3A_27 = arith.addi %scan3A, %scan3A_26 : i32
    %scan3A_28 = arith.constant 1 : i32
    scf.for %scan3A_96 = %scan3A to %scan3A_27 step %scan3A_28  : i32 {
      %mul3A_97 = arith.constant 1 : i32
      %mul3A_98 = arith.muli %scan3A_96, %mul3A_97 : i32
      %add3A_99 = arith.constant 0 : i32
      %add3A_100 = arith.addi %add3A_99, %mul3A_98 : i32
      %scan3A_101 = arith.constant 0 : i32
      %scan3A_102 = arith.constant 8 : i32
      %scan3A_103 = arith.addi %scan3A_101, %scan3A_102 : i32
      %scan3A_104 = arith.constant 1 : i32
      scf.for %scan3A_106 = %scan3A_101 to %scan3A_103 step %scan3A_104  : i32 {
        %mul3A_107 = arith.constant 16 : i32
        %mul3A_108 = arith.muli %scan3A_106, %mul3A_107 : i32
        %add3A_109 = arith.constant 0 : i32
        %add3A_110 = arith.addi %add3A_109, %mul3A_108 : i32
        %broadcast_in_dim3A = arith.constant 0.000000e+00 : f32
        %broadcast_in_dim3A_111 = vector.broadcast %broadcast_in_dim3A : f32 to vector<16xf32>
        %swap3A = arith.index_cast %add3A_100 : i32 to index
        %swap3A_112 = arith.index_cast %add3A_110 : i32 to index
        %swap3A_113 = tpu.vector_load %arg8[%swap3A, %swap3A_112] {strides = array<i32>} : memref<96x128xf32, #tpu.memory_space<vmem>>, vector<1x16xf32>,
        %swap3A_114 = vector.shape_cast %swap3A_113 : vector<1x16xf32> to vector<16xf32>
        %swap3A_115 = vector.shape_cast %broadcast_in_dim3A_111 : vector<16xf32> to vector<1x16xf32>
        tpu.vector_store %arg8[%swap3A, %swap3A_112], %swap3A_115 {strides = array<i32>} : memref<96x128xf32, #tpu.memory_space<vmem>>, vector<1x16xf32>,
      }
      %scan3A_105 = arith.constant 8 : i32
    }
    %scan3A_29 = arith.constant 96 : i32
    %scan3A_30 = arith.constant 0 : i32
    %scan3A_31 = arith.constant 6 : i32
    %scan3A_32 = arith.addi %scan3A_30, %scan3A_31 : i32
    %scan3A_33 = arith.constant 1 : i32
    scf.for %scan3A_96 = %scan3A_30 to %scan3A_32 step %scan3A_33  : i32 {
      %mul3A_97 = arith.constant 96 : i32
      %mul3A_98 = arith.muli %scan3A_96, %mul3A_97 : i32
      %add3A_99 = arith.constant 0 : i32
      %add3A_100 = arith.addi %add3A_99, %mul3A_98 : i32
      %add3A_101 = arith.addi %mul3A_2, %add3A_100 : i32
      %dma_start3A_102 = arith.constant 0 : i32
      %dma_start3A_103 = tpu.memref_slice %arg10[%add3A_101, %dma_start3A_102] : memref<10112x128xf32, #tpu.memory_space<vmem_shared>> -> memref<96x128xf32, #tpu.memory_space<vmem_shared>>
      %dma_start3A_104 = arith.constant 0 : i32
      %dma_start3A_105 = tpu.memref_slice %arg10[%add3A_101, %dma_start3A_104] : memref<10112x128xf32, #tpu.memory_space<vmem_shared>> -> memref<96x128xf32, #tpu.memory_space<vmem_shared>>
      tpu.enqueue_dma source(%arg8 : memref<96x128xf32, #tpu.memory_space<vmem>>) target(%dma_start3A_105 : memref<96x128xf32, #tpu.memory_space<vmem_shared>>) target_semaphore(%arg13 : memref<!tpu.dma_semaphore, #tpu.memory_space<semaphore_mem>>)
    }
    %scan3A_34 = arith.constant 6 : i32
    %add3A_35 = arith.constant 632 : i32
    %add3A_36 = arith.addi %mul3A_2, %add3A_35 : i32
    %sub3A = arith.constant 56 : i32
    %sub3A_37 = arith.subi %add3A_36, %sub3A : i32
    %dma_start3A_38 = arith.constant 0 : i32
    %dma_start3A_39 = arith.constant 0 : i32
    %dma_start3A_40 = tpu.memref_slice %arg8[%dma_start3A_38, %dma_start3A_39] : memref<96x128xf32, #tpu.memory_space<vmem>> -> memref<56x128xf32, #tpu.memory_space<vmem>>
    %dma_start3A_41 = arith.constant 0 : i32
    %dma_start3A_42 = tpu.memref_slice %arg10[%sub3A_37, %dma_start3A_41] : memref<10112x128xf32, #tpu.memory_space<vmem_shared>> -> memref<56x128xf32, #tpu.memory_space<vmem_shared>>
    %dma_start3A_43 = arith.constant 0 : i32
    %dma_start3A_44 = tpu.memref_slice %arg10[%sub3A_37, %dma_start3A_43] : memref<10112x128xf32, #tpu.memory_space<vmem_shared>> -> memref<56x128xf32, #tpu.memory_space<vmem_shared>>
    %dma_start3A_45 = arith.constant 0 : i32
    %dma_start3A_46 = arith.constant 0 : i32
    %dma_start3A_47 = tpu.memref_slice %arg8[%dma_start3A_45, %dma_start3A_46] : memref<96x128xf32, #tpu.memory_space<vmem>> -> memref<56x128xf32, #tpu.memory_space<vmem>>
    tpu.enqueue_dma source(%dma_start3A_47 : memref<56x128xf32, #tpu.memory_space<vmem>>) target(%dma_start3A_44 : memref<56x128xf32, #tpu.memory_space<vmem_shared>>) target_semaphore(%arg13 : memref<!tpu.dma_semaphore, #tpu.memory_space<semaphore_mem>>)
    %scan3A_48 = arith.constant 0 : i32
    %scan3A_49 = arith.constant 6 : i32
    %scan3A_50 = arith.addi %scan3A_48, %scan3A_49 : i32
    %scan3A_51 = arith.constant 1 : i32
    scf.for %scan3A_96 = %scan3A_48 to %scan3A_50 step %scan3A_51  : i32 {
      %mul3A_97 = arith.constant 96 : i32
      %mul3A_98 = arith.muli %scan3A_96, %mul3A_97 : i32
      %add3A_99 = arith.constant 0 : i32
      %add3A_100 = arith.addi %add3A_99, %mul3A_98 : i32
      %add3A_101 = arith.addi %mul3A_2, %add3A_100 : i32
      %dma_wait3A_102 = arith.constant 0 : i32
      %dma_wait3A_103 = tpu.memref_slice %arg10[%add3A_101, %dma_wait3A_102] : memref<10112x128xf32, #tpu.memory_space<vmem_shared>> -> memref<96x128xf32, #tpu.memory_space<vmem_shared>>
      %dma_wait3A_104 = arith.constant 0 : i32
      %dma_wait3A_105 = tpu.memref_slice %arg10[%add3A_101, %dma_wait3A_104] : memref<10112x128xf32, #tpu.memory_space<vmem_shared>> -> memref<96x128xf32, #tpu.memory_space<vmem_shared>>
      tpu.wait_dma2 semaphore(%arg13 : memref<!tpu.dma_semaphore, #tpu.memory_space<semaphore_mem>>) src(%arg8 : memref<96x128xf32, #tpu.memory_space<vmem>>) dst(%dma_wait3A_105 : memref<96x128xf32, #tpu.memory_space<vmem_shared>>)
    }
    %scan3A_52 = arith.constant 6 : i32
    %add3A_53 = arith.constant 632 : i32
    %add3A_54 = arith.addi %mul3A_2, %add3A_53 : i32
    %sub3A_55 = arith.constant 56 : i32
    %sub3A_56 = arith.subi %add3A_54, %sub3A_55 : i32
    %dma_wait3A = arith.constant 0 : i32
    %dma_wait3A_57 = arith.constant 0 : i32
    %dma_wait3A_58 = tpu.memref_slice %arg8[%dma_wait3A, %dma_wait3A_57] : memref<96x128xf32, #tpu.memory_space<vmem>> -> memref<56x128xf32, #tpu.memory_space<vmem>>
    %dma_wait3A_59 = arith.constant 0 : i32
    %dma_wait3A_60 = tpu.memref_slice %arg10[%sub3A_56, %dma_wait3A_59] : memref<10112x128xf32, #tpu.memory_space<vmem_shared>> -> memref<56x128xf32, #tpu.memory_space<vmem_shared>>
    %dma_wait3A_61 = arith.constant 0 : i32
    %dma_wait3A_62 = tpu.memref_slice %arg10[%sub3A_56, %dma_wait3A_61] : memref<10112x128xf32, #tpu.memory_space<vmem_shared>> -> memref<56x128xf32, #tpu.memory_space<vmem_shared>>
    %dma_wait3A_63 = arith.constant 0 : i32
    %dma_wait3A_64 = arith.constant 0 : i32
    %dma_wait3A_65 = tpu.memref_slice %arg8[%dma_wait3A_63, %dma_wait3A_64] : memref<96x128xf32, #tpu.memory_space<vmem>> -> memref<56x128xf32, #tpu.memory_space<vmem>>
    tpu.wait_dma2 semaphore(%arg13 : memref<!tpu.dma_semaphore, #tpu.memory_space<semaphore_mem>>) src(%dma_wait3A_65 : memref<56x128xf32, #tpu.memory_space<vmem>>) dst(%dma_wait3A_62 : memref<56x128xf32, #tpu.memory_space<vmem_shared>>)
    %dma_wait3A_66 = arith.constant 0 : i32
    %dma_wait3A_67 = arith.constant 0 : i32
    %dma_wait3A_68 = tpu.memref_slice %arg4[%add3A, %dma_wait3A_66, %dma_wait3A_67] : memref<32x105x96xi32, #tpu.memory_space<hbm>> -> memref<1x105x96xi32, #tpu.memory_space<hbm>>
    %dma_wait3A_69 = tpu.memref_squeeze %dma_wait3A_68 : memref<1x105x96xi32, #tpu.memory_space<hbm>> -> memref<105x96xi32, #tpu.memory_space<hbm>>
    %dma_wait3A_70 = arith.constant 0 : i32
    %dma_wait3A_71 = arith.constant 0 : i32
    %dma_wait3A_72 = tpu.memref_slice %arg4[%add3A, %dma_wait3A_70, %dma_wait3A_71] : memref<32x105x96xi32, #tpu.memory_space<hbm>> -> memref<1x105x96xi32, #tpu.memory_space<hbm>>
    %dma_wait3A_73 = tpu.memref_squeeze %dma_wait3A_72 : memref<1x105x96xi32, #tpu.memory_space<hbm>> -> memref<105x96xi32, #tpu.memory_space<hbm>>
    tpu.wait_dma2 semaphore(%arg14 : memref<!tpu.dma_semaphore, #tpu.memory_space<semaphore_mem>>) src(%dma_wait3A_73 : memref<105x96xi32, #tpu.memory_space<hbm>>) dst(%arg7 : memref<105x96xi32, #tpu.memory_space<vmem>>)
    %barrier3A = arith.constant 0 : index
    tpu.barrier barrier_id(%barrier3A)
    %scan3A_74 = arith.constant 0 : i32
    %scan3A_75 = arith.constant 52 : i32
    %scan3A_76 = arith.addi %scan3A_74, %scan3A_75 : i32
    %scan3A_77 = arith.constant 1 : i32
    scf.for %scan3A_96 = %scan3A_74 to %scan3A_76 step %scan3A_77  : i32 {
      %mul3A_97 = arith.constant 2 : i32
      %mul3A_98 = arith.muli %scan3A_96, %mul3A_97 : i32
      %add3A_99 = arith.constant 0 : i32
      %add3A_100 = arith.addi %add3A_99, %mul3A_98 : i32
      %add3A_101 = arith.constant 1 : i32
      %add3A_102 = arith.addi %add3A_100, %add3A_101 : i32
      %mul3A_103 = arith.constant 96 : i32
      %mul3A_104 = arith.muli %add3A_102, %mul3A_103 : i32
      %dma_start3A_105 = arith.constant 0 : i32
      %dma_start3A_106 = arith.constant 0 : i32
      %dma_start3A_107 = tpu.memref_slice %arg8[%dma_start3A_105, %dma_start3A_106] : memref<96x128xf32, #tpu.memory_space<vmem>> -> memref<48x128xf32, #tpu.memory_space<vmem>>
      %dma_start3A_108 = tpu.memref_slice %arg6[%mul3A_104] : memref<10080xi32, #tpu.memory_space<vmem>> -> memref<48xi32, #tpu.memory_space<vmem>>
      %dma_start3A_109 = arith.constant 0 : i32
      %dma_start3A_110 = arith.constant 0 : i32
      %dma_start3A_111 = tpu.memref_slice %arg2[%dma_start3A_109, %dma_start3A_110] : memref<10000x128xf32, #tpu.memory_space<hbm>> -> memref<10000x128xf32, #tpu.memory_space<hbm>>
      tpu.enqueue_indirect_dma source(%dma_start3A_111 : memref<10000x128xf32, #tpu.memory_space<hbm>>) target(%dma_start3A_107 : memref<48x128xf32, #tpu.memory_space<vmem>>) offsets(%dma_start3A_108 : memref<48xi32, #tpu.memory_space<vmem>>) semaphore(%arg13 : memref<!tpu.dma_semaphore, #tpu.memory_space<semaphore_mem>>)
      %mul3A_112 = arith.constant 96 : i32
      %mul3A_113 = arith.muli %add3A_102, %mul3A_112 : i32
      %add3A_114 = arith.constant 48 : i32
      %add3A_115 = arith.addi %mul3A_113, %add3A_114 : i32
      %dma_start3A_116 = arith.constant 48 : i32
      %dma_start3A_117 = arith.constant 0 : i32
      %dma_start3A_118 = tpu.memref_slice %arg8[%dma_start3A_116, %dma_start3A_117] : memref<96x128xf32, #tpu.memory_space<vmem>> -> memref<48x128xf32, #tpu.memory_space<vmem>>
      %dma_start3A_119 = tpu.memref_slice %arg6[%add3A_115] : memref<10080xi32, #tpu.memory_space<vmem>> -> memref<48xi32, #tpu.memory_space<vmem>>
      %dma_start3A_120 = arith.constant 0 : i32
      %dma_start3A_121 = arith.constant 0 : i32
      %dma_start3A_122 = tpu.memref_slice %arg2[%dma_start3A_120, %dma_start3A_121] : memref<10000x128xf32, #tpu.memory_space<hbm>> -> memref<10000x128xf32, #tpu.memory_space<hbm>>
      tpu.enqueue_indirect_dma source(%dma_start3A_122 : memref<10000x128xf32, #tpu.memory_space<hbm>>) target(%dma_start3A_118 : memref<48x128xf32, #tpu.memory_space<vmem>>) offsets(%dma_start3A_119 : memref<48xi32, #tpu.memory_space<vmem>>) semaphore(%arg14 : memref<!tpu.dma_semaphore, #tpu.memory_space<semaphore_mem>>)
      %dma_wait3A_123 = arith.constant 0 : i32
      %dma_wait3A_124 = arith.constant 0 : i32
      %dma_wait3A_125 = tpu.memref_slice %arg9[%dma_wait3A_123, %dma_wait3A_124] : memref<96x128xf32, #tpu.memory_space<vmem>> -> memref<48x128xf32, #tpu.memory_space<vmem>>
      %dma_wait3A_126 = arith.constant 0 : i32
      %dma_wait3A_127 = tpu.memref_slice %arg6[%dma_wait3A_126] : memref<10080xi32, #tpu.memory_space<vmem>> -> memref<48xi32, #tpu.memory_space<vmem>>
      %dma_wait3A_128 = arith.constant 0 : i32
      %dma_wait3A_129 = arith.constant 0 : i32
      %dma_wait3A_130 = tpu.memref_slice %arg2[%dma_wait3A_128, %dma_wait3A_129] : memref<10000x128xf32, #tpu.memory_space<hbm>> -> memref<10000x128xf32, #tpu.memory_space<hbm>>
      tpu.wait_indirect_dma semaphore(%arg11 : memref<!tpu.dma_semaphore, #tpu.memory_space<semaphore_mem>>) src(%dma_wait3A_130 : memref<10000x128xf32, #tpu.memory_space<hbm>>) dst(%dma_wait3A_125 : memref<48x128xf32, #tpu.memory_space<vmem>>)
      %dma_wait3A_131 = arith.constant 48 : i32
      %dma_wait3A_132 = arith.constant 0 : i32
      %dma_wait3A_133 = tpu.memref_slice %arg9[%dma_wait3A_131, %dma_wait3A_132] : memref<96x128xf32, #tpu.memory_space<vmem>> -> memref<48x128xf32, #tpu.memory_space<vmem>>
      %dma_wait3A_134 = arith.constant 0 : i32
      %dma_wait3A_135 = tpu.memref_slice %arg6[%dma_wait3A_134] : memref<10080xi32, #tpu.memory_space<vmem>> -> memref<48xi32, #tpu.memory_space<vmem>>
      %dma_wait3A_136 = arith.constant 0 : i32
      %dma_wait3A_137 = arith.constant 0 : i32
      %dma_wait3A_138 = tpu.memref_slice %arg2[%dma_wait3A_136, %dma_wait3A_137] : memref<10000x128xf32, #tpu.memory_space<hbm>> -> memref<10000x128xf32, #tpu.memory_space<hbm>>
      tpu.wait_indirect_dma semaphore(%arg12 : memref<!tpu.dma_semaphore, #tpu.memory_space<semaphore_mem>>) src(%dma_wait3A_138 : memref<10000x128xf32, #tpu.memory_space<hbm>>) dst(%dma_wait3A_133 : memref<48x128xf32, #tpu.memory_space<vmem>>)
      "tpu.region"() ({
        %run_scoped3A_179 = tpu.sem_alloc : memref<!tpu.dma_semaphore, #tpu.memory_space<semaphore_mem>>
        %dma_start3A_180 = arith.constant 0 : i32
        %dma_start3A_181 = tpu.memref_slice %arg7[%add3A_100, %dma_start3A_180] : memref<105x96xi32, #tpu.memory_space<vmem>> -> memref<1x96xi32, #tpu.memory_space<vmem>>
        %dma_start3A_182 = tpu.memref_squeeze %dma_start3A_181 : memref<1x96xi32, #tpu.memory_space<vmem>> -> memref<96xi32, #tpu.memory_space<vmem>>
        %dma_start3A_183 = arith.constant 0 : i32
        %dma_start3A_184 = arith.constant 0 : i32
        %dma_start3A_185 = tpu.memref_slice %arg10[%dma_start3A_183, %dma_start3A_184] : memref<10112x128xf32, #tpu.memory_space<vmem_shared>> -> memref<10112x128xf32, #tpu.memory_space<vmem_shared>>
        tpu.enqueue_indirect_dma source(%arg9 : memref<96x128xf32, #tpu.memory_space<vmem>>) target(%dma_start3A_185 : memref<10112x128xf32, #tpu.memory_space<vmem_shared>>) offsets(%dma_start3A_182 : memref<96xi32, #tpu.memory_space<vmem>>) semaphore(%run_scoped3A_179 : memref<!tpu.dma_semaphore, #tpu.memory_space<semaphore_mem>>) {add = true}
        %dma_wait3A_186 = arith.constant 0 : i32
        %dma_wait3A_187 = tpu.memref_slice %arg7[%add3A_100, %dma_wait3A_186] : memref<105x96xi32, #tpu.memory_space<vmem>> -> memref<1x96xi32, #tpu.memory_space<vmem>>
        %dma_wait3A_188 = tpu.memref_squeeze %dma_wait3A_187 : memref<1x96xi32, #tpu.memory_space<vmem>> -> memref<96xi32, #tpu.memory_space<vmem>>
        %dma_wait3A_189 = arith.constant 0 : i32
        %dma_wait3A_190 = arith.constant 0 : i32
        %dma_wait3A_191 = tpu.memref_slice %arg10[%dma_wait3A_189, %dma_wait3A_190] : memref<10112x128xf32, #tpu.memory_space<vmem_shared>> -> memref<10112x128xf32, #tpu.memory_space<vmem_shared>>
        tpu.wait_indirect_dma semaphore(%run_scoped3A_179 : memref<!tpu.dma_semaphore, #tpu.memory_space<semaphore_mem>>) src(%arg9 : memref<96x128xf32, #tpu.memory_space<vmem>>) dst(%dma_wait3A_191 : memref<10112x128xf32, #tpu.memory_space<vmem_shared>>)
        tpu.yield
      }) : () -> ()
      %add3A_139 = arith.constant 2 : i32
      %add3A_140 = arith.addi %add3A_100, %add3A_139 : i32
      %mul3A_141 = arith.constant 96 : i32
      %mul3A_142 = arith.muli %add3A_140, %mul3A_141 : i32
      %dma_start3A_143 = arith.constant 0 : i32
      %dma_start3A_144 = arith.constant 0 : i32
      %dma_start3A_145 = tpu.memref_slice %arg9[%dma_start3A_143, %dma_start3A_144] : memref<96x128xf32, #tpu.memory_space<vmem>> -> memref<48x128xf32, #tpu.memory_space<vmem>>
      %dma_start3A_146 = tpu.memref_slice %arg6[%mul3A_142] : memref<10080xi32, #tpu.memory_space<vmem>> -> memref<48xi32, #tpu.memory_space<vmem>>
      %dma_start3A_147 = arith.constant 0 : i32
      %dma_start3A_148 = arith.constant 0 : i32
      %dma_start3A_149 = tpu.memref_slice %arg2[%dma_start3A_147, %dma_start3A_148] : memref<10000x128xf32, #tpu.memory_space<hbm>> -> memref<10000x128xf32, #tpu.memory_space<hbm>>
      tpu.enqueue_indirect_dma source(%dma_start3A_149 : memref<10000x128xf32, #tpu.memory_space<hbm>>) target(%dma_start3A_145 : memref<48x128xf32, #tpu.memory_space<vmem>>) offsets(%dma_start3A_146 : memref<48xi32, #tpu.memory_space<vmem>>) semaphore(%arg11 : memref<!tpu.dma_semaphore, #tpu.memory_space<semaphore_mem>>)
      %mul3A_150 = arith.constant 96 : i32
      %mul3A_151 = arith.muli %add3A_140, %mul3A_150 : i32
      %add3A_152 = arith.constant 48 : i32
      %add3A_153 = arith.addi %mul3A_151, %add3A_152 : i32
      %dma_start3A_154 = arith.constant 48 : i32
      %dma_start3A_155 = arith.constant 0 : i32
      %dma_start3A_156 = tpu.memref_slice %arg9[%dma_start3A_154, %dma_start3A_155] : memref<96x128xf32, #tpu.memory_space<vmem>> -> memref<48x128xf32, #tpu.memory_space<vmem>>
      %dma_start3A_157 = tpu.memref_slice %arg6[%add3A_153] : memref<10080xi32, #tpu.memory_space<vmem>> -> memref<48xi32, #tpu.memory_space<vmem>>
      %dma_start3A_158 = arith.constant 0 : i32
      %dma_start3A_159 = arith.constant 0 : i32
      %dma_start3A_160 = tpu.memref_slice %arg2[%dma_start3A_158, %dma_start3A_159] : memref<10000x128xf32, #tpu.memory_space<hbm>> -> memref<10000x128xf32, #tpu.memory_space<hbm>>
      tpu.enqueue_indirect_dma source(%dma_start3A_160 : memref<10000x128xf32, #tpu.memory_space<hbm>>) target(%dma_start3A_156 : memref<48x128xf32, #tpu.memory_space<vmem>>) offsets(%dma_start3A_157 : memref<48xi32, #tpu.memory_space<vmem>>) semaphore(%arg12 : memref<!tpu.dma_semaphore, #tpu.memory_space<semaphore_mem>>)
      %dma_wait3A_161 = arith.constant 0 : i32
      %dma_wait3A_162 = arith.constant 0 : i32
      %dma_wait3A_163 = tpu.memref_slice %arg8[%dma_wait3A_161, %dma_wait3A_162] : memref<96x128xf32, #tpu.memory_space<vmem>> -> memref<48x128xf32, #tpu.memory_space<vmem>>
      %dma_wait3A_164 = arith.constant 0 : i32
      %dma_wait3A_165 = tpu.memref_slice %arg6[%dma_wait3A_164] : memref<10080xi32, #tpu.memory_space<vmem>> -> memref<48xi32, #tpu.memory_space<vmem>>
      %dma_wait3A_166 = arith.constant 0 : i32
      %dma_wait3A_167 = arith.constant 0 : i32
      %dma_wait3A_168 = tpu.memref_slice %arg2[%dma_wait3A_166, %dma_wait3A_167] : memref<10000x128xf32, #tpu.memory_space<hbm>> -> memref<10000x128xf32, #tpu.memory_space<hbm>>
      tpu.wait_indirect_dma semaphore(%arg13 : memref<!tpu.dma_semaphore, #tpu.memory_space<semaphore_mem>>) src(%dma_wait3A_168 : memref<10000x128xf32, #tpu.memory_space<hbm>>) dst(%dma_wait3A_163 : memref<48x128xf32, #tpu.memory_space<vmem>>)
      %dma_wait3A_169 = arith.constant 48 : i32
      %dma_wait3A_170 = arith.constant 0 : i32
      %dma_wait3A_171 = tpu.memref_slice %arg8[%dma_wait3A_169, %dma_wait3A_170] : memref<96x128xf32, #tpu.memory_space<vmem>> -> memref<48x128xf32, #tpu.memory_space<vmem>>
      %dma_wait3A_172 = arith.constant 0 : i32
      %dma_wait3A_173 = tpu.memref_slice %arg6[%dma_wait3A_172] : memref<10080xi32, #tpu.memory_space<vmem>> -> memref<48xi32, #tpu.memory_space<vmem>>
      %dma_wait3A_174 = arith.constant 0 : i32
      %dma_wait3A_175 = arith.constant 0 : i32
      %dma_wait3A_176 = tpu.memref_slice %arg2[%dma_wait3A_174, %dma_wait3A_175] : memref<10000x128xf32, #tpu.memory_space<hbm>> -> memref<10000x128xf32, #tpu.memory_space<hbm>>
      tpu.wait_indirect_dma semaphore(%arg14 : memref<!tpu.dma_semaphore, #tpu.memory_space<semaphore_mem>>) src(%dma_wait3A_176 : memref<10000x128xf32, #tpu.memory_space<hbm>>) dst(%dma_wait3A_171 : memref<48x128xf32, #tpu.memory_space<vmem>>)
      %add3A_177 = arith.constant 1 : i32
      %add3A_178 = arith.addi %add3A_100, %add3A_177 : i32
      "tpu.region"() ({
        %run_scoped3A_179 = tpu.sem_alloc : memref<!tpu.dma_semaphore, #tpu.memory_space<semaphore_mem>>
        %dma_start3A_180 = arith.constant 0 : i32
        %dma_start3A_181 = tpu.memref_slice %arg7[%add3A_178, %dma_start3A_180] : memref<105x96xi32, #tpu.memory_space<vmem>> -> memref<1x96xi32, #tpu.memory_space<vmem>>
        %dma_start3A_182 = tpu.memref_squeeze %dma_start3A_181 : memref<1x96xi32, #tpu.memory_space<vmem>> -> memref<96xi32, #tpu.memory_space<vmem>>
        %dma_start3A_183 = arith.constant 0 : i32
        %dma_start3A_184 = arith.constant 0 : i32
        %dma_start3A_185 = tpu.memref_slice %arg10[%dma_start3A_183, %dma_start3A_184] : memref<10112x128xf32, #tpu.memory_space<vmem_shared>> -> memref<10112x128xf32, #tpu.memory_space<vmem_shared>>
        tpu.enqueue_indirect_dma source(%arg8 : memref<96x128xf32, #tpu.memory_space<vmem>>) target(%dma_start3A_185 : memref<10112x128xf32, #tpu.memory_space<vmem_shared>>) offsets(%dma_start3A_182 : memref<96xi32, #tpu.memory_space<vmem>>) semaphore(%run_scoped3A_179 : memref<!tpu.dma_semaphore, #tpu.memory_space<semaphore_mem>>) {add = true}
        %dma_wait3A_186 = arith.constant 0 : i32
        %dma_wait3A_187 = tpu.memref_slice %arg7[%add3A_178, %dma_wait3A_186] : memref<105x96xi32, #tpu.memory_space<vmem>> -> memref<1x96xi32, #tpu.memory_space<vmem>>
        %dma_wait3A_188 = tpu.memref_squeeze %dma_wait3A_187 : memref<1x96xi32, #tpu.memory_space<vmem>> -> memref<96xi32, #tpu.memory_space<vmem>>
        %dma_wait3A_189 = arith.constant 0 : i32
        %dma_wait3A_190 = arith.constant 0 : i32
        %dma_wait3A_191 = tpu.memref_slice %arg10[%dma_wait3A_189, %dma_wait3A_190] : memref<10112x128xf32, #tpu.memory_space<vmem_shared>> -> memref<10112x128xf32, #tpu.memory_space<vmem_shared>>
        tpu.wait_indirect_dma semaphore(%run_scoped3A_179 : memref<!tpu.dma_semaphore, #tpu.memory_space<semaphore_mem>>) src(%arg8 : memref<96x128xf32, #tpu.memory_space<vmem>>) dst(%dma_wait3A_191 : memref<10112x128xf32, #tpu.memory_space<vmem_shared>>)
        tpu.yield
      }) : () -> ()
    }
    %scan3A_78 = arith.constant 52 : i32
    %dma_wait3A_79 = arith.constant 0 : i32
    %dma_wait3A_80 = arith.constant 0 : i32
    %dma_wait3A_81 = tpu.memref_slice %arg9[%dma_wait3A_79, %dma_wait3A_80] : memref<96x128xf32, #tpu.memory_space<vmem>> -> memref<48x128xf32, #tpu.memory_space<vmem>>
    %dma_wait3A_82 = arith.constant 0 : i32
    %dma_wait3A_83 = tpu.memref_slice %arg6[%dma_wait3A_82] : memref<10080xi32, #tpu.memory_space<vmem>> -> memref<48xi32, #tpu.memory_space<vmem>>
    %dma_wait3A_84 = arith.constant 0 : i32
    %dma_wait3A_85 = arith.constant 0 : i32
    %dma_wait3A_86 = tpu.memref_slice %arg2[%dma_wait3A_84, %dma_wait3A_85] : memref<10000x128xf32, #tpu.memory_space<hbm>> -> memref<10000x128xf32, #tpu.memory_space<hbm>>
    tpu.wait_indirect_dma semaphore(%arg11 : memref<!tpu.dma_semaphore, #tpu.memory_space<semaphore_mem>>) src(%dma_wait3A_86 : memref<10000x128xf32, #tpu.memory_space<hbm>>) dst(%dma_wait3A_81 : memref<48x128xf32, #tpu.memory_space<vmem>>)
    %dma_wait3A_87 = arith.constant 48 : i32
    %dma_wait3A_88 = arith.constant 0 : i32
    %dma_wait3A_89 = tpu.memref_slice %arg9[%dma_wait3A_87, %dma_wait3A_88] : memref<96x128xf32, #tpu.memory_space<vmem>> -> memref<48x128xf32, #tpu.memory_space<vmem>>
    %dma_wait3A_90 = arith.constant 0 : i32
    %dma_wait3A_91 = tpu.memref_slice %arg6[%dma_wait3A_90] : memref<10080xi32, #tpu.memory_space<vmem>> -> memref<48xi32, #tpu.memory_space<vmem>>
    %dma_wait3A_92 = arith.constant 0 : i32
    %dma_wait3A_93 = arith.constant 0 : i32
    %dma_wait3A_94 = tpu.memref_slice %arg2[%dma_wait3A_92, %dma_wait3A_93] : memref<10000x128xf32, #tpu.memory_space<hbm>> -> memref<10000x128xf32, #tpu.memory_space<hbm>>
    tpu.wait_indirect_dma semaphore(%arg12 : memref<!tpu.dma_semaphore, #tpu.memory_space<semaphore_mem>>) src(%dma_wait3A_94 : memref<10000x128xf32, #tpu.memory_space<hbm>>) dst(%dma_wait3A_89 : memref<48x128xf32, #tpu.memory_space<vmem>>)
    %run_scoped3A = arith.constant 104 : i32
    "tpu.region"() ({
      %run_scoped3A_96 = tpu.sem_alloc : memref<!tpu.dma_semaphore, #tpu.memory_space<semaphore_mem>>
      %dma_start3A_97 = arith.constant 0 : i32
      %dma_start3A_98 = tpu.memref_slice %arg7[%run_scoped3A, %dma_start3A_97] : memref<105x96xi32, #tpu.memory_space<vmem>> -> memref<1x96xi32, #tpu.memory_space<vmem>>
      %dma_start3A_99 = tpu.memref_squeeze %dma_start3A_98 : memref<1x96xi32, #tpu.memory_space<vmem>> -> memref<96xi32, #tpu.memory_space<vmem>>
      %dma_start3A_100 = arith.constant 0 : i32
      %dma_start3A_101 = arith.constant 0 : i32
      %dma_start3A_102 = tpu.memref_slice %arg10[%dma_start3A_100, %dma_start3A_101] : memref<10112x128xf32, #tpu.memory_space<vmem_shared>> -> memref<10112x128xf32, #tpu.memory_space<vmem_shared>>
      tpu.enqueue_indirect_dma source(%arg9 : memref<96x128xf32, #tpu.memory_space<vmem>>) target(%dma_start3A_102 : memref<10112x128xf32, #tpu.memory_space<vmem_shared>>) offsets(%dma_start3A_99 : memref<96xi32, #tpu.memory_space<vmem>>) semaphore(%run_scoped3A_96 : memref<!tpu.dma_semaphore, #tpu.memory_space<semaphore_mem>>) {add = true}
      %dma_wait3A_103 = arith.constant 0 : i32
      %dma_wait3A_104 = tpu.memref_slice %arg7[%run_scoped3A, %dma_wait3A_103] : memref<105x96xi32, #tpu.memory_space<vmem>> -> memref<1x96xi32, #tpu.memory_space<vmem>>
      %dma_wait3A_105 = tpu.memref_squeeze %dma_wait3A_104 : memref<1x96xi32, #tpu.memory_space<vmem>> -> memref<96xi32, #tpu.memory_space<vmem>>
      %dma_wait3A_106 = arith.constant 0 : i32
      %dma_wait3A_107 = arith.constant 0 : i32
      %dma_wait3A_108 = tpu.memref_slice %arg10[%dma_wait3A_106, %dma_wait3A_107] : memref<10112x128xf32, #tpu.memory_space<vmem_shared>> -> memref<10112x128xf32, #tpu.memory_space<vmem_shared>>
      tpu.wait_indirect_dma semaphore(%run_scoped3A_96 : memref<!tpu.dma_semaphore, #tpu.memory_space<semaphore_mem>>) src(%arg9 : memref<96x128xf32, #tpu.memory_space<vmem>>) dst(%dma_wait3A_108 : memref<10112x128xf32, #tpu.memory_space<vmem_shared>>)
      tpu.yield
    }) : () -> ()
    %barrier3A_95 = arith.constant 0 : index
    tpu.barrier barrier_id(%barrier3A_95)
    "tpu.region"() ({
      %run_scoped3A_96 = tpu.sem_alloc : memref<!tpu.dma_semaphore, #tpu.memory_space<semaphore_mem>>
      %dma_start3A_97 = arith.constant 0 : i32
      %dma_start3A_98 = arith.constant 0 : i32
      %dma_start3A_99 = tpu.memref_slice %arg5[%arg0, %dma_start3A_97, %dma_start3A_98] : memref<2x10112x128xf32, #tpu.memory_space<hbm>> -> memref<1x10112x128xf32, #tpu.memory_space<hbm>>
      %dma_start3A_100 = tpu.memref_squeeze %dma_start3A_99 : memref<1x10112x128xf32, #tpu.memory_space<hbm>> -> memref<10112x128xf32, #tpu.memory_space<hbm>>
      %dma_start3A_101 = arith.constant 0 : i32
      %dma_start3A_102 = tpu.memref_slice %dma_start3A_100[%mul3A_2, %dma_start3A_101] : memref<10112x128xf32, #tpu.memory_space<hbm>> -> memref<632x128xf32, #tpu.memory_space<hbm>>
      %dma_start3A_103 = arith.constant 0 : i32
      %dma_start3A_104 = tpu.memref_slice %arg10[%mul3A_2, %dma_start3A_103] : memref<10112x128xf32, #tpu.memory_space<vmem_shared>> -> memref<632x128xf32, #tpu.memory_space<vmem_shared>>
      tpu.enqueue_dma source(%dma_start3A_104 : memref<632x128xf32, #tpu.memory_space<vmem_shared>>) target(%dma_start3A_102 : memref<632x128xf32, #tpu.memory_space<hbm>>) target_semaphore(%run_scoped3A_96 : memref<!tpu.dma_semaphore, #tpu.memory_space<semaphore_mem>>)
      %dma_wait3A_105 = arith.constant 0 : i32
      %dma_wait3A_106 = arith.constant 0 : i32
      %dma_wait3A_107 = tpu.memref_slice %arg5[%arg0, %dma_wait3A_105, %dma_wait3A_106] : memref<2x10112x128xf32, #tpu.memory_space<hbm>> -> memref<1x10112x128xf32, #tpu.memory_space<hbm>>
      %dma_wait3A_108 = tpu.memref_squeeze %dma_wait3A_107 : memref<1x10112x128xf32, #tpu.memory_space<hbm>> -> memref<10112x128xf32, #tpu.memory_space<hbm>>
      %dma_wait3A_109 = arith.constant 0 : i32
      %dma_wait3A_110 = tpu.memref_slice %dma_wait3A_108[%mul3A_2, %dma_wait3A_109] : memref<10112x128xf32, #tpu.memory_space<hbm>> -> memref<632x128xf32, #tpu.memory_space<hbm>>
      %dma_wait3A_111 = arith.constant 0 : i32
      %dma_wait3A_112 = tpu.memref_slice %arg10[%mul3A_2, %dma_wait3A_111] : memref<10112x128xf32, #tpu.memory_space<vmem_shared>> -> memref<632x128xf32, #tpu.memory_space<vmem_shared>>
      tpu.wait_dma2 semaphore(%run_scoped3A_96 : memref<!tpu.dma_semaphore, #tpu.memory_space<semaphore_mem>>) src(%dma_wait3A_112 : memref<632x128xf32, #tpu.memory_space<vmem_shared>>) dst(%dma_wait3A_110 : memref<632x128xf32, #tpu.memory_space<hbm>>)
      tpu.yield
    }) : () -> ()
    return
  }
}

#map = affine_map<(d0, d1) -> (0, 0)>
#map1 = affine_map<(d0, d1) -> (0, 0, 0)>
module attributes {stable_mosaic.version = 14 : i64} {
  func.func @kern(%arg0: i32, %arg1: i32, %arg2: memref<10000x128xf32, #tpu.memory_space<hbm>>, %arg3: memref<32x10080xi32, #tpu.memory_space<hbm>>, %arg4: memref<32x105x96xi32, #tpu.memory_space<hbm>>, %arg5: memref<2x10112x128xf32, #tpu.memory_space<hbm>>, %arg6: memref<10080xi32, #tpu.memory_space<vmem>>, %arg7: memref<105x96xi32, #tpu.memory_space<vmem>>, %arg8: memref<96x128xf32, #tpu.memory_space<vmem>>, %arg9: memref<96x128xf32, #tpu.memory_space<vmem>>, %arg10: memref<10112x128xf32, #tpu.memory_space<vmem_shared>>, %arg11: memref<!tpu.dma_semaphore, #tpu.memory_space<semaphore_mem>>, %arg12: memref<!tpu.dma_semaphore, #tpu.memory_space<semaphore_mem>>, %arg13: memref<!tpu.dma_semaphore, #tpu.memory_space<semaphore_mem>>, %arg14: memref<!tpu.dma_semaphore, #tpu.memory_space<semaphore_mem>>) attributes {dimension_semantics = [#tpu.dimension_semantics<core_parallel>, #tpu.dimension_semantics<subcore_parallel>], iteration_bounds = array<i64: 2, 16>, scalar_prefetch = 0 : i64, scratch_operands = 9 : i64, tpu.core_type = #tpu.core_type<sc_vector_subcore>, window_params = [{transform_indices = #map}, {transform_indices = #map}, {transform_indices = #map1}, {transform_indices = #map1}]} {
    %mul3A = arith.constant 16 : i32
    %mul3A_0 = arith.muli %arg0, %mul3A : i32
    %add3A = arith.addi %mul3A_0, %arg1 : i32
    %mul3A_1 = arith.constant 632 : i32
    %mul3A_2 = arith.muli %arg1, %mul3A_1 : i32
    "tpu.region"() ({
      %run_scoped3A_96 = tpu.sem_alloc : memref<!tpu.dma_semaphore, #tpu.memory_space<semaphore_mem>>
      %dma_start3A_97 = arith.constant 0 : i32
      %dma_start3A_98 = tpu.memref_slice %arg3[%add3A, %dma_start3A_97] : memref<32x10080xi32, #tpu.memory_space<hbm>> -> memref<1x10080xi32, #tpu.memory_space<hbm>>
      %dma_start3A_99 = tpu.memref_squeeze %dma_start3A_98 : memref<1x10080xi32, #tpu.memory_space<hbm>> -> memref<10080xi32, #tpu.memory_space<hbm>>
      %dma_start3A_100 = arith.constant 0 : i32
      %dma_start3A_101 = tpu.memref_slice %arg3[%add3A, %dma_start3A_100] : memref<32x10080xi32, #tpu.memory_space<hbm>> -> memref<1x10080xi32, #tpu.memory_space<hbm>>
      %dma_start3A_102 = tpu.memref_squeeze %dma_start3A_101 : memref<1x10080xi32, #tpu.memory_space<hbm>> -> memref<10080xi32, #tpu.memory_space<hbm>>
      tpu.enqueue_dma source(%dma_start3A_102 : memref<10080xi32, #tpu.memory_space<hbm>>) target(%arg6 : memref<10080xi32, #tpu.memory_space<vmem>>) target_semaphore(%run_scoped3A_96 : memref<!tpu.dma_semaphore, #tpu.memory_space<semaphore_mem>>)
      %dma_wait3A_103 = arith.constant 0 : i32
      %dma_wait3A_104 = tpu.memref_slice %arg3[%add3A, %dma_wait3A_103] : memref<32x10080xi32, #tpu.memory_space<hbm>> -> memref<1x10080xi32, #tpu.memory_space<hbm>>
      %dma_wait3A_105 = tpu.memref_squeeze %dma_wait3A_104 : memref<1x10080xi32, #tpu.memory_space<hbm>> -> memref<10080xi32, #tpu.memory_space<hbm>>
      %dma_wait3A_106 = arith.constant 0 : i32
      %dma_wait3A_107 = tpu.memref_slice %arg3[%add3A, %dma_wait3A_106] : memref<32x10080xi32, #tpu.memory_space<hbm>> -> memref<1x10080xi32, #tpu.memory_space<hbm>>
      %dma_wait3A_108 = tpu.memref_squeeze %dma_wait3A_107 : memref<1x10080xi32, #tpu.memory_space<hbm>> -> memref<10080xi32, #tpu.memory_space<hbm>>
      tpu.wait_dma2 semaphore(%run_scoped3A_96 : memref<!tpu.dma_semaphore, #tpu.memory_space<semaphore_mem>>) src(%dma_wait3A_108 : memref<10080xi32, #tpu.memory_space<hbm>>) dst(%arg6 : memref<10080xi32, #tpu.memory_space<vmem>>)
      tpu.yield
    }) : () -> ()
    %dma_start3A = arith.constant 0 : i32
    %dma_start3A_3 = arith.constant 0 : i32
    %dma_start3A_4 = tpu.memref_slice %arg4[%add3A, %dma_start3A, %dma_start3A_3] : memref<32x105x96xi32, #tpu.memory_space<hbm>> -> memref<1x105x96xi32, #tpu.memory_space<hbm>>
    %dma_start3A_5 = tpu.memref_squeeze %dma_start3A_4 : memref<1x105x96xi32, #tpu.memory_space<hbm>> -> memref<105x96xi32, #tpu.memory_space<hbm>>
    %dma_start3A_6 = arith.constant 0 : i32
    %dma_start3A_7 = arith.constant 0 : i32
    %dma_start3A_8 = tpu.memref_slice %arg4[%add3A, %dma_start3A_6, %dma_start3A_7] : memref<32x105x96xi32, #tpu.memory_space<hbm>> -> memref<1x105x96xi32, #tpu.memory_space<hbm>>
    %dma_start3A_9 = tpu.memref_squeeze %dma_start3A_8 : memref<1x105x96xi32, #tpu.memory_space<hbm>> -> memref<105x96xi32, #tpu.memory_space<hbm>>
    tpu.enqueue_dma source(%dma_start3A_9 : memref<105x96xi32, #tpu.memory_space<hbm>>) target(%arg7 : memref<105x96xi32, #tpu.memory_space<vmem>>) target_semaphore(%arg14 : memref<!tpu.dma_semaphore, #tpu.memory_space<semaphore_mem>>)
    %dma_start3A_10 = arith.constant 0 : i32
    %dma_start3A_11 = arith.constant 0 : i32
    %dma_start3A_12 = tpu.memref_slice %arg9[%dma_start3A_10, %dma_start3A_11] : memref<96x128xf32, #tpu.memory_space<vmem>> -> memref<48x128xf32, #tpu.memory_space<vmem>>
    %dma_start3A_13 = arith.constant 0 : i32
    %dma_start3A_14 = tpu.memref_slice %arg6[%dma_start3A_13] : memref<10080xi32, #tpu.memory_space<vmem>> -> memref<48xi32, #tpu.memory_space<vmem>>
    %dma_start3A_15 = arith.constant 0 : i32
    %dma_start3A_16 = arith.constant 0 : i32
    %dma_start3A_17 = tpu.memref_slice %arg2[%dma_start3A_15, %dma_start3A_16] : memref<10000x128xf32, #tpu.memory_space<hbm>> -> memref<10000x128xf32, #tpu.memory_space<hbm>>
    tpu.enqueue_indirect_dma source(%dma_start3A_17 : memref<10000x128xf32, #tpu.memory_space<hbm>>) target(%dma_start3A_12 : memref<48x128xf32, #tpu.memory_space<vmem>>) offsets(%dma_start3A_14 : memref<48xi32, #tpu.memory_space<vmem>>) semaphore(%arg11 : memref<!tpu.dma_semaphore, #tpu.memory_space<semaphore_mem>>)
    %dma_start3A_18 = arith.constant 48 : i32
    %dma_start3A_19 = arith.constant 0 : i32
    %dma_start3A_20 = tpu.memref_slice %arg9[%dma_start3A_18, %dma_start3A_19] : memref<96x128xf32, #tpu.memory_space<vmem>> -> memref<48x128xf32, #tpu.memory_space<vmem>>
    %dma_start3A_21 = arith.constant 48 : i32
    %dma_start3A_22 = tpu.memref_slice %arg6[%dma_start3A_21] : memref<10080xi32, #tpu.memory_space<vmem>> -> memref<48xi32, #tpu.memory_space<vmem>>
    %dma_start3A_23 = arith.constant 0 : i32
    %dma_start3A_24 = arith.constant 0 : i32
    %dma_start3A_25 = tpu.memref_slice %arg2[%dma_start3A_23, %dma_start3A_24] : memref<10000x128xf32, #tpu.memory_space<hbm>> -> memref<10000x128xf32, #tpu.memory_space<hbm>>
    tpu.enqueue_indirect_dma source(%dma_start3A_25 : memref<10000x128xf32, #tpu.memory_space<hbm>>) target(%dma_start3A_20 : memref<48x128xf32, #tpu.memory_space<vmem>>) offsets(%dma_start3A_22 : memref<48xi32, #tpu.memory_space<vmem>>) semaphore(%arg12 : memref<!tpu.dma_semaphore, #tpu.memory_space<semaphore_mem>>)
    %scan3A = arith.constant 0 : i32
    %scan3A_26 = arith.constant 96 : i32
    %scan3A_27 = arith.addi %scan3A, %scan3A_26 : i32
    %scan3A_28 = arith.constant 1 : i32
    scf.for %scan3A_96 = %scan3A to %scan3A_27 step %scan3A_28  : i32 {
      %mul3A_97 = arith.constant 1 : i32
      %mul3A_98 = arith.muli %scan3A_96, %mul3A_97 : i32
      %add3A_99 = arith.constant 0 : i32
      %add3A_100 = arith.addi %add3A_99, %mul3A_98 : i32
      %scan3A_101 = arith.constant 0 : i32
      %scan3A_102 = arith.constant 8 : i32
      %scan3A_103 = arith.addi %scan3A_101, %scan3A_102 : i32
      %scan3A_104 = arith.constant 1 : i32
      scf.for %scan3A_106 = %scan3A_101 to %scan3A_103 step %scan3A_104  : i32 {
        %mul3A_107 = arith.constant 16 : i32
        %mul3A_108 = arith.muli %scan3A_106, %mul3A_107 : i32
        %add3A_109 = arith.constant 0 : i32
        %add3A_110 = arith.addi %add3A_109, %mul3A_108 : i32
        %broadcast_in_dim3A = arith.constant 0.000000e+00 : f32
        %broadcast_in_dim3A_111 = vector.broadcast %broadcast_in_dim3A : f32 to vector<16xf32>
        %swap3A = arith.index_cast %add3A_100 : i32 to index
        %swap3A_112 = arith.index_cast %add3A_110 : i32 to index
        %swap3A_113 = tpu.vector_load %arg8[%swap3A, %swap3A_112] {strides = array<i32>} : memref<96x128xf32, #tpu.memory_space<vmem>>, vector<1x16xf32>,
        %swap3A_114 = vector.shape_cast %swap3A_113 : vector<1x16xf32> to vector<16xf32>
        %swap3A_115 = vector.shape_cast %broadcast_in_dim3A_111 : vector<16xf32> to vector<1x16xf32>
        tpu.vector_store %arg8[%swap3A, %swap3A_112], %swap3A_115 {strides = array<i32>} : memref<96x128xf32, #tpu.memory_space<vmem>>, vector<1x16xf32>,
      }
      %scan3A_105 = arith.constant 8 : i32
    }
    %scan3A_29 = arith.constant 96 : i32
    %scan3A_30 = arith.constant 0 : i32
    %scan3A_31 = arith.constant 6 : i32
    %scan3A_32 = arith.addi %scan3A_30, %scan3A_31 : i32
    %scan3A_33 = arith.constant 1 : i32
    scf.for %scan3A_96 = %scan3A_30 to %scan3A_32 step %scan3A_33  : i32 {
      %mul3A_97 = arith.constant 96 : i32
      %mul3A_98 = arith.muli %scan3A_96, %mul3A_97 : i32
      %add3A_99 = arith.constant 0 : i32
      %add3A_100 = arith.addi %add3A_99, %mul3A_98 : i32
      %add3A_101 = arith.addi %mul3A_2, %add3A_100 : i32
      %dma_start3A_102 = arith.constant 0 : i32
      %dma_start3A_103 = tpu.memref_slice %arg10[%add3A_101, %dma_start3A_102] : memref<10112x128xf32, #tpu.memory_space<vmem_shared>> -> memref<96x128xf32, #tpu.memory_space<vmem_shared>>
      %dma_start3A_104 = arith.constant 0 : i32
      %dma_start3A_105 = tpu.memref_slice %arg10[%add3A_101, %dma_start3A_104] : memref<10112x128xf32, #tpu.memory_space<vmem_shared>> -> memref<96x128xf32, #tpu.memory_space<vmem_shared>>
      tpu.enqueue_dma source(%arg8 : memref<96x128xf32, #tpu.memory_space<vmem>>) target(%dma_start3A_105 : memref<96x128xf32, #tpu.memory_space<vmem_shared>>) target_semaphore(%arg13 : memref<!tpu.dma_semaphore, #tpu.memory_space<semaphore_mem>>)
    }
    %scan3A_34 = arith.constant 6 : i32
    %add3A_35 = arith.constant 632 : i32
    %add3A_36 = arith.addi %mul3A_2, %add3A_35 : i32
    %sub3A = arith.constant 56 : i32
    %sub3A_37 = arith.subi %add3A_36, %sub3A : i32
    %dma_start3A_38 = arith.constant 0 : i32
    %dma_start3A_39 = arith.constant 0 : i32
    %dma_start3A_40 = tpu.memref_slice %arg8[%dma_start3A_38, %dma_start3A_39] : memref<96x128xf32, #tpu.memory_space<vmem>> -> memref<56x128xf32, #tpu.memory_space<vmem>>
    %dma_start3A_41 = arith.constant 0 : i32
    %dma_start3A_42 = tpu.memref_slice %arg10[%sub3A_37, %dma_start3A_41] : memref<10112x128xf32, #tpu.memory_space<vmem_shared>> -> memref<56x128xf32, #tpu.memory_space<vmem_shared>>
    %dma_start3A_43 = arith.constant 0 : i32
    %dma_start3A_44 = tpu.memref_slice %arg10[%sub3A_37, %dma_start3A_43] : memref<10112x128xf32, #tpu.memory_space<vmem_shared>> -> memref<56x128xf32, #tpu.memory_space<vmem_shared>>
    %dma_start3A_45 = arith.constant 0 : i32
    %dma_start3A_46 = arith.constant 0 : i32
    %dma_start3A_47 = tpu.memref_slice %arg8[%dma_start3A_45, %dma_start3A_46] : memref<96x128xf32, #tpu.memory_space<vmem>> -> memref<56x128xf32, #tpu.memory_space<vmem>>
    tpu.enqueue_dma source(%dma_start3A_47 : memref<56x128xf32, #tpu.memory_space<vmem>>) target(%dma_start3A_44 : memref<56x128xf32, #tpu.memory_space<vmem_shared>>) target_semaphore(%arg13 : memref<!tpu.dma_semaphore, #tpu.memory_space<semaphore_mem>>)
    %scan3A_48 = arith.constant 0 : i32
    %scan3A_49 = arith.constant 6 : i32
    %scan3A_50 = arith.addi %scan3A_48, %scan3A_49 : i32
    %scan3A_51 = arith.constant 1 : i32
    scf.for %scan3A_96 = %scan3A_48 to %scan3A_50 step %scan3A_51  : i32 {
      %mul3A_97 = arith.constant 96 : i32
      %mul3A_98 = arith.muli %scan3A_96, %mul3A_97 : i32
      %add3A_99 = arith.constant 0 : i32
      %add3A_100 = arith.addi %add3A_99, %mul3A_98 : i32
      %add3A_101 = arith.addi %mul3A_2, %add3A_100 : i32
      %dma_wait3A_102 = arith.constant 0 : i32
      %dma_wait3A_103 = tpu.memref_slice %arg10[%add3A_101, %dma_wait3A_102] : memref<10112x128xf32, #tpu.memory_space<vmem_shared>> -> memref<96x128xf32, #tpu.memory_space<vmem_shared>>
      %dma_wait3A_104 = arith.constant 0 : i32
      %dma_wait3A_105 = tpu.memref_slice %arg10[%add3A_101, %dma_wait3A_104] : memref<10112x128xf32, #tpu.memory_space<vmem_shared>> -> memref<96x128xf32, #tpu.memory_space<vmem_shared>>
      tpu.wait_dma2 semaphore(%arg13 : memref<!tpu.dma_semaphore, #tpu.memory_space<semaphore_mem>>) src(%arg8 : memref<96x128xf32, #tpu.memory_space<vmem>>) dst(%dma_wait3A_105 : memref<96x128xf32, #tpu.memory_space<vmem_shared>>)
    }
    %scan3A_52 = arith.constant 6 : i32
    %add3A_53 = arith.constant 632 : i32
    %add3A_54 = arith.addi %mul3A_2, %add3A_53 : i32
    %sub3A_55 = arith.constant 56 : i32
    %sub3A_56 = arith.subi %add3A_54, %sub3A_55 : i32
    %dma_wait3A = arith.constant 0 : i32
    %dma_wait3A_57 = arith.constant 0 : i32
    %dma_wait3A_58 = tpu.memref_slice %arg8[%dma_wait3A, %dma_wait3A_57] : memref<96x128xf32, #tpu.memory_space<vmem>> -> memref<56x128xf32, #tpu.memory_space<vmem>>
    %dma_wait3A_59 = arith.constant 0 : i32
    %dma_wait3A_60 = tpu.memref_slice %arg10[%sub3A_56, %dma_wait3A_59] : memref<10112x128xf32, #tpu.memory_space<vmem_shared>> -> memref<56x128xf32, #tpu.memory_space<vmem_shared>>
    %dma_wait3A_61 = arith.constant 0 : i32
    %dma_wait3A_62 = tpu.memref_slice %arg10[%sub3A_56, %dma_wait3A_61] : memref<10112x128xf32, #tpu.memory_space<vmem_shared>> -> memref<56x128xf32, #tpu.memory_space<vmem_shared>>
    %dma_wait3A_63 = arith.constant 0 : i32
    %dma_wait3A_64 = arith.constant 0 : i32
    %dma_wait3A_65 = tpu.memref_slice %arg8[%dma_wait3A_63, %dma_wait3A_64] : memref<96x128xf32, #tpu.memory_space<vmem>> -> memref<56x128xf32, #tpu.memory_space<vmem>>
    tpu.wait_dma2 semaphore(%arg13 : memref<!tpu.dma_semaphore, #tpu.memory_space<semaphore_mem>>) src(%dma_wait3A_65 : memref<56x128xf32, #tpu.memory_space<vmem>>) dst(%dma_wait3A_62 : memref<56x128xf32, #tpu.memory_space<vmem_shared>>)
    %dma_wait3A_66 = arith.constant 0 : i32
    %dma_wait3A_67 = arith.constant 0 : i32
    %dma_wait3A_68 = tpu.memref_slice %arg4[%add3A, %dma_wait3A_66, %dma_wait3A_67] : memref<32x105x96xi32, #tpu.memory_space<hbm>> -> memref<1x105x96xi32, #tpu.memory_space<hbm>>
    %dma_wait3A_69 = tpu.memref_squeeze %dma_wait3A_68 : memref<1x105x96xi32, #tpu.memory_space<hbm>> -> memref<105x96xi32, #tpu.memory_space<hbm>>
    %dma_wait3A_70 = arith.constant 0 : i32
    %dma_wait3A_71 = arith.constant 0 : i32
    %dma_wait3A_72 = tpu.memref_slice %arg4[%add3A, %dma_wait3A_70, %dma_wait3A_71] : memref<32x105x96xi32, #tpu.memory_space<hbm>> -> memref<1x105x96xi32, #tpu.memory_space<hbm>>
    %dma_wait3A_73 = tpu.memref_squeeze %dma_wait3A_72 : memref<1x105x96xi32, #tpu.memory_space<hbm>> -> memref<105x96xi32, #tpu.memory_space<hbm>>
    tpu.wait_dma2 semaphore(%arg14 : memref<!tpu.dma_semaphore, #tpu.memory_space<semaphore_mem>>) src(%dma_wait3A_73 : memref<105x96xi32, #tpu.memory_space<hbm>>) dst(%arg7 : memref<105x96xi32, #tpu.memory_space<vmem>>)
    %barrier3A = arith.constant 0 : index
    tpu.barrier barrier_id(%barrier3A)
    %scan3A_74 = arith.constant 0 : i32
    %scan3A_75 = arith.constant 52 : i32
    %scan3A_76 = arith.addi %scan3A_74, %scan3A_75 : i32
    %scan3A_77 = arith.constant 1 : i32
    scf.for %scan3A_96 = %scan3A_74 to %scan3A_76 step %scan3A_77  : i32 {
      %mul3A_97 = arith.constant 2 : i32
      %mul3A_98 = arith.muli %scan3A_96, %mul3A_97 : i32
      %add3A_99 = arith.constant 0 : i32
      %add3A_100 = arith.addi %add3A_99, %mul3A_98 : i32
      %add3A_101 = arith.constant 1 : i32
      %add3A_102 = arith.addi %add3A_100, %add3A_101 : i32
      %mul3A_103 = arith.constant 96 : i32
      %mul3A_104 = arith.muli %add3A_102, %mul3A_103 : i32
      %dma_start3A_105 = arith.constant 0 : i32
      %dma_start3A_106 = arith.constant 0 : i32
      %dma_start3A_107 = tpu.memref_slice %arg8[%dma_start3A_105, %dma_start3A_106] : memref<96x128xf32, #tpu.memory_space<vmem>> -> memref<48x128xf32, #tpu.memory_space<vmem>>
      %dma_start3A_108 = tpu.memref_slice %arg6[%mul3A_104] : memref<10080xi32, #tpu.memory_space<vmem>> -> memref<48xi32, #tpu.memory_space<vmem>>
      %dma_start3A_109 = arith.constant 0 : i32
      %dma_start3A_110 = arith.constant 0 : i32
      %dma_start3A_111 = tpu.memref_slice %arg2[%dma_start3A_109, %dma_start3A_110] : memref<10000x128xf32, #tpu.memory_space<hbm>> -> memref<10000x128xf32, #tpu.memory_space<hbm>>
      tpu.enqueue_indirect_dma source(%dma_start3A_111 : memref<10000x128xf32, #tpu.memory_space<hbm>>) target(%dma_start3A_107 : memref<48x128xf32, #tpu.memory_space<vmem>>) offsets(%dma_start3A_108 : memref<48xi32, #tpu.memory_space<vmem>>) semaphore(%arg13 : memref<!tpu.dma_semaphore, #tpu.memory_space<semaphore_mem>>)
      %mul3A_112 = arith.constant 96 : i32
      %mul3A_113 = arith.muli %add3A_102, %mul3A_112 : i32
      %add3A_114 = arith.constant 48 : i32
      %add3A_115 = arith.addi %mul3A_113, %add3A_114 : i32
      %dma_start3A_116 = arith.constant 48 : i32
      %dma_start3A_117 = arith.constant 0 : i32
      %dma_start3A_118 = tpu.memref_slice %arg8[%dma_start3A_116, %dma_start3A_117] : memref<96x128xf32, #tpu.memory_space<vmem>> -> memref<48x128xf32, #tpu.memory_space<vmem>>
      %dma_start3A_119 = tpu.memref_slice %arg6[%add3A_115] : memref<10080xi32, #tpu.memory_space<vmem>> -> memref<48xi32, #tpu.memory_space<vmem>>
      %dma_start3A_120 = arith.constant 0 : i32
      %dma_start3A_121 = arith.constant 0 : i32
      %dma_start3A_122 = tpu.memref_slice %arg2[%dma_start3A_120, %dma_start3A_121] : memref<10000x128xf32, #tpu.memory_space<hbm>> -> memref<10000x128xf32, #tpu.memory_space<hbm>>
      tpu.enqueue_indirect_dma source(%dma_start3A_122 : memref<10000x128xf32, #tpu.memory_space<hbm>>) target(%dma_start3A_118 : memref<48x128xf32, #tpu.memory_space<vmem>>) offsets(%dma_start3A_119 : memref<48xi32, #tpu.memory_space<vmem>>) semaphore(%arg14 : memref<!tpu.dma_semaphore, #tpu.memory_space<semaphore_mem>>)
      %dma_wait3A_123 = arith.constant 0 : i32
      %dma_wait3A_124 = arith.constant 0 : i32
      %dma_wait3A_125 = tpu.memref_slice %arg9[%dma_wait3A_123, %dma_wait3A_124] : memref<96x128xf32, #tpu.memory_space<vmem>> -> memref<48x128xf32, #tpu.memory_space<vmem>>
      %dma_wait3A_126 = arith.constant 0 : i32
      %dma_wait3A_127 = tpu.memref_slice %arg6[%dma_wait3A_126] : memref<10080xi32, #tpu.memory_space<vmem>> -> memref<48xi32, #tpu.memory_space<vmem>>
      %dma_wait3A_128 = arith.constant 0 : i32
      %dma_wait3A_129 = arith.constant 0 : i32
      %dma_wait3A_130 = tpu.memref_slice %arg2[%dma_wait3A_128, %dma_wait3A_129] : memref<10000x128xf32, #tpu.memory_space<hbm>> -> memref<10000x128xf32, #tpu.memory_space<hbm>>
      tpu.wait_indirect_dma semaphore(%arg11 : memref<!tpu.dma_semaphore, #tpu.memory_space<semaphore_mem>>) src(%dma_wait3A_130 : memref<10000x128xf32, #tpu.memory_space<hbm>>) dst(%dma_wait3A_125 : memref<48x128xf32, #tpu.memory_space<vmem>>)
      %dma_wait3A_131 = arith.constant 48 : i32
      %dma_wait3A_132 = arith.constant 0 : i32
      %dma_wait3A_133 = tpu.memref_slice %arg9[%dma_wait3A_131, %dma_wait3A_132] : memref<96x128xf32, #tpu.memory_space<vmem>> -> memref<48x128xf32, #tpu.memory_space<vmem>>
      %dma_wait3A_134 = arith.constant 0 : i32
      %dma_wait3A_135 = tpu.memref_slice %arg6[%dma_wait3A_134] : memref<10080xi32, #tpu.memory_space<vmem>> -> memref<48xi32, #tpu.memory_space<vmem>>
      %dma_wait3A_136 = arith.constant 0 : i32
      %dma_wait3A_137 = arith.constant 0 : i32
      %dma_wait3A_138 = tpu.memref_slice %arg2[%dma_wait3A_136, %dma_wait3A_137] : memref<10000x128xf32, #tpu.memory_space<hbm>> -> memref<10000x128xf32, #tpu.memory_space<hbm>>
      tpu.wait_indirect_dma semaphore(%arg12 : memref<!tpu.dma_semaphore, #tpu.memory_space<semaphore_mem>>) src(%dma_wait3A_138 : memref<10000x128xf32, #tpu.memory_space<hbm>>) dst(%dma_wait3A_133 : memref<48x128xf32, #tpu.memory_space<vmem>>)
      "tpu.region"() ({
        %run_scoped3A_179 = tpu.sem_alloc : memref<!tpu.dma_semaphore, #tpu.memory_space<semaphore_mem>>
        %dma_start3A_180 = arith.constant 0 : i32
        %dma_start3A_181 = tpu.memref_slice %arg7[%add3A_100, %dma_start3A_180] : memref<105x96xi32, #tpu.memory_space<vmem>> -> memref<1x96xi32, #tpu.memory_space<vmem>>
        %dma_start3A_182 = tpu.memref_squeeze %dma_start3A_181 : memref<1x96xi32, #tpu.memory_space<vmem>> -> memref<96xi32, #tpu.memory_space<vmem>>
        %dma_start3A_183 = arith.constant 0 : i32
        %dma_start3A_184 = arith.constant 0 : i32
        %dma_start3A_185 = tpu.memref_slice %arg10[%dma_start3A_183, %dma_start3A_184] : memref<10112x128xf32, #tpu.memory_space<vmem_shared>> -> memref<10112x128xf32, #tpu.memory_space<vmem_shared>>
        tpu.enqueue_indirect_dma source(%arg9 : memref<96x128xf32, #tpu.memory_space<vmem>>) target(%dma_start3A_185 : memref<10112x128xf32, #tpu.memory_space<vmem_shared>>) offsets(%dma_start3A_182 : memref<96xi32, #tpu.memory_space<vmem>>) semaphore(%run_scoped3A_179 : memref<!tpu.dma_semaphore, #tpu.memory_space<semaphore_mem>>) {add = true}
        %dma_wait3A_186 = arith.constant 0 : i32
        %dma_wait3A_187 = tpu.memref_slice %arg7[%add3A_100, %dma_wait3A_186] : memref<105x96xi32, #tpu.memory_space<vmem>> -> memref<1x96xi32, #tpu.memory_space<vmem>>
        %dma_wait3A_188 = tpu.memref_squeeze %dma_wait3A_187 : memref<1x96xi32, #tpu.memory_space<vmem>> -> memref<96xi32, #tpu.memory_space<vmem>>
        %dma_wait3A_189 = arith.constant 0 : i32
        %dma_wait3A_190 = arith.constant 0 : i32
        %dma_wait3A_191 = tpu.memref_slice %arg10[%dma_wait3A_189, %dma_wait3A_190] : memref<10112x128xf32, #tpu.memory_space<vmem_shared>> -> memref<10112x128xf32, #tpu.memory_space<vmem_shared>>
        tpu.wait_indirect_dma semaphore(%run_scoped3A_179 : memref<!tpu.dma_semaphore, #tpu.memory_space<semaphore_mem>>) src(%arg9 : memref<96x128xf32, #tpu.memory_space<vmem>>) dst(%dma_wait3A_191 : memref<10112x128xf32, #tpu.memory_space<vmem_shared>>)
        tpu.yield
      }) : () -> ()
      %add3A_139 = arith.constant 2 : i32
      %add3A_140 = arith.addi %add3A_100, %add3A_139 : i32
      %mul3A_141 = arith.constant 96 : i32
      %mul3A_142 = arith.muli %add3A_140, %mul3A_141 : i32
      %dma_start3A_143 = arith.constant 0 : i32
      %dma_start3A_144 = arith.constant 0 : i32
      %dma_start3A_145 = tpu.memref_slice %arg9[%dma_start3A_143, %dma_start3A_144] : memref<96x128xf32, #tpu.memory_space<vmem>> -> memref<48x128xf32, #tpu.memory_space<vmem>>
      %dma_start3A_146 = tpu.memref_slice %arg6[%mul3A_142] : memref<10080xi32, #tpu.memory_space<vmem>> -> memref<48xi32, #tpu.memory_space<vmem>>
      %dma_start3A_147 = arith.constant 0 : i32
      %dma_start3A_148 = arith.constant 0 : i32
      %dma_start3A_149 = tpu.memref_slice %arg2[%dma_start3A_147, %dma_start3A_148] : memref<10000x128xf32, #tpu.memory_space<hbm>> -> memref<10000x128xf32, #tpu.memory_space<hbm>>
      tpu.enqueue_indirect_dma source(%dma_start3A_149 : memref<10000x128xf32, #tpu.memory_space<hbm>>) target(%dma_start3A_145 : memref<48x128xf32, #tpu.memory_space<vmem>>) offsets(%dma_start3A_146 : memref<48xi32, #tpu.memory_space<vmem>>) semaphore(%arg11 : memref<!tpu.dma_semaphore, #tpu.memory_space<semaphore_mem>>)
      %mul3A_150 = arith.constant 96 : i32
      %mul3A_151 = arith.muli %add3A_140, %mul3A_150 : i32
      %add3A_152 = arith.constant 48 : i32
      %add3A_153 = arith.addi %mul3A_151, %add3A_152 : i32
      %dma_start3A_154 = arith.constant 48 : i32
      %dma_start3A_155 = arith.constant 0 : i32
      %dma_start3A_156 = tpu.memref_slice %arg9[%dma_start3A_154, %dma_start3A_155] : memref<96x128xf32, #tpu.memory_space<vmem>> -> memref<48x128xf32, #tpu.memory_space<vmem>>
      %dma_start3A_157 = tpu.memref_slice %arg6[%add3A_153] : memref<10080xi32, #tpu.memory_space<vmem>> -> memref<48xi32, #tpu.memory_space<vmem>>
      %dma_start3A_158 = arith.constant 0 : i32
      %dma_start3A_159 = arith.constant 0 : i32
      %dma_start3A_160 = tpu.memref_slice %arg2[%dma_start3A_158, %dma_start3A_159] : memref<10000x128xf32, #tpu.memory_space<hbm>> -> memref<10000x128xf32, #tpu.memory_space<hbm>>
      tpu.enqueue_indirect_dma source(%dma_start3A_160 : memref<10000x128xf32, #tpu.memory_space<hbm>>) target(%dma_start3A_156 : memref<48x128xf32, #tpu.memory_space<vmem>>) offsets(%dma_start3A_157 : memref<48xi32, #tpu.memory_space<vmem>>) semaphore(%arg12 : memref<!tpu.dma_semaphore, #tpu.memory_space<semaphore_mem>>)
      %dma_wait3A_161 = arith.constant 0 : i32
      %dma_wait3A_162 = arith.constant 0 : i32
      %dma_wait3A_163 = tpu.memref_slice %arg8[%dma_wait3A_161, %dma_wait3A_162] : memref<96x128xf32, #tpu.memory_space<vmem>> -> memref<48x128xf32, #tpu.memory_space<vmem>>
      %dma_wait3A_164 = arith.constant 0 : i32
      %dma_wait3A_165 = tpu.memref_slice %arg6[%dma_wait3A_164] : memref<10080xi32, #tpu.memory_space<vmem>> -> memref<48xi32, #tpu.memory_space<vmem>>
      %dma_wait3A_166 = arith.constant 0 : i32
      %dma_wait3A_167 = arith.constant 0 : i32
      %dma_wait3A_168 = tpu.memref_slice %arg2[%dma_wait3A_166, %dma_wait3A_167] : memref<10000x128xf32, #tpu.memory_space<hbm>> -> memref<10000x128xf32, #tpu.memory_space<hbm>>
      tpu.wait_indirect_dma semaphore(%arg13 : memref<!tpu.dma_semaphore, #tpu.memory_space<semaphore_mem>>) src(%dma_wait3A_168 : memref<10000x128xf32, #tpu.memory_space<hbm>>) dst(%dma_wait3A_163 : memref<48x128xf32, #tpu.memory_space<vmem>>)
      %dma_wait3A_169 = arith.constant 48 : i32
      %dma_wait3A_170 = arith.constant 0 : i32
      %dma_wait3A_171 = tpu.memref_slice %arg8[%dma_wait3A_169, %dma_wait3A_170] : memref<96x128xf32, #tpu.memory_space<vmem>> -> memref<48x128xf32, #tpu.memory_space<vmem>>
      %dma_wait3A_172 = arith.constant 0 : i32
      %dma_wait3A_173 = tpu.memref_slice %arg6[%dma_wait3A_172] : memref<10080xi32, #tpu.memory_space<vmem>> -> memref<48xi32, #tpu.memory_space<vmem>>
      %dma_wait3A_174 = arith.constant 0 : i32
      %dma_wait3A_175 = arith.constant 0 : i32
      %dma_wait3A_176 = tpu.memref_slice %arg2[%dma_wait3A_174, %dma_wait3A_175] : memref<10000x128xf32, #tpu.memory_space<hbm>> -> memref<10000x128xf32, #tpu.memory_space<hbm>>
      tpu.wait_indirect_dma semaphore(%arg14 : memref<!tpu.dma_semaphore, #tpu.memory_space<semaphore_mem>>) src(%dma_wait3A_176 : memref<10000x128xf32, #tpu.memory_space<hbm>>) dst(%dma_wait3A_171 : memref<48x128xf32, #tpu.memory_space<vmem>>)
      %add3A_177 = arith.constant 1 : i32
      %add3A_178 = arith.addi %add3A_100, %add3A_177 : i32
      "tpu.region"() ({
        %run_scoped3A_179 = tpu.sem_alloc : memref<!tpu.dma_semaphore, #tpu.memory_space<semaphore_mem>>
        %dma_start3A_180 = arith.constant 0 : i32
        %dma_start3A_181 = tpu.memref_slice %arg7[%add3A_178, %dma_start3A_180] : memref<105x96xi32, #tpu.memory_space<vmem>> -> memref<1x96xi32, #tpu.memory_space<vmem>>
        %dma_start3A_182 = tpu.memref_squeeze %dma_start3A_181 : memref<1x96xi32, #tpu.memory_space<vmem>> -> memref<96xi32, #tpu.memory_space<vmem>>
        %dma_start3A_183 = arith.constant 0 : i32
        %dma_start3A_184 = arith.constant 0 : i32
        %dma_start3A_185 = tpu.memref_slice %arg10[%dma_start3A_183, %dma_start3A_184] : memref<10112x128xf32, #tpu.memory_space<vmem_shared>> -> memref<10112x128xf32, #tpu.memory_space<vmem_shared>>
        tpu.enqueue_indirect_dma source(%arg8 : memref<96x128xf32, #tpu.memory_space<vmem>>) target(%dma_start3A_185 : memref<10112x128xf32, #tpu.memory_space<vmem_shared>>) offsets(%dma_start3A_182 : memref<96xi32, #tpu.memory_space<vmem>>) semaphore(%run_scoped3A_179 : memref<!tpu.dma_semaphore, #tpu.memory_space<semaphore_mem>>) {add = true}
        %dma_wait3A_186 = arith.constant 0 : i32
        %dma_wait3A_187 = tpu.memref_slice %arg7[%add3A_178, %dma_wait3A_186] : memref<105x96xi32, #tpu.memory_space<vmem>> -> memref<1x96xi32, #tpu.memory_space<vmem>>
        %dma_wait3A_188 = tpu.memref_squeeze %dma_wait3A_187 : memref<1x96xi32, #tpu.memory_space<vmem>> -> memref<96xi32, #tpu.memory_space<vmem>>
        %dma_wait3A_189 = arith.constant 0 : i32
        %dma_wait3A_190 = arith.constant 0 : i32
        %dma_wait3A_191 = tpu.memref_slice %arg10[%dma_wait3A_189, %dma_wait3A_190] : memref<10112x128xf32, #tpu.memory_space<vmem_shared>> -> memref<10112x128xf32, #tpu.memory_space<vmem_shared>>
        tpu.wait_indirect_dma semaphore(%run_scoped3A_179 : memref<!tpu.dma_semaphore, #tpu.memory_space<semaphore_mem>>) src(%arg8 : memref<96x128xf32, #tpu.memory_space<vmem>>) dst(%dma_wait3A_191 : memref<10112x128xf32, #tpu.memory_space<vmem_shared>>)
        tpu.yield
      }) : () -> ()
    }
    %scan3A_78 = arith.constant 52 : i32
    %dma_wait3A_79 = arith.constant 0 : i32
    %dma_wait3A_80 = arith.constant 0 : i32
    %dma_wait3A_81 = tpu.memref_slice %arg9[%dma_wait3A_79, %dma_wait3A_80] : memref<96x128xf32, #tpu.memory_space<vmem>> -> memref<48x128xf32, #tpu.memory_space<vmem>>
    %dma_wait3A_82 = arith.constant 0 : i32
    %dma_wait3A_83 = tpu.memref_slice %arg6[%dma_wait3A_82] : memref<10080xi32, #tpu.memory_space<vmem>> -> memref<48xi32, #tpu.memory_space<vmem>>
    %dma_wait3A_84 = arith.constant 0 : i32
    %dma_wait3A_85 = arith.constant 0 : i32
    %dma_wait3A_86 = tpu.memref_slice %arg2[%dma_wait3A_84, %dma_wait3A_85] : memref<10000x128xf32, #tpu.memory_space<hbm>> -> memref<10000x128xf32, #tpu.memory_space<hbm>>
    tpu.wait_indirect_dma semaphore(%arg11 : memref<!tpu.dma_semaphore, #tpu.memory_space<semaphore_mem>>) src(%dma_wait3A_86 : memref<10000x128xf32, #tpu.memory_space<hbm>>) dst(%dma_wait3A_81 : memref<48x128xf32, #tpu.memory_space<vmem>>)
    %dma_wait3A_87 = arith.constant 48 : i32
    %dma_wait3A_88 = arith.constant 0 : i32
    %dma_wait3A_89 = tpu.memref_slice %arg9[%dma_wait3A_87, %dma_wait3A_88] : memref<96x128xf32, #tpu.memory_space<vmem>> -> memref<48x128xf32, #tpu.memory_space<vmem>>
    %dma_wait3A_90 = arith.constant 0 : i32
    %dma_wait3A_91 = tpu.memref_slice %arg6[%dma_wait3A_90] : memref<10080xi32, #tpu.memory_space<vmem>> -> memref<48xi32, #tpu.memory_space<vmem>>
    %dma_wait3A_92 = arith.constant 0 : i32
    %dma_wait3A_93 = arith.constant 0 : i32
    %dma_wait3A_94 = tpu.memref_slice %arg2[%dma_wait3A_92, %dma_wait3A_93] : memref<10000x128xf32, #tpu.memory_space<hbm>> -> memref<10000x128xf32, #tpu.memory_space<hbm>>
    tpu.wait_indirect_dma semaphore(%arg12 : memref<!tpu.dma_semaphore, #tpu.memory_space<semaphore_mem>>) src(%dma_wait3A_94 : memref<10000x128xf32, #tpu.memory_space<hbm>>) dst(%dma_wait3A_89 : memref<48x128xf32, #tpu.memory_space<vmem>>)
    %run_scoped3A = arith.constant 104 : i32
    "tpu.region"() ({
      %run_scoped3A_96 = tpu.sem_alloc : memref<!tpu.dma_semaphore, #tpu.memory_space<semaphore_mem>>
      %dma_start3A_97 = arith.constant 0 : i32
      %dma_start3A_98 = tpu.memref_slice %arg7[%run_scoped3A, %dma_start3A_97] : memref<105x96xi32, #tpu.memory_space<vmem>> -> memref<1x96xi32, #tpu.memory_space<vmem>>
      %dma_start3A_99 = tpu.memref_squeeze %dma_start3A_98 : memref<1x96xi32, #tpu.memory_space<vmem>> -> memref<96xi32, #tpu.memory_space<vmem>>
      %dma_start3A_100 = arith.constant 0 : i32
      %dma_start3A_101 = arith.constant 0 : i32
      %dma_start3A_102 = tpu.memref_slice %arg10[%dma_start3A_100, %dma_start3A_101] : memref<10112x128xf32, #tpu.memory_space<vmem_shared>> -> memref<10112x128xf32, #tpu.memory_space<vmem_shared>>
      tpu.enqueue_indirect_dma source(%arg9 : memref<96x128xf32, #tpu.memory_space<vmem>>) target(%dma_start3A_102 : memref<10112x128xf32, #tpu.memory_space<vmem_shared>>) offsets(%dma_start3A_99 : memref<96xi32, #tpu.memory_space<vmem>>) semaphore(%run_scoped3A_96 : memref<!tpu.dma_semaphore, #tpu.memory_space<semaphore_mem>>) {add = true}
      %dma_wait3A_103 = arith.constant 0 : i32
      %dma_wait3A_104 = tpu.memref_slice %arg7[%run_scoped3A, %dma_wait3A_103] : memref<105x96xi32, #tpu.memory_space<vmem>> -> memref<1x96xi32, #tpu.memory_space<vmem>>
      %dma_wait3A_105 = tpu.memref_squeeze %dma_wait3A_104 : memref<1x96xi32, #tpu.memory_space<vmem>> -> memref<96xi32, #tpu.memory_space<vmem>>
      %dma_wait3A_106 = arith.constant 0 : i32
      %dma_wait3A_107 = arith.constant 0 : i32
      %dma_wait3A_108 = tpu.memref_slice %arg10[%dma_wait3A_106, %dma_wait3A_107] : memref<10112x128xf32, #tpu.memory_space<vmem_shared>> -> memref<10112x128xf32, #tpu.memory_space<vmem_shared>>
      tpu.wait_indirect_dma semaphore(%run_scoped3A_96 : memref<!tpu.dma_semaphore, #tpu.memory_space<semaphore_mem>>) src(%arg9 : memref<96x128xf32, #tpu.memory_space<vmem>>) dst(%dma_wait3A_108 : memref<10112x128xf32, #tpu.memory_space<vmem_shared>>)
      tpu.yield
    }) : () -> ()
    %barrier3A_95 = arith.constant 0 : index
    tpu.barrier barrier_id(%barrier3A_95)
    "tpu.region"() ({
      %run_scoped3A_96 = tpu.sem_alloc : memref<!tpu.dma_semaphore, #tpu.memory_space<semaphore_mem>>
      %dma_start3A_97 = arith.constant 0 : i32
      %dma_start3A_98 = arith.constant 0 : i32
      %dma_start3A_99 = tpu.memref_slice %arg5[%arg0, %dma_start3A_97, %dma_start3A_98] : memref<2x10112x128xf32, #tpu.memory_space<hbm>> -> memref<1x10112x128xf32, #tpu.memory_space<hbm>>
      %dma_start3A_100 = tpu.memref_squeeze %dma_start3A_99 : memref<1x10112x128xf32, #tpu.memory_space<hbm>> -> memref<10112x128xf32, #tpu.memory_space<hbm>>
      %dma_start3A_101 = arith.constant 0 : i32
      %dma_start3A_102 = tpu.memref_slice %dma_start3A_100[%mul3A_2, %dma_start3A_101] : memref<10112x128xf32, #tpu.memory_space<hbm>> -> memref<632x128xf32, #tpu.memory_space<hbm>>
      %dma_start3A_103 = arith.constant 0 : i32
      %dma_start3A_104 = tpu.memref_slice %arg10[%mul3A_2, %dma_start3A_103] : memref<10112x128xf32, #tpu.memory_space<vmem_shared>> -> memref<632x128xf32, #tpu.memory_space<vmem_shared>>
      tpu.enqueue_dma source(%dma_start3A_104 : memref<632x128xf32, #tpu.memory_space<vmem_shared>>) target(%dma_start3A_102 : memref<632x128xf32, #tpu.memory_space<hbm>>) target_semaphore(%run_scoped3A_96 : memref<!tpu.dma_semaphore, #tpu.memory_space<semaphore_mem>>)
      %dma_wait3A_105 = arith.constant 0 : i32
      %dma_wait3A_106 = arith.constant 0 : i32
      %dma_wait3A_107 = tpu.memref_slice %arg5[%arg0, %dma_wait3A_105, %dma_wait3A_106] : memref<2x10112x128xf32, #tpu.memory_space<hbm>> -> memref<1x10112x128xf32, #tpu.memory_space<hbm>>
      %dma_wait3A_108 = tpu.memref_squeeze %dma_wait3A_107 : memref<1x10112x128xf32, #tpu.memory_space<hbm>> -> memref<10112x128xf32, #tpu.memory_space<hbm>>
      %dma_wait3A_109 = arith.constant 0 : i32
      %dma_wait3A_110 = tpu.memref_slice %dma_wait3A_108[%mul3A_2, %dma_wait3A_109] : memref<10112x128xf32, #tpu.memory_space<hbm>> -> memref<632x128xf32, #tpu.memory_space<hbm>>
      %dma_wait3A_111 = arith.constant 0 : i32
      %dma_wait3A_112 = tpu.memref_slice %arg10[%mul3A_2, %dma_wait3A_111] : memref<10112x128xf32, #tpu.memory_space<vmem_shared>> -> memref<632x128xf32, #tpu.memory_space<vmem_shared>>
      tpu.wait_dma2 semaphore(%run_scoped3A_96 : memref<!tpu.dma_semaphore, #tpu.memory_space<semaphore_mem>>) src(%dma_wait3A_112 : memref<632x128xf32, #tpu.memory_space<vmem_shared>>) dst(%dma_wait3A_110 : memref<632x128xf32, #tpu.memory_space<hbm>>)
      tpu.yield
    }) : () -> ()
    return
  }
}

module attributes {stable_mosaic.version = 14 : i64} {
  func.func @body(%arg0: i32, %arg1: memref<2000x128xf32, #tpu.memory_space<vmem>>, %arg2: memref<128x128xf32, #tpu.memory_space<vmem>>, %arg3: memref<1x128xf32, #tpu.memory_space<vmem>>, %arg4: memref<128x128xf32, #tpu.memory_space<vmem>>, %arg5: memref<1x128xf32, #tpu.memory_space<vmem>>, %arg6: memref<1x128xf32, #tpu.memory_space<vmem>>, %arg7: memref<1x128xf32, #tpu.memory_space<vmem>>, %arg8: memref<128x128xf32, #tpu.memory_space<vmem>>, %arg9: memref<128x128xf32, #tpu.memory_space<vmem>>, %arg10: memref<2000x128xf32, #tpu.memory_space<vmem>>, %arg11: memref<2000x128xf32, #tpu.memory_space<vmem>>) attributes {dimension_semantics = [#tpu.dimension_semantics<arbitrary>], iteration_bounds = array<i64: 5>, scalar_prefetch = 0 : i64, scratch_operands = 0 : i64, tpu.core_type = #tpu.core_type<tc>, window_params = [{transform_indices = @transform_0, window_bounds = array<i64: 2000, 128>}, {pipeline_mode = #tpu.pipeline_mode<synchronous>, transform_indices = @transform_1, window_bounds = array<i64: 128, 128>}, {pipeline_mode = #tpu.pipeline_mode<synchronous>, transform_indices = @transform_2, window_bounds = array<i64: 1, 128>}, {pipeline_mode = #tpu.pipeline_mode<synchronous>, transform_indices = @transform_3, window_bounds = array<i64: 128, 128>}, {pipeline_mode = #tpu.pipeline_mode<synchronous>, transform_indices = @transform_4, window_bounds = array<i64: 1, 128>}, {pipeline_mode = #tpu.pipeline_mode<synchronous>, transform_indices = @transform_5, window_bounds = array<i64: 1, 128>}, {pipeline_mode = #tpu.pipeline_mode<synchronous>, transform_indices = @transform_6, window_bounds = array<i64: 1, 128>}, {pipeline_mode = #tpu.pipeline_mode<synchronous>, transform_indices = @transform_7, window_bounds = array<i64: 128, 128>}, {pipeline_mode = #tpu.pipeline_mode<synchronous>, transform_indices = @transform_8, window_bounds = array<i64: 128, 128>}, {transform_indices = @transform_9, window_bounds = array<i64: 2000, 128>}, {transform_indices = @transform_10, window_bounds = array<i64: 2000, 128>}]} {
    %get3A = arith.constant 0 : index
    %get3A_0 = arith.constant 0 : index
    %get3A_1 = vector.load %arg1[%get3A, %get3A_0] : memref<2000x128xf32, #tpu.memory_space<vmem>>, vector<2000x128xf32>
    %get3A_2 = arith.constant 0 : index
    %get3A_3 = arith.constant 0 : index
    %get3A_4 = vector.load %arg2[%get3A_2, %get3A_3] : memref<128x128xf32, #tpu.memory_space<vmem>>, vector<128x128xf32>
    %dot_general3A = arith.constant dense<0.000000e+00> : vector<2000x128xf32>
    %dot_general3A_5 = tpu.matmul %get3A_1, %get3A_4, %dot_general3A {dimension_numbers = #tpu.dot_dimension_numbers<[1], [0], [0], [1], [0, 0, 1, 1], [], []>, transpose_lhs_hint = false} : vector<2000x128xf32>, vector<128x128xf32>, vector<2000x128xf32> -> vector<2000x128xf32>
    %get3A_6 = arith.constant 0 : index
    %get3A_7 = arith.constant 0 : index
    %get3A_8 = vector.load %arg3[%get3A_6, %get3A_7] : memref<1x128xf32, #tpu.memory_space<vmem>>, vector<1x128xf32>
    %add3A = vector.broadcast %get3A_8 : vector<1x128xf32> to vector<2000x128xf32>
    %add3A_9 = arith.addf %dot_general3A_5, %add3A : vector<2000x128xf32>
    %max3A = arith.constant 0.000000e+00 : f32
    %max3A_10 = vector.broadcast %max3A : f32 to vector<2000x128xf32>
    %max3A_11 = arith.maximumf %add3A_9, %max3A_10 : vector<2000x128xf32>
    %get3A_12 = arith.constant 0 : index
    %get3A_13 = arith.constant 0 : index
    %get3A_14 = vector.load %arg4[%get3A_12, %get3A_13] : memref<128x128xf32, #tpu.memory_space<vmem>>, vector<128x128xf32>
    %dot_general3A_15 = arith.constant dense<0.000000e+00> : vector<2000x128xf32>
    %dot_general3A_16 = tpu.matmul %max3A_11, %get3A_14, %dot_general3A_15 {dimension_numbers = #tpu.dot_dimension_numbers<[1], [0], [0], [1], [0, 0, 1, 1], [], []>, transpose_lhs_hint = false} : vector<2000x128xf32>, vector<128x128xf32>, vector<2000x128xf32> -> vector<2000x128xf32>
    %get3A_17 = arith.constant 0 : index
    %get3A_18 = arith.constant 0 : index
    %get3A_19 = vector.load %arg5[%get3A_17, %get3A_18] : memref<1x128xf32, #tpu.memory_space<vmem>>, vector<1x128xf32>
    %add3A_20 = vector.broadcast %get3A_19 : vector<1x128xf32> to vector<2000x128xf32>
    %add3A_21 = arith.addf %dot_general3A_16, %add3A_20 : vector<2000x128xf32>
    %max3A_22 = arith.constant 0.000000e+00 : f32
    %max3A_23 = vector.broadcast %max3A_22 : f32 to vector<2000x128xf32>
    %max3A_24 = arith.maximumf %add3A_21, %max3A_23 : vector<2000x128xf32>
    %reduce_sum3A = arith.constant dense<0.000000e+00> : vector<2000xf32>
    %reduce_sum3A_25 = vector.multi_reduction <add>, %max3A_24, %reduce_sum3A [1] : vector<2000x128xf32> to vector<2000xf32>
    %broadcast_in_dim3A = vector.shape_cast %reduce_sum3A_25 : vector<2000xf32> to vector<2000x1xf32>
    %div3A = arith.constant 1.280000e+02 : f32
    %div3A_26 = vector.broadcast %div3A : f32 to vector<2000x1xf32>
    %div3A_27 = arith.divf %broadcast_in_dim3A, %div3A_26 : vector<2000x1xf32>
    %sub3A = vector.broadcast %div3A_27 : vector<2000x1xf32> to vector<2000x128xf32>
    %sub3A_28 = arith.subf %max3A_24, %sub3A : vector<2000x128xf32>
    %integer_pow3A = arith.mulf %sub3A_28, %sub3A_28 : vector<2000x128xf32>
    %reduce_sum3A_29 = arith.constant dense<0.000000e+00> : vector<2000xf32>
    %reduce_sum3A_30 = vector.multi_reduction <add>, %integer_pow3A, %reduce_sum3A_29 [1] : vector<2000x128xf32> to vector<2000xf32>
    %broadcast_in_dim3A_31 = vector.shape_cast %reduce_sum3A_30 : vector<2000xf32> to vector<2000x1xf32>
    %mul3A = arith.constant 0.00787401571 : f32
    %mul3A_32 = vector.broadcast %mul3A : f32 to vector<2000x1xf32>
    %mul3A_33 = arith.mulf %broadcast_in_dim3A_31, %mul3A_32 : vector<2000x1xf32>
    %get3A_34 = arith.constant 0 : index
    %get3A_35 = arith.constant 0 : index
    %get3A_36 = vector.load %arg6[%get3A_34, %get3A_35] : memref<1x128xf32, #tpu.memory_space<vmem>>, vector<1x128xf32>
    %sub3A_37 = vector.broadcast %div3A_27 : vector<2000x1xf32> to vector<2000x128xf32>
    %sub3A_38 = arith.subf %max3A_24, %sub3A_37 : vector<2000x128xf32>
    %mul3A_39 = vector.broadcast %get3A_36 : vector<1x128xf32> to vector<2000x128xf32>
    %mul3A_40 = arith.mulf %mul3A_39, %sub3A_38 : vector<2000x128xf32>
    %sqrt3A = math.sqrt %mul3A_33 : vector<2000x1xf32>
    %add3A_41 = arith.constant 9.99999997E-7 : f32
    %add3A_42 = vector.broadcast %add3A_41 : f32 to vector<2000x1xf32>
    %add3A_43 = arith.addf %sqrt3A, %add3A_42 : vector<2000x1xf32>
    %div3A_44 = vector.broadcast %add3A_43 : vector<2000x1xf32> to vector<2000x128xf32>
    %div3A_45 = arith.divf %mul3A_40, %div3A_44 : vector<2000x128xf32>
    %get3A_46 = arith.constant 0 : index
    %get3A_47 = arith.constant 0 : index
    %get3A_48 = vector.load %arg7[%get3A_46, %get3A_47] : memref<1x128xf32, #tpu.memory_space<vmem>>, vector<1x128xf32>
    %add3A_49 = vector.broadcast %get3A_48 : vector<1x128xf32> to vector<2000x128xf32>
    %add3A_50 = arith.addf %div3A_45, %add3A_49 : vector<2000x128xf32>
    %get3A_51 = arith.constant 0 : index
    %get3A_52 = arith.constant 0 : index
    %get3A_53 = vector.load %arg8[%get3A_51, %get3A_52] : memref<128x128xf32, #tpu.memory_space<vmem>>, vector<128x128xf32>
    %dot_general3A_54 = arith.constant dense<0.000000e+00> : vector<2000x128xf32>
    %dot_general3A_55 = tpu.matmul %add3A_50, %get3A_53, %dot_general3A_54 {dimension_numbers = #tpu.dot_dimension_numbers<[1], [0], [0], [1], [0, 0, 1, 1], [], []>, transpose_lhs_hint = false} : vector<2000x128xf32>, vector<128x128xf32>, vector<2000x128xf32> -> vector<2000x128xf32>
    %swap3A = arith.constant 0 : index
    %swap3A_56 = arith.constant 0 : index
    %swap3A_57 = vector.load %arg10[%swap3A, %swap3A_56] : memref<2000x128xf32, #tpu.memory_space<vmem>>, vector<2000x128xf32>
    tpu.vector_store %arg10[%swap3A, %swap3A_56], %dot_general3A_55 {strides = array<i32>} : memref<2000x128xf32, #tpu.memory_space<vmem>>, vector<2000x128xf32>,
    %get3A_58 = arith.constant 0 : index
    %get3A_59 = arith.constant 0 : index
    %get3A_60 = vector.load %arg9[%get3A_58, %get3A_59] : memref<128x128xf32, #tpu.memory_space<vmem>>, vector<128x128xf32>
    %dot_general3A_61 = arith.constant dense<0.000000e+00> : vector<2000x128xf32>
    %dot_general3A_62 = tpu.matmul %add3A_50, %get3A_60, %dot_general3A_61 {dimension_numbers = #tpu.dot_dimension_numbers<[1], [0], [0], [1], [0, 0, 1, 1], [], []>, transpose_lhs_hint = false} : vector<2000x128xf32>, vector<128x128xf32>, vector<2000x128xf32> -> vector<2000x128xf32>
    %swap3A_63 = arith.constant 0 : index
    %swap3A_64 = arith.constant 0 : index
    %swap3A_65 = vector.load %arg11[%swap3A_63, %swap3A_64] : memref<2000x128xf32, #tpu.memory_space<vmem>>, vector<2000x128xf32>
    tpu.vector_store %arg11[%swap3A_63, %swap3A_64], %dot_general3A_62 {strides = array<i32>} : memref<2000x128xf32, #tpu.memory_space<vmem>>, vector<2000x128xf32>,
    return
  }
  func.func @transform_0(%arg0: i32) -> (i32, i32) {
    %c0_i32 = arith.constant 0 : i32
    %c0_i32_0 = arith.constant 0 : i32
    return %arg0, %c0_i32 : i32, i32
  }
  func.func @transform_1(%arg0: i32) -> (i32, i32) {
    %c0_i32 = arith.constant 0 : i32
    %c0_i32_0 = arith.constant 0 : i32
    %c0_i32_1 = arith.constant 0 : i32
    return %c0_i32, %c0_i32_0 : i32, i32
  }
  func.func @transform_2(%arg0: i32) -> (i32, i32) {
    %c0_i32 = arith.constant 0 : i32
    %c0_i32_0 = arith.constant 0 : i32
    %c0_i32_1 = arith.constant 0 : i32
    return %c0_i32, %c0_i32_0 : i32, i32
  }
  func.func @transform_3(%arg0: i32) -> (i32, i32) {
    %c0_i32 = arith.constant 0 : i32
    %c0_i32_0 = arith.constant 0 : i32
    %c0_i32_1 = arith.constant 0 : i32
    return %c0_i32, %c0_i32_0 : i32, i32
  }
  func.func @transform_4(%arg0: i32) -> (i32, i32) {
    %c0_i32 = arith.constant 0 : i32
    %c0_i32_0 = arith.constant 0 : i32
    %c0_i32_1 = arith.constant 0 : i32
    return %c0_i32, %c0_i32_0 : i32, i32
  }
  func.func @transform_5(%arg0: i32) -> (i32, i32) {
    %c0_i32 = arith.constant 0 : i32
    %c0_i32_0 = arith.constant 0 : i32
    %c0_i32_1 = arith.constant 0 : i32
    return %c0_i32, %c0_i32_0 : i32, i32
  }
  func.func @transform_6(%arg0: i32) -> (i32, i32) {
    %c0_i32 = arith.constant 0 : i32
    %c0_i32_0 = arith.constant 0 : i32
    %c0_i32_1 = arith.constant 0 : i32
    return %c0_i32, %c0_i32_0 : i32, i32
  }
  func.func @transform_7(%arg0: i32) -> (i32, i32) {
    %c0_i32 = arith.constant 0 : i32
    %c0_i32_0 = arith.constant 0 : i32
    %c0_i32_1 = arith.constant 0 : i32
    return %c0_i32, %c0_i32_0 : i32, i32
  }
  func.func @transform_8(%arg0: i32) -> (i32, i32) {
    %c0_i32 = arith.constant 0 : i32
    %c0_i32_0 = arith.constant 0 : i32
    %c0_i32_1 = arith.constant 0 : i32
    return %c0_i32, %c0_i32_0 : i32, i32
  }
  func.func @transform_9(%arg0: i32) -> (i32, i32) {
    %c0_i32 = arith.constant 0 : i32
    %c0_i32_0 = arith.constant 0 : i32
    return %arg0, %c0_i32 : i32, i32
  }
  func.func @transform_10(%arg0: i32) -> (i32, i32) {
    %c0_i32 = arith.constant 0 : i32
    %c0_i32_0 = arith.constant 0 : i32
    return %arg0, %c0_i32 : i32, i32
  }
}

module attributes {stable_mosaic.version = 14 : i64} {
  func.func @body(%arg0: i32, %arg1: memref<2000x128xf32, #tpu.memory_space<vmem>>, %arg2: memref<2x2000x128xf32, #tpu.memory_space<vmem>>, %arg3: memref<1x128xf32, #tpu.memory_space<vmem>>, %arg4: memref<128x128xf32, #tpu.memory_space<vmem>>, %arg5: memref<128x128xf32, #tpu.memory_space<vmem>>, %arg6: memref<2000x128xf32, #tpu.memory_space<vmem>>, %arg7: memref<2000x128xf32, #tpu.memory_space<vmem>>) attributes {dimension_semantics = [#tpu.dimension_semantics<arbitrary>], iteration_bounds = array<i64: 5>, scalar_prefetch = 0 : i64, scratch_operands = 0 : i64, tpu.core_type = #tpu.core_type<tc>, window_params = [{transform_indices = @transform_0, window_bounds = array<i64: 2000, 128>}, {transform_indices = @transform_1, window_bounds = array<i64: 2, 2000, 128>}, {pipeline_mode = #tpu.pipeline_mode<synchronous>, transform_indices = @transform_2, window_bounds = array<i64: 1, 128>}, {pipeline_mode = #tpu.pipeline_mode<synchronous>, transform_indices = @transform_3, window_bounds = array<i64: 128, 128>}, {pipeline_mode = #tpu.pipeline_mode<synchronous>, transform_indices = @transform_4, window_bounds = array<i64: 128, 128>}, {transform_indices = @transform_5, window_bounds = array<i64: 2000, 128>}, {transform_indices = @transform_6, window_bounds = array<i64: 2000, 128>}]} {
    %get3A = arith.constant 0 : index
    %get3A_0 = arith.constant 0 : index
    %get3A_1 = vector.load %arg1[%get3A, %get3A_0] : memref<2000x128xf32, #tpu.memory_space<vmem>>, vector<2000x128xf32>
    %get3A_2 = arith.constant 0 : index
    %get3A_3 = arith.constant 0 : index
    %get3A_4 = arith.constant 0 : index
    %get3A_5 = vector.load %arg2[%get3A_2, %get3A_3, %get3A_4] : memref<2x2000x128xf32, #tpu.memory_space<vmem>>, vector<1x2000x128xf32>
    %get3A_6 = vector.shape_cast %get3A_5 : vector<1x2000x128xf32> to vector<2000x128xf32>
    %add3A = arith.addf %get3A_1, %get3A_6 : vector<2000x128xf32>
    %get3A_7 = arith.constant 1 : index
    %get3A_8 = arith.constant 0 : index
    %get3A_9 = arith.constant 0 : index
    %get3A_10 = vector.load %arg2[%get3A_7, %get3A_8, %get3A_9] : memref<2x2000x128xf32, #tpu.memory_space<vmem>>, vector<1x2000x128xf32>
    %get3A_11 = vector.shape_cast %get3A_10 : vector<1x2000x128xf32> to vector<2000x128xf32>
    %add3A_12 = arith.addf %add3A, %get3A_11 : vector<2000x128xf32>
    %get3A_13 = arith.constant 0 : index
    %get3A_14 = arith.constant 0 : index
    %get3A_15 = vector.load %arg3[%get3A_13, %get3A_14] : memref<1x128xf32, #tpu.memory_space<vmem>>, vector<1x128xf32>
    %add3A_16 = vector.broadcast %get3A_15 : vector<1x128xf32> to vector<2000x128xf32>
    %add3A_17 = arith.addf %add3A_12, %add3A_16 : vector<2000x128xf32>
    %max3A = arith.constant 0.000000e+00 : f32
    %max3A_18 = vector.broadcast %max3A : f32 to vector<2000x128xf32>
    %max3A_19 = arith.maximumf %add3A_17, %max3A_18 : vector<2000x128xf32>
    %get3A_20 = arith.constant 0 : index
    %get3A_21 = arith.constant 0 : index
    %get3A_22 = vector.load %arg4[%get3A_20, %get3A_21] : memref<128x128xf32, #tpu.memory_space<vmem>>, vector<128x128xf32>
    %dot_general3A = arith.constant dense<0.000000e+00> : vector<2000x128xf32>
    %dot_general3A_23 = tpu.matmul %max3A_19, %get3A_22, %dot_general3A {dimension_numbers = #tpu.dot_dimension_numbers<[1], [0], [0], [1], [0, 0, 1, 1], [], []>, transpose_lhs_hint = false} : vector<2000x128xf32>, vector<128x128xf32>, vector<2000x128xf32> -> vector<2000x128xf32>
    %swap3A = arith.constant 0 : index
    %swap3A_24 = arith.constant 0 : index
    %swap3A_25 = vector.load %arg6[%swap3A, %swap3A_24] : memref<2000x128xf32, #tpu.memory_space<vmem>>, vector<2000x128xf32>
    tpu.vector_store %arg6[%swap3A, %swap3A_24], %dot_general3A_23 {strides = array<i32>} : memref<2000x128xf32, #tpu.memory_space<vmem>>, vector<2000x128xf32>,
    %get3A_26 = arith.constant 0 : index
    %get3A_27 = arith.constant 0 : index
    %get3A_28 = vector.load %arg5[%get3A_26, %get3A_27] : memref<128x128xf32, #tpu.memory_space<vmem>>, vector<128x128xf32>
    %dot_general3A_29 = arith.constant dense<0.000000e+00> : vector<2000x128xf32>
    %dot_general3A_30 = tpu.matmul %max3A_19, %get3A_28, %dot_general3A_29 {dimension_numbers = #tpu.dot_dimension_numbers<[1], [0], [0], [1], [0, 0, 1, 1], [], []>, transpose_lhs_hint = false} : vector<2000x128xf32>, vector<128x128xf32>, vector<2000x128xf32> -> vector<2000x128xf32>
    %swap3A_31 = arith.constant 0 : index
    %swap3A_32 = arith.constant 0 : index
    %swap3A_33 = vector.load %arg7[%swap3A_31, %swap3A_32] : memref<2000x128xf32, #tpu.memory_space<vmem>>, vector<2000x128xf32>
    tpu.vector_store %arg7[%swap3A_31, %swap3A_32], %dot_general3A_30 {strides = array<i32>} : memref<2000x128xf32, #tpu.memory_space<vmem>>, vector<2000x128xf32>,
    return
  }
  func.func @transform_0(%arg0: i32) -> (i32, i32) {
    %c0_i32 = arith.constant 0 : i32
    %c0_i32_0 = arith.constant 0 : i32
    return %arg0, %c0_i32 : i32, i32
  }
  func.func @transform_1(%arg0: i32) -> (i32, i32, i32) {
    %c0_i32 = arith.constant 0 : i32
    %c0_i32_0 = arith.constant 0 : i32
    %c0_i32_1 = arith.constant 0 : i32
    return %c0_i32, %arg0, %c0_i32_0 : i32, i32, i32
  }
  func.func @transform_2(%arg0: i32) -> (i32, i32) {
    %c0_i32 = arith.constant 0 : i32
    %c0_i32_0 = arith.constant 0 : i32
    %c0_i32_1 = arith.constant 0 : i32
    return %c0_i32, %c0_i32_0 : i32, i32
  }
  func.func @transform_3(%arg0: i32) -> (i32, i32) {
    %c0_i32 = arith.constant 0 : i32
    %c0_i32_0 = arith.constant 0 : i32
    %c0_i32_1 = arith.constant 0 : i32
    return %c0_i32, %c0_i32_0 : i32, i32
  }
  func.func @transform_4(%arg0: i32) -> (i32, i32) {
    %c0_i32 = arith.constant 0 : i32
    %c0_i32_0 = arith.constant 0 : i32
    %c0_i32_1 = arith.constant 0 : i32
    return %c0_i32, %c0_i32_0 : i32, i32
  }
  func.func @transform_5(%arg0: i32) -> (i32, i32) {
    %c0_i32 = arith.constant 0 : i32
    %c0_i32_0 = arith.constant 0 : i32
    return %arg0, %c0_i32 : i32, i32
  }
  func.func @transform_6(%arg0: i32) -> (i32, i32) {
    %c0_i32 = arith.constant 0 : i32
    %c0_i32_0 = arith.constant 0 : i32
    return %arg0, %c0_i32 : i32, i32
  }
}

module attributes {stable_mosaic.version = 14 : i64} {
  func.func @body(%arg0: i32, %arg1: memref<2000x128xf32, #tpu.memory_space<vmem>>, %arg2: memref<2x2000x128xf32, #tpu.memory_space<vmem>>, %arg3: memref<1x128xf32, #tpu.memory_space<vmem>>, %arg4: memref<2000x128xf32, #tpu.memory_space<vmem>>) attributes {dimension_semantics = [#tpu.dimension_semantics<arbitrary>], iteration_bounds = array<i64: 5>, scalar_prefetch = 0 : i64, scratch_operands = 0 : i64, tpu.core_type = #tpu.core_type<tc>, window_params = [{transform_indices = @transform_0, window_bounds = array<i64: 2000, 128>}, {transform_indices = @transform_1, window_bounds = array<i64: 2, 2000, 128>}, {pipeline_mode = #tpu.pipeline_mode<synchronous>, transform_indices = @transform_2, window_bounds = array<i64: 1, 128>}, {transform_indices = @transform_3, window_bounds = array<i64: 2000, 128>}]} {
    %get3A = arith.constant 0 : index
    %get3A_0 = arith.constant 0 : index
    %get3A_1 = vector.load %arg1[%get3A, %get3A_0] : memref<2000x128xf32, #tpu.memory_space<vmem>>, vector<2000x128xf32>
    %get3A_2 = arith.constant 0 : index
    %get3A_3 = arith.constant 0 : index
    %get3A_4 = arith.constant 0 : index
    %get3A_5 = vector.load %arg2[%get3A_2, %get3A_3, %get3A_4] : memref<2x2000x128xf32, #tpu.memory_space<vmem>>, vector<1x2000x128xf32>
    %get3A_6 = vector.shape_cast %get3A_5 : vector<1x2000x128xf32> to vector<2000x128xf32>
    %add3A = arith.addf %get3A_1, %get3A_6 : vector<2000x128xf32>
    %get3A_7 = arith.constant 1 : index
    %get3A_8 = arith.constant 0 : index
    %get3A_9 = arith.constant 0 : index
    %get3A_10 = vector.load %arg2[%get3A_7, %get3A_8, %get3A_9] : memref<2x2000x128xf32, #tpu.memory_space<vmem>>, vector<1x2000x128xf32>
    %get3A_11 = vector.shape_cast %get3A_10 : vector<1x2000x128xf32> to vector<2000x128xf32>
    %add3A_12 = arith.addf %add3A, %get3A_11 : vector<2000x128xf32>
    %get3A_13 = arith.constant 0 : index
    %get3A_14 = arith.constant 0 : index
    %get3A_15 = vector.load %arg3[%get3A_13, %get3A_14] : memref<1x128xf32, #tpu.memory_space<vmem>>, vector<1x128xf32>
    %add3A_16 = vector.broadcast %get3A_15 : vector<1x128xf32> to vector<2000x128xf32>
    %add3A_17 = arith.addf %add3A_12, %add3A_16 : vector<2000x128xf32>
    %max3A = arith.constant 0.000000e+00 : f32
    %max3A_18 = vector.broadcast %max3A : f32 to vector<2000x128xf32>
    %max3A_19 = arith.maximumf %add3A_17, %max3A_18 : vector<2000x128xf32>
    %swap3A = arith.constant 0 : index
    %swap3A_20 = arith.constant 0 : index
    %swap3A_21 = vector.load %arg4[%swap3A, %swap3A_20] : memref<2000x128xf32, #tpu.memory_space<vmem>>, vector<2000x128xf32>
    tpu.vector_store %arg4[%swap3A, %swap3A_20], %max3A_19 {strides = array<i32>} : memref<2000x128xf32, #tpu.memory_space<vmem>>, vector<2000x128xf32>,
    return
  }
  func.func @transform_0(%arg0: i32) -> (i32, i32) {
    %c0_i32 = arith.constant 0 : i32
    %c0_i32_0 = arith.constant 0 : i32
    return %arg0, %c0_i32 : i32, i32
  }
  func.func @transform_1(%arg0: i32) -> (i32, i32, i32) {
    %c0_i32 = arith.constant 0 : i32
    %c0_i32_0 = arith.constant 0 : i32
    %c0_i32_1 = arith.constant 0 : i32
    return %c0_i32, %arg0, %c0_i32_0 : i32, i32, i32
  }
  func.func @transform_2(%arg0: i32) -> (i32, i32) {
    %c0_i32 = arith.constant 0 : i32
    %c0_i32_0 = arith.constant 0 : i32
    %c0_i32_1 = arith.constant 0 : i32
    return %c0_i32, %c0_i32_0 : i32, i32
  }
  func.func @transform_3(%arg0: i32) -> (i32, i32) {
    %c0_i32 = arith.constant 0 : i32
    %c0_i32_0 = arith.constant 0 : i32
    return %arg0, %c0_i32 : i32, i32
  }
}

</mosaic_0001>

<sc_bundles>
// kernel: kernel.11.cloned.1.call-start
scs
__scs_entry_jumppad:
0x0: {  	(pc) =	sbr.rel $0x88, $3  }
0x1: {  	(tag) =	ssettag $0x0;
	lr =	simm.s32 $0x1  }
0x2: {  	[smem:$0x3F8D] =	sst lr;
	_ =	strace $0xD0000000  }
0x3: {  	_ = 	snop  }
0x4: {  	_ = 	snop  }
0x5: {  	_ = 	snop  }
0x6: {  	_ = 	snop  }
0x7: {  	_ = 	snop  }
__scs_overlays_trampoline_lowered:
0x8: {  	[smem:$0x3F9C] =	sst s0  }
0x9: {  	[smem:$0x3F9D] =	sst s1  }
0xa: {  	[smem:$0x3F9E] =	sst s2  }
0xb: {  	[smem:$0x3F9F] =	sst s3  }
0xc: {  	[smem:$0x3FA0] =	sst s4  }
0xd: {  	[smem:$0x3FA1] =	sst s5  }
0xe: {  	[smem:$0x3FA2] =	sst s6  }
0xf: {  	[smem:$0x3FA3] =	sst s7  }
0x10: {  	[smem:$0x3FA4] =	sst s8  }
0x11: {  	[smem:$0x3FA5] =	sst s9;
	s0 =	simm.s32 @!p0 $0x0  }
0x12: {  	s1 =	sld [smem:$0x3F8B];
	s0 =	simm.s32 @p0 $0x1  }
0x13: {  	[smem:$0x3FA6] =	sst s0;
	s0 =	simm.s32 @!p1 $0x0  }
0x14: {  	s2 =	sld [smem:$0x3F8A];
	s0 =	simm.s32 @p1 $0x1  }
0x15: {  	[smem:$0x3FA7] =	sst s0;
	s0 =	simm.s32 @!p2 $0x0  }
0x16: {  	s3 =	sld [smem:$0x3FDB];
	s0 =	simm.s32 @p2 $0x1  }
0x17: {  	s4 =	simm.s32 $0x1BF5;
	[smem:$0x3FA9] =	sst s0  }
0x18: {  	s0 =	sld [smem:$0x3F8C];
	_ =	swait.ge [sflag:s4], $0x0  }
0x19: {  	s7 =	sld [smem:$0x3F8D]  }
0x1a: {  	s8 =	sadd.s32 $0xFFFFE003, lr  }
0x1b: {  	s9 =	sadd.s32 $0xFFFFFEF7, lr;
	s5 =	simm.s32 $0xFFFFFFFF;
	p2 =	slt.u32 s8, $0xFFFFF086  }
0x1c: {  	p1 =	slt.u32 s9, $0xF7A;
	s5 =	simm.s32 @!p2 $0x0  }
0x1d: {  	s5 =	simm.s32 @p1 $0x1;
	p0 =	seq.s32 s7, s2  }
0x1e: {  	s7 =	smul.u32 @!p0 $0xF7A, s2;
	p2 =	seq.s32 @!p0 s5, $0x0  }
0x1f: {  	s9 =	smul.u32 $0xF7A, s1;
	s8 =	simm.s32 @!p0 $0x1BF5;
	p2 =	por !p2, p0  }
0x20: {  	[sflag:s8] =	ssyncset.s32 @!p0 $0xFFFFF086;
	s6 =	sadd.s32 @!p0 s3, s7;
	s7 =	simm.s32 @!p0 $0x108  }
0x21: {  	s3 =	sadd.s32 s3, s9;
	s6 =	sadd.s32 @!p0 $0x88, s6;
	s7 =	simm.s32 @p2 $0x1082  }
0x22: {  	[simem:s7], [sflag:s8] =	dma.local @!p0 [hbm:s6], $0xF7A  }
0x23: {  	s9 =	sor.u32 $0xD0000000, s2;
	s6 =	simm.s32 $0x108;
	_ =	swait.ge @!p0 [sflag:s8], $0x0  }
0x24: {  	s3 =	sadd.s32 $0x88, s3;
	s6 =	simm.s32 @!p1 $0x1082;
	[sflag:s4] =	ssyncset.s32 $0xFFFFF086  }
0x25: {  	[simem:s6], [sflag:s4] =	dma.local [hbm:s3], $0xF7A  }
0x26: {  	[smem:$0x3F8D] =	sst s1;
	(tag) =	ssettag s2;
	_ =	strace s9  }
0x27: {  	s1 =	sld [smem:$0x3F9D]  }
0x28: {  	s2 =	sld [smem:$0x3F9E]  }
0x29: {  	s4 =	sld [smem:$0x3FA0]  }
0x2a: {  	p0 =	seq.s32 s5, $0x0;
	s5 =	sld [smem:$0x3FA1]  }
0x2b: {  	s6 =	sld [smem:$0x3FA2]  }
0x2c: {  	s7 =	sld [smem:$0x3FA3]  }
0x2d: {  	s3 =	simm.s32 $0x108;
	s8 =	sld [smem:$0x3FA4]  }
0x2e: {  	s3 =	simm.s32 @!p0 $0x1082;
	s9 =	sld [smem:$0x3FA5]  }
0x2f: {  	lr =	sadd.s32 s0, s3;
	s0 =	sld [smem:$0x3F9C]  }
0x30: {  	s3 =	sld [smem:$0x3F9F]  }
0x31: {  	[smem:$0x3FA8] =	sst s10  }
0x32: {  	s10 =	sld [smem:$0x3FA6];
	_ =	sdelay $0x3  }
0x33: {  	p0 =	seq.s32 s10, $0x1;
	s10 =	sld [smem:$0x3FA8];
	_ =	sdelay $0x3  }
0x34: {  	[smem:$0x3FA8] =	sst s10  }
0x35: {  	s10 =	sld [smem:$0x3FA7];
	_ =	sdelay $0x3  }
0x36: {  	p1 =	seq.s32 s10, $0x1;
	s10 =	sld [smem:$0x3FA8];
	_ =	sdelay $0x3  }
0x37: {  	[smem:$0x3FA8] =	sst s10  }
0x38: {  	s10 =	sld [smem:$0x3FA9]  }
0x39: {  	_ = 	snop;
	(pc) =	sbr.ind lr, $3  }
0x3a: {  	_ = 	snop  }
0x3b: {  	_ = 	snop  }
0x3c: {  	p2 =	seq.s32 s10, $0x1;
	s10 =	sld [smem:$0x3FA8]  }
0x3d: {  	_ =	shalt  }
0x3e: {  	_ =	shalt  }
0x3f: {  	_ =	shalt  }
0x40: {  	_ =	shalt  }
0x41: {  	_ =	shalt  }
0x42: {  	_ =	shalt  }
0x43: {  	_ =	shalt  }
0x44: {  	_ =	shalt  }
0x45: {  	_ =	shalt  }
0x46: {  	_ =	shalt  }
0x47: {  	_ =	shalt  }
0x48: {  	_ =	shalt  }
0x49: {  	_ =	shalt  }
0x4a: {  	_ =	shalt  }
0x4b: {  	_ =	shalt  }
0x4c: {  	_ =	shalt  }
0x4d: {  	_ =	shalt  }
0x4e: {  	_ =	shalt  }
0x4f: {  	_ =	shalt  }
0x50: {  	_ =	shalt  }
0x51: {  	_ =	shalt  }
0x52: {  	_ =	shalt  }
0x53: {  	_ =	shalt  }
0x54: {  	_ =	shalt  }
0x55: {  	_ =	shalt  }
0x56: {  	_ =	shalt  }
0x57: {  	_ =	shalt  }
0x58: {  	_ =	shalt  }
0x59: {  	_ =	shalt  }
0x5a: {  	_ =	shalt  }
0x5b: {  	_ =	shalt  }
0x5c: {  	_ =	shalt  }
0x5d: {  	_ =	shalt  }
0x5e: {  	_ =	shalt  }
0x5f: {  	_ =	shalt  }
0x60: {  	_ =	shalt  }
0x61: {  	_ =	shalt  }
0x62: {  	_ =	shalt  }
0x63: {  	_ =	shalt  }
0x64: {  	_ =	shalt  }
0x65: {  	_ =	shalt  }
0x66: {  	_ =	shalt  }
0x67: {  	_ =	shalt  }
0x68: {  	_ =	shalt  }
0x69: {  	_ =	shalt  }
0x6a: {  	_ =	shalt  }
0x6b: {  	_ =	shalt  }
0x6c: {  	_ =	shalt  }
0x6d: {  	_ =	shalt  }
0x6e: {  	_ =	shalt  }
0x6f: {  	_ =	shalt  }
0x70: {  	_ =	shalt  }
0x71: {  	_ =	shalt  }
0x72: {  	_ =	shalt  }
0x73: {  	_ =	shalt  }
0x74: {  	_ =	shalt  }
0x75: {  	_ =	shalt  }
0x76: {  	_ =	shalt  }
0x77: {  	_ =	shalt  }
0x78: {  	_ =	shalt  }
0x79: {  	_ =	shalt  }
0x7a: {  	_ =	shalt  }
0x7b: {  	_ =	shalt  }
0x7c: {  	_ =	shalt  }
0x7d: {  	_ =	shalt  }
0x7e: {  	_ =	shalt  }
0x7f: {  	_ =	shalt  }
0x80: {  	_ =	shalt  }
0x81: {  	_ =	shalt  }
0x82: {  	_ =	shalt  }
0x83: {  	_ =	shalt  }
0x84: {  	_ =	shalt  }
0x85: {  	_ =	shalt  }
0x86: {  	_ =	shalt  }
0x87: {  	_ =	shalt  }
.Lfunc_end0:
.L_simem_size_0:
called_computation_lowered:
.L_overlay_start_0:
0x88: {  	s2 =	sld [smem:$0x3FD9]  }
0x89: {  	s3 =	sld [smem:$0x3FFE];
	_ =	sdelay $0x1  }
0x8a: {  	s1 =	srdreg.scid  }
0x8b: {  	s0 =	sand.u32 $0x1, s1  }
0x8c: {  	s17 =	sshll.u32 s0, $0xA;
	s2 =	sadd.s32 s3, s2  }
0x8d: {  	s2 =	sadd.s32 s2, s17  }
0x8e: {  	[smem:$0x3FB4] =	sst s2  }
0x8f: {  	_ = 	snop  }
0x90: {  	s2 =	sld [smem:$0x3FD0];
	(tm) =	ssettm $0x1  }
0x91: {  	s18 =	sld [smem:$0x3FFB];
	_ =	sdelay $0x3  }
0x92: {  	_ =	strace s18  }
0x93: {  	s3 =	sld [smem:$0x3FFC];
	_ =	sdelay $0x3  }
0x94: {  	_ =	strace s3  }
0x95: {  	s3 =	sld [smem:$0x3FFD];
	_ =	sdelay $0x3  }
0x96: {  	_ =	strace s3  }
0x97: {  	_ =	strace $0x8FFFFFFF  }
0x98: {  	s19 =	sld [smem:$0x3FDB];
	_ =	sdelay $0x1  }
0x99: {  	s4 =	simm.s32 $_scs_section_size  }
0x9a: {  	s5 =	simm.s32 $_size__tile_overlayer_lowered;
	s6 =	simm.s32 $_tile_overlayer_lowered  }
0x9b: {  	s22 =	simm.s32 $0x1BFF;
	s21 =	sshll.u32 s6, $0x1;
	s3 =	sadd.s32 s4, s19  }
0x9c: {  	s7 =	simm.s32 $0x0;
	s20 =	sshll.u32 s5, $0x1;
	s5 =	sadd.s32 s21, s3  }
0x9d: {  	[timem:s7], [sflag:s22] =	dma.local [hbm:s5], s20  }
0x9e: {  	_ =	swait.ge [sflag:s22], s20  }
0x9f: {  	s4 =	ssub.s32 $0x0, s20;
	[sflag:s22] =	ssyncset.done $0x0  }
0xa0: {  	[sflag:s22] =	ssyncadd.s32 s4;
	_ =	sdelay $0x1  }
0xa1: {  	s23 =	simm.s32 $0x1B8B  }
0xa2: {  	_ =	swait.ge [sflag:s23], $0x1  }
0xa3: {  	[sflag:s23] =	ssyncset.done $0x0  }
0xa4: {  	s25 =	simm.s32 $0x1B8E;
	s24 =	sld [smem:$0x3FFE];
	[sflag:s23] =	ssyncadd.s32 $0xFFFFFFFF  }
0xa5: {  	s26 =	simm.s32 $execute0_lowered;
	[smem:$0x3FD2] =	sst s25  }
0xa6: {  	s5 =	sshll.u32 s26, $0x1;
	_ =	strace $0x80000046;
	[dreg:$0x1] =	wrdreg $0xFFFFFFFF  }
0xa7: {  	s28 =	simm.s32 $_size_execute0_lowered;
	s3 =	sadd.s32 s3, s5;
	[dreg:$0x0] =	wrdreg $0x0  }
0xa8: {  	s5 =	sshll.u32 s28, $0x1;
	[dreg:$0x2] =	wrdreg s3  }
0xa9: {  	[dreg:$0x3] =	wrdreg s5  }
0xaa: {  	[dreg:$0x4] =	wrdreg $0xC0  }
0xab: {  	_ =	task [dreg:s7], $0x5FFFF  }
0xac: {  	[dreg:$0x1] =	wrdreg $0xFFFFFFFF  }
0xad: {  	[dreg:$0x0] =	wrdreg $0x60  }
0xae: {  	[dreg:$0x2] =	wrdreg s2  }
0xaf: {  	[dreg:$0x3] =	wrdreg s24  }
0xb0: {  	[dreg:$0x4] =	wrdreg $0xBF800  }
0xb1: {  	[dreg:$0x5] =	wrdreg $0x9  }
0xb2: {  	_ =	task.clear_ibuf [dreg:s7], $0x6FFFF;
	_ =	strace $0x90000046  }
0xb3: {  	s29 =	simm.s32 $0x9;
	_ =	strace $0x80000048  }
0xb4: {  	_ =	swait.ge [sflag:s29], $0x1  }
0xb5: {  	[sflag:s29] =	ssyncadd.s32 $0xFFFFFFFF  }
0xb6: {  	_ =	strace $0x90000048  }
0xb7: {  	_ =	sfence  }
0xb8: {  	s30 =	sld [smem:$0x0];
	_ =	sdelay $0x2  }
0xb9: {  	s31 =	sshll.u32 s1, $0xD;
	s1 =	sshrl.u32 s1, $0x2  }
0xba: {  	s3 =	sand.u32 $0x4000, s31;
	s1 =	sadd.s32 s1, s30  }
0xbb: {  	s0 =	sor.u32 s3, s0;
	s1 =	sshll.u32 s1, $0x11  }
0xbc: {  	s0 =	sor.u32 s1, s0  }
0xbd: {  	s0 =	sadd.s32 $0x8F2B, s0  }
0xbe: {  	[sflag:s0] =	ssyncadd.remote.s32 $0x1  }
0xbf: {  	_ =	sfence.sel $0xFFFF  }
0xc0: {  	[dreg:$0x0] =	wrdreg $0xFFFFFFFF;
	(pc) =	sbr.abs _section_cstart, $3  }
0xc1: {  	[dreg:$0x1] =	wrdreg $0xFFFFFFFF  }
0xc2: {  	_ =	task.clear_ibuf [dreg:s7], $0x2FFFF;
	_ =	strace $0x9FFFFFFF  }
0xc3: {  	(tm) =	ssettm $0x7FFFFFFF  }
tec
execute0_lowered:
.L_overlay_start_1:
0x0: {  	(tag) =	ssettag $0x1  }
0x1: {  	s1 =	rddreg [dreg:$0x0]  }
0x2: {  	s0 =	srdreg.scid;
	s5 =	rddreg [dreg:$0x1]  }
0x3: {  	s10 =	stileid.u32;
	s3 =	rddreg [dreg:$0x2]  }
0x4: {  	s17 =	simm.s32 $0x5;
	s19 =	simm.s32 $0x30;
	s20 =	simm.s32 $0x8F80  }
0x5: {  	s21 =	simm.s32 $0xA780;
	s22 =	simm.s32 $0x5F80;
	s28 =	simm.s32 $0x1  }
0x6: {  	s29 =	simm.s32 $0x2;
	s30 =	simm.s32 $0x60;
	s8 =	smul.u32 $0x4F000, s10  }
0x7: {  	s0 =	sand.u32 $0x1, s0;
	s7 =	sshll.u32 s10, $0x7;
	s15 =	smul.u32 $0x2780, s10  }
0x8: {  	s2 =	sshll.u32 s0, $0x4;
	s23 =	smul.u32 $0x27800, s0;
	s0 =	ssub.s32 $0x2, s0  }
0x9: {  	s7 =	sand.u32 $0x380, s7;
	s2 =	sor.u32 s10, s2;
	s24 =	sshrl.u32 s0, $0x1  }
0xa: {  	s25 =	sshrl.u32 s8, $0x2;
	s4 =	sshrl.u32 s2, $0x3;
	s2 =	smul.u32 $0x700, s2  }
0xb: {  	s9 =	sadd.s32 s23, s5;
	s0 =	ssub.s32 s0, s24;
	s6 =	smul.u32 $0x13C00, s4  }
0xc: {  	s23 =	simm.s32 $0x3;
	s4 =	simm.s32 $0x0;
	s31 =	sadd.s32 $0x1C400, s9  }
0xd: {  	s9 =	smax.u32 s0, $0x1;
	[smem:$0x7FF] =	sst s4;
	s6 =	sor.u32 s7, s6  }
0xe: {  	s2 =	sadd.s32 s2, s5;
	s24 =	sadd.s32 s15, s31;
	s6 =	sshrl.u32 s6, $0x3  }
0xf: {  	_ =	strace $0x80000047;
	s7 =	sadd.s32 $0x4600, s2;
	s6 =	sadd.s32 s6, s5  }
0x10: {  	s2 =	simm.s32 $0x0;
	s26 =	sadd.s32 $0x12600, s6;
	s6 =	sadd.s32 s25, s3  }
0x11: {  	s25 =	simm.s32 $0x4;
	[dreg:$0x4] =	wrdreg s26;
	s8 =	sadd.s32 $0x12000, s6  }
0x12: {  	s10 =	sadd.s32 $0x3000, s6;
	s11 =	sadd.s32 $0x6000, s6;
	s12 =	sadd.s32 $0x9000, s6  }
0x13: {  	v0 =	vimm.f32 $0.0e+00;
	s13 =	sadd.s32 $0xC000, s6;
	s14 =	sadd.s32 $0xF000, s6;
	s26 =	simm.s32 $0x7780  }
.LBB2_1:
0x14: {  	s0 =	rddreg [dreg:$0x4];
	s5 =	simm.s32 $0x80;
	s15 =	simm.s32 $0x400  }
0x15: {  	[tilespmem:s4], [sflag:$0x5] =	stream.strided.gather [hbm4b:s0+s5], $0x2780, s15, s5, $0x38;
	[tilespmem:$0x1FB80] =	vst v63  }
0x16: {  	_ =	swait.ge [sflag:s17], $0x2780  }
0x17: {  	[sflag:s17] =	ssyncset.done $0x0  }
0x18: {  	s31 =	simm.s32 $0x2780;
	[sflag:s17] =	ssyncadd.s32 $0xFFFFD880  }
0x19: {  	[tilespmem:s31], [sflag:$0x4] =	stream.linear.gather [hbm4b:s7+s4], $0x3480, $0x38;
	[tilespmem:$0x1FB80] =	vst v63  }
0x1a: {  	_ = 	snop  }
0x1b: {  	[tilespmem:s20], [sflag:$0x1] =	stream.indirect.gather [hbm4b:s1+s19], $0x80, s4, s19, $0xb8;
	[tilespmem:$0x1FB80] =	vst v63  }
0x1c: {  	s0 =	simm.s32 $0x70;
	s15 =	simm.s32 $0x3C0  }
0x1d: {  	[tilespmem:s21], [sflag:$0x2] =	stream.indirect.gather [hbm4b:s1+s19], $0x80, s19, s19, $0xb8;
	[tilespmem:$0x1FB80] =	vst v63  }
.LBB2_2:
0x1e: {  	p0 =	sne.s32 s15, $0xBFC0;
	[tilespmem:s0+$0x5F80] =	vst v0  }
0x1f: {  	[tilespmem:s0+$0x5F10] =	vst v0  }
0x20: {  	[tilespmem:s0+$0x5F20] =	vst v0  }
.Ltmp0:
0x21: {  	[tilespmem:s0+$0x5F30] =	vst v0;
	(pc) =	sbr.rel @p0 .LBB2_2-.Ltmp0, $4  }
0x22: {  	[tilespmem:s0+$0x5F40] =	vst v0  }
0x23: {  	[tilespmem:s0+$0x5F50] =	vst v0  }
0x24: {  	[tilespmem:s0+$0x5F60] =	vst v0  }
0x25: {  	[tilespmem:s0+$0x5F70] =	vst v0;
	s0 =	sshra.s32 s15, $0x2;
	s15 =	sadd.s32 $0x200, s15  }
0x26: {  	[tilespmem:s0+$0x5F80] =	vst v0  }
0x27: {  	[tilespmem:s0+$0x5F10] =	vst v0  }
0x28: {  	[tilespmem:s0+$0x5F20] =	vst v0  }
0x29: {  	[tilespmem:s0+$0x5F30] =	vst v0  }
0x2a: {  	[tilespmem:s0+$0x5F40] =	vst v0  }
0x2b: {  	[tilespmem:s0+$0x5F50] =	vst v0  }
0x2c: {  	[tilespmem:s0+$0x5F60] =	vst v0  }
0x2d: {  	[tilespmem:s0+$0x5F70] =	vst v0  }
0x2e: {  	[spmem:s6] =	stream.linear.scatter [tilespmem:s22], [sflag:$0x3], $0x3000, $0x38;
	[tilespmem:$0x1FB80] =	vst v63  }
0x2f: {  	_ = 	snop  }
0x30: {  	[spmem:s10] =	stream.linear.scatter [tilespmem:s22], [sflag:$0x3], $0x3000, $0x38;
	[tilespmem:$0x1FB80] =	vst v63  }
0x31: {  	_ = 	snop  }
0x32: {  	[spmem:s11] =	stream.linear.scatter [tilespmem:s22], [sflag:$0x3], $0x3000, $0x38;
	[tilespmem:$0x1FB80] =	vst v63  }
0x33: {  	_ = 	snop  }
0x34: {  	[spmem:s12] =	stream.linear.scatter [tilespmem:s22], [sflag:$0x3], $0x3000, $0x38;
	[tilespmem:$0x1FB80] =	vst v63  }
0x35: {  	_ = 	snop  }
0x36: {  	[spmem:s13] =	stream.linear.scatter [tilespmem:s22], [sflag:$0x3], $0x3000, $0x38;
	[tilespmem:$0x1FB80] =	vst v63  }
0x37: {  	_ = 	snop  }
0x38: {  	[spmem:s14] =	stream.linear.scatter [tilespmem:s22], [sflag:$0x3], $0x3000, $0x38;
	[tilespmem:$0x1FB80] =	vst v63  }
0x39: {  	_ = 	snop  }
0x3a: {  	[spmem:s8] =	stream.linear.scatter [tilespmem:s22], [sflag:$0x3], $0x1C00, $0x38;
	[tilespmem:$0x1FB80] =	vst v63  }
0x3b: {  	_ =	swait.ge [sflag:s23], $0x3000  }
0x3c: {  	[sflag:s23] =	ssyncset.done $0x0  }
0x3d: {  	[sflag:s23] =	ssyncadd.s32 $0xFFFFD000  }
0x3e: {  	_ =	swait.ge [sflag:s23], $0x3000  }
0x3f: {  	[sflag:s23] =	ssyncset.done $0x0  }
0x40: {  	[sflag:s23] =	ssyncadd.s32 $0xFFFFD000  }
0x41: {  	_ =	swait.ge [sflag:s23], $0x3000  }
0x42: {  	[sflag:s23] =	ssyncset.done $0x0  }
0x43: {  	[sflag:s23] =	ssyncadd.s32 $0xFFFFD000  }
0x44: {  	_ =	swait.ge [sflag:s23], $0x3000  }
0x45: {  	[sflag:s23] =	ssyncset.done $0x0  }
0x46: {  	[sflag:s23] =	ssyncadd.s32 $0xFFFFD000  }
0x47: {  	_ =	swait.ge [sflag:s23], $0x3000  }
0x48: {  	[sflag:s23] =	ssyncset.done $0x0  }
0x49: {  	[sflag:s23] =	ssyncadd.s32 $0xFFFFD000  }
0x4a: {  	_ =	swait.ge [sflag:s23], $0x3000  }
0x4b: {  	[sflag:s23] =	ssyncset.done $0x0  }
0x4c: {  	[sflag:s23] =	ssyncadd.s32 $0xFFFFD000  }
0x4d: {  	_ =	swait.ge [sflag:s23], $0x1C00  }
0x4e: {  	[sflag:s23] =	ssyncset.done $0x0  }
0x4f: {  	[sflag:s23] =	ssyncadd.s32 $0xFFFFE400  }
0x50: {  	_ =	swait.ge [sflag:s25], $0x3480  }
0x51: {  	[sflag:s25] =	ssyncset.done $0x0  }
0x52: {  	[sflag:s25] =	ssyncadd.s32 $0xFFFFCB80  }
0x53: {  	s31 =	simm.s32 $0x60;
	[bflag:$0x0] =	sbarrier.arrive $0xFFFF  }
0x54: {  	[tilespmem:s22], [sflag:$0x3] =	stream.indirect.gather [hbm4b:s1+s19], $0x80, s31, s19, $0xb8;
	[tilespmem:$0x1FB80] =	vst v63  }
0x55: {  	s5 =	simm.s32 $0x90  }
0x56: {  	[tilespmem:s26], [sflag:$0x4] =	stream.indirect.gather [hbm4b:s1+s19], $0x80, s5, s19, $0xb8;
	[tilespmem:$0x1FB80] =	vst v63  }
0x57: {  	_ =	swait.ge [sflag:s28], $0x1800  }
0x58: {  	[sflag:s28] =	ssyncset.done $0x0  }
0x59: {  	[sflag:s28] =	ssyncadd.s32 $0xFFFFE800  }
0x5a: {  	_ =	swait.ge [sflag:s29], $0x1800  }
0x5b: {  	[sflag:s29] =	ssyncset.done $0x0  }
0x5c: {  	s15 =	simm.s32 $0x2780;
	[sflag:s29] =	ssyncadd.s32 $0xFFFFE800  }
0x5d: {  	[spmem:s3] =	stream.indirect.scatter.add.f32 [tilespmem:s20], [sflag:$0x5], $0x80, s15, s30, $0xb8;
	[tilespmem:$0x1FB80] =	vst v63  }
0x5e: {  	_ =	swait.ge [sflag:s17], $0x3000  }
0x5f: {  	[sflag:s17] =	ssyncset.done $0x0  }
0x60: {  	s16 =	simm.s32 $0xC0;
	[sflag:s17] =	ssyncadd.s32 $0xFFFFD000  }
0x61: {  	[tilespmem:s20], [sflag:$0x1] =	stream.indirect.gather [hbm4b:s1+s19], $0x80, s16, s19, $0xb8;
	[tilespmem:$0x1FB80] =	vst v63  }
0x62: {  	s18 =	simm.s32 $0xF0  }
0x63: {  	[tilespmem:s21], [sflag:$0x2] =	stream.indirect.gather [hbm4b:s1+s19], $0x80, s18, s19, $0xb8;
	[tilespmem:$0x1FB80] =	vst v63  }
0x64: {  	_ =	swait.ge [sflag:s23], $0x1800  }
0x65: {  	[sflag:s23] =	ssyncset.done $0x0  }
0x66: {  	[sflag:s23] =	ssyncadd.s32 $0xFFFFE800  }
0x67: {  	_ =	swait.ge [sflag:s25], $0x1800  }
0x68: {  	[sflag:s25] =	ssyncset.done $0x0  }
0x69: {  	s31 =	simm.s32 $0x2800;
	[sflag:s25] =	ssyncadd.s32 $0xFFFFE800  }
0x6a: {  	[spmem:s3] =	stream.indirect.scatter.add.f32 [tilespmem:s22], [sflag:$0x5], $0x80, s31, s30, $0xb8;
	[tilespmem:$0x1FB80] =	vst v63  }
0x6b: {  	s0 =	simm.s32 $0x2880;
	_ =	swait.ge [sflag:s17], $0x3000  }
0x6c: {  	s15 =	simm.s32 $0xC0;
	s16 =	simm.s32 $0x600;
	[sflag:s17] =	ssyncset.done $0x0  }
.LBB2_4:
0x6d: {  	s18 =	sadd.s32 $0x60, s15  }
0x6e: {  	[sflag:s17] =	ssyncadd.s32 $0xFFFFD000;
	s31 =	smov.u32 s16;
	s5 =	sadd.s32 $0x300, s16  }
0x6f: {  	[tilespmem:s22], [sflag:$0x3] =	stream.indirect.gather [hbm4b:s1+s19], $0x80, s18, s19, $0xb8;
	[tilespmem:$0x1FB80] =	vst v63  }
0x70: {  	p0 =	sne.s32 s16, $0x9900;
	s16 =	sadd.s32 $0x90, s15  }
0x71: {  	[tilespmem:s26], [sflag:$0x4] =	stream.indirect.gather [hbm4b:s1+s19], $0x80, s16, s19, $0xb8;
	[tilespmem:$0x1FB80] =	vst v63  }
0x72: {  	_ =	swait.ge [sflag:s28], $0x1800  }
0x73: {  	[sflag:s28] =	ssyncset.done $0x0  }
0x74: {  	[sflag:s28] =	ssyncadd.s32 $0xFFFFE800  }
0x75: {  	_ =	swait.ge [sflag:s29], $0x1800  }
0x76: {  	[sflag:s29] =	ssyncset.done $0x0  }
0x77: {  	[sflag:s29] =	ssyncadd.s32 $0xFFFFE800  }
0x78: {  	[spmem:s3] =	stream.indirect.scatter.add.f32 [tilespmem:s20], [sflag:$0x5], $0x80, s0, s30, $0xb8;
	[tilespmem:$0x1FB80] =	vst v63  }
0x79: {  	_ =	swait.ge [sflag:s17], $0x3000  }
0x7a: {  	[sflag:s17] =	ssyncset.done $0x0  }
0x7b: {  	s16 =	sadd.s32 $0xC0, s15;
	[sflag:s17] =	ssyncadd.s32 $0xFFFFD000  }
0x7c: {  	[tilespmem:s20], [sflag:$0x1] =	stream.indirect.gather [hbm4b:s1+s19], $0x80, s16, s19, $0xb8;
	[tilespmem:$0x1FB80] =	vst v63  }
0x7d: {  	s15 =	sadd.s32 $0xF0, s15  }
0x7e: {  	[tilespmem:s21], [sflag:$0x2] =	stream.indirect.gather [hbm4b:s1+s19], $0x80, s15, s19, $0xb8;
	[tilespmem:$0x1FB80] =	vst v63  }
0x7f: {  	_ =	swait.ge [sflag:s23], $0x1800  }
0x80: {  	[sflag:s23] =	ssyncset.done $0x0  }
0x81: {  	[sflag:s23] =	ssyncadd.s32 $0xFFFFE800  }
0x82: {  	_ =	swait.ge [sflag:s25], $0x1800  }
.Ltmp1:
0x83: {  	[sflag:s25] =	ssyncset.done $0x0;
	(pc) =	sbr.rel @p0 .LBB2_4-.Ltmp1, $4  }
0x84: {  	s15 =	sadd.s32 $0x80, s0;
	[sflag:s25] =	ssyncadd.s32 $0xFFFFE800  }
0x85: {  	[spmem:s3] =	stream.indirect.scatter.add.f32 [tilespmem:s22], [sflag:$0x5], $0x80, s15, s30, $0xb8;
	[tilespmem:$0x1FB80] =	vst v63  }
0x86: {  	s16 =	smov.u32 s5;
	_ =	swait.ge [sflag:s17], $0x3000  }
0x87: {  	s0 =	sadd.s32 $0x100, s0;
	s15 =	sshra.s32 s31, $0x2;
	[sflag:s17] =	ssyncset.done $0x0  }
0x88: {  	s5 =	sadd.s32 $0x60, s15;
	[sflag:s17] =	ssyncadd.s32 $0xFFFFD000  }
0x89: {  	[tilespmem:s22], [sflag:$0x3] =	stream.indirect.gather [hbm4b:s1+s19], $0x80, s5, s19, $0xb8;
	[tilespmem:$0x1FB80] =	vst v63  }
0x8a: {  	s16 =	sadd.s32 $0x90, s15  }
0x8b: {  	[tilespmem:s26], [sflag:$0x4] =	stream.indirect.gather [hbm4b:s1+s19], $0x80, s16, s19, $0xb8;
	[tilespmem:$0x1FB80] =	vst v63  }
0x8c: {  	_ =	swait.ge [sflag:s28], $0x1800  }
0x8d: {  	[sflag:s28] =	ssyncset.done $0x0  }
0x8e: {  	[sflag:s28] =	ssyncadd.s32 $0xFFFFE800  }
0x8f: {  	_ =	swait.ge [sflag:s29], $0x1800  }
0x90: {  	[sflag:s29] =	ssyncset.done $0x0  }
0x91: {  	[sflag:s29] =	ssyncadd.s32 $0xFFFFE800  }
0x92: {  	[spmem:s3] =	stream.indirect.scatter.add.f32 [tilespmem:s20], [sflag:$0x5], $0x80, s0, s30, $0xb8;
	[tilespmem:$0x1FB80] =	vst v63  }
0x93: {  	_ =	swait.ge [sflag:s17], $0x3000  }
0x94: {  	[sflag:s17] =	ssyncset.done $0x0  }
0x95: {  	s18 =	sadd.s32 $0xC0, s15;
	[sflag:s17] =	ssyncadd.s32 $0xFFFFD000  }
0x96: {  	[tilespmem:s20], [sflag:$0x1] =	stream.indirect.gather [hbm4b:s1+s19], $0x80, s18, s19, $0xb8;
	[tilespmem:$0x1FB80] =	vst v63  }
0x97: {  	s31 =	sadd.s32 $0xF0, s15  }
0x98: {  	[tilespmem:s21], [sflag:$0x2] =	stream.indirect.gather [hbm4b:s1+s19], $0x80, s31, s19, $0xb8;
	[tilespmem:$0x1FB80] =	vst v63  }
0x99: {  	_ =	swait.ge [sflag:s23], $0x1800  }
0x9a: {  	[sflag:s23] =	ssyncset.done $0x0  }
0x9b: {  	[sflag:s23] =	ssyncadd.s32 $0xFFFFE800  }
0x9c: {  	_ =	swait.ge [sflag:s25], $0x1800  }
0x9d: {  	[sflag:s25] =	ssyncset.done $0x0  }
0x9e: {  	s15 =	sadd.s32 $0x80, s0;
	[sflag:s25] =	ssyncadd.s32 $0xFFFFE800  }
0x9f: {  	[spmem:s3] =	stream.indirect.scatter.add.f32 [tilespmem:s22], [sflag:$0x5], $0x80, s15, s30, $0xb8;
	[tilespmem:$0x1FB80] =	vst v63  }
0xa0: {  	_ =	swait.ge [sflag:s17], $0x3000  }
0xa1: {  	[sflag:s17] =	ssyncset.done $0x0  }
0xa2: {  	[sflag:s17] =	ssyncadd.s32 $0xFFFFD000  }
0xa3: {  	_ =	swait.ge [sflag:s28], $0x1800  }
0xa4: {  	[sflag:s28] =	ssyncset.done $0x0  }
0xa5: {  	[sflag:s28] =	ssyncadd.s32 $0xFFFFE800  }
0xa6: {  	_ =	swait.ge [sflag:s29], $0x1800  }
0xa7: {  	[sflag:s29] =	ssyncset.done $0x0  }
0xa8: {  	s16 =	simm.s32 $0x5B80;
	[sflag:s29] =	ssyncadd.s32 $0xFFFFE800  }
0xa9: {  	[spmem:s3] =	stream.indirect.scatter.add.f32 [tilespmem:s20], [sflag:$0x5], $0x80, s16, s30, $0xb8;
	[tilespmem:$0x1FB80] =	vst v63  }
0xaa: {  	s18 =	stileid.u32;
	_ =	swait.ge [sflag:s17], $0x3000  }
0xab: {  	s2 =	sadd.s32 $0x1, s2;
	s0 =	sshll.u32 s18, $0x6;
	[sflag:s17] =	ssyncset.done $0x0  }
0xac: {  	p0 =	sne.s32 s2, s9;
	s0 =	sor.u32 $0x1C05, s0;
	[sflag:s17] =	ssyncadd.s32 $0xFFFFD000  }
.Ltmp2:
0xad: {  	s31 =	sshrl.u32 s6, $0x3;
	[bflag:$0x0] =	sbarrier.arrive $0xFFFF;
	(pc) =	sbr.rel @p0 .LBB2_1-.Ltmp2, $4  }
0xae: {  	[hbm:s24], [sflag:s0] =	dma.local [spmem:s31], $0x2780  }
0xaf: {  	_ =	swait.ge [sflag:s17], $0x2780  }
0xb0: {  	[sflag:s17] =	ssyncset.done $0x0  }
0xb1: {  	[sflag:s17] =	ssyncadd.s32 $0xFFFFD880  }
0xb2: {  	_ =	sfence.sel $0x180000  }
0xb3: {  	[bflag:$0x0] =	sbarrier.arrive $0xFFFF  }
0xb4: {  	_ =	strace $0x90000047  }
0xb5: {  	s0 =	stileid.u32;
	[bflag:$0x2] =	sbarrier.arrive $0xFFFF  }
0xb6: {  	p0 =	sne.s32 s0, $0x0;
	s0 =	rddreg [dreg:$0x3]  }
0xb7: {  	s0 =	sadd.s32 @!p0 $0x100000, s0  }
0xb8: {  	[sflag:s0] =	ssyncadd.tile.s32 @!p0 $0x1;
	_ =	shalt  }
.Lfunc_end2:
_tile_overlayer_lowered:
.L_overlay_start_2:
0xb9: {  	(tag) =	ssettag $0x2  }
0xba: {  	s0 =	rddreg [dreg:$0x0];
	s2 =	stileid.u32  }
0xbb: {  	s1 =	rddreg [dreg:$0x1];
	p0 =	sne.s32 s2, $0x0  }
0xbc: {  	s3 =	rddreg [dreg:$0x2];
	[bflag:$0x3] =	sbarrier.arrive $0xFFFF;
	s2 =	simm.s32 @!p0 $0x1C05  }
0xbd: {  	[timem:s3], [sflag:s2] =	dma.local @!p0 [hbm:s0], s1  }
0xbe: {  	s0 =	simm.s32 @!p0 $0x5  }
0xbf: {  	_ =	swait.ge @!p0 [sflag:s0], s1  }
0xc0: {  	s1 =	ssub.s32 @!p0 $0x0, s1;
	[sflag:s0] =	ssyncset.done @!p0 $0x0  }
0xc1: {  	[sflag:s0] =	ssyncadd.s32 @!p0 s1  }
0xc2: {  	[bflag:$0x3] =	sbarrier.arrive $0xFFFF  }
0xc3: {  	_ =	shalt  }

// kernel: kernel.14.cloned.1.call-start
scs
__scs_entry_jumppad:
0x0: {  	(pc) =	sbr.rel $0x88, $3  }
0x1: {  	(tag) =	ssettag $0x0;
	lr =	simm.s32 $0x1  }
0x2: {  	[smem:$0x3F8D] =	sst lr;
	_ =	strace $0xD0000000  }
0x3: {  	_ = 	snop  }
0x4: {  	_ = 	snop  }
0x5: {  	_ = 	snop  }
0x6: {  	_ = 	snop  }
0x7: {  	_ = 	snop  }
__scs_overlays_trampoline_lowered:
0x8: {  	[smem:$0x3F9C] =	sst s0  }
0x9: {  	[smem:$0x3F9D] =	sst s1  }
0xa: {  	[smem:$0x3F9E] =	sst s2  }
0xb: {  	[smem:$0x3F9F] =	sst s3  }
0xc: {  	[smem:$0x3FA0] =	sst s4  }
0xd: {  	[smem:$0x3FA1] =	sst s5  }
0xe: {  	[smem:$0x3FA2] =	sst s6  }
0xf: {  	[smem:$0x3FA3] =	sst s7  }
0x10: {  	[smem:$0x3FA4] =	sst s8  }
0x11: {  	[smem:$0x3FA5] =	sst s9;
	s0 =	simm.s32 @!p0 $0x0  }
0x12: {  	s1 =	sld [smem:$0x3F8B];
	s0 =	simm.s32 @p0 $0x1  }
0x13: {  	[smem:$0x3FA6] =	sst s0;
	s0 =	simm.s32 @!p1 $0x0  }
0x14: {  	s2 =	sld [smem:$0x3F8A];
	s0 =	simm.s32 @p1 $0x1  }
0x15: {  	[smem:$0x3FA7] =	sst s0;
	s0 =	simm.s32 @!p2 $0x0  }
0x16: {  	s3 =	sld [smem:$0x3FDB];
	s0 =	simm.s32 @p2 $0x1  }
0x17: {  	s4 =	simm.s32 $0x1BF5;
	[smem:$0x3FA9] =	sst s0  }
0x18: {  	s0 =	sld [smem:$0x3F8C];
	_ =	swait.ge [sflag:s4], $0x0  }
0x19: {  	s7 =	sld [smem:$0x3F8D]  }
0x1a: {  	s8 =	sadd.s32 $0xFFFFE003, lr  }
0x1b: {  	s9 =	sadd.s32 $0xFFFFFEF7, lr;
	s5 =	simm.s32 $0xFFFFFFFF;
	p2 =	slt.u32 s8, $0xFFFFF086  }
0x1c: {  	p1 =	slt.u32 s9, $0xF7A;
	s5 =	simm.s32 @!p2 $0x0  }
0x1d: {  	s5 =	simm.s32 @p1 $0x1;
	p0 =	seq.s32 s7, s2  }
0x1e: {  	s7 =	smul.u32 @!p0 $0xF7A, s2;
	p2 =	seq.s32 @!p0 s5, $0x0  }
0x1f: {  	s9 =	smul.u32 $0xF7A, s1;
	s8 =	simm.s32 @!p0 $0x1BF5;
	p2 =	por !p2, p0  }
0x20: {  	[sflag:s8] =	ssyncset.s32 @!p0 $0xFFFFF086;
	s6 =	sadd.s32 @!p0 s3, s7;
	s7 =	simm.s32 @!p0 $0x108  }
0x21: {  	s3 =	sadd.s32 s3, s9;
	s6 =	sadd.s32 @!p0 $0x88, s6;
	s7 =	simm.s32 @p2 $0x1082  }
0x22: {  	[simem:s7], [sflag:s8] =	dma.local @!p0 [hbm:s6], $0xF7A  }
0x23: {  	s9 =	sor.u32 $0xD0000000, s2;
	s6 =	simm.s32 $0x108;
	_ =	swait.ge @!p0 [sflag:s8], $0x0  }
0x24: {  	s3 =	sadd.s32 $0x88, s3;
	s6 =	simm.s32 @!p1 $0x1082;
	[sflag:s4] =	ssyncset.s32 $0xFFFFF086  }
0x25: {  	[simem:s6], [sflag:s4] =	dma.local [hbm:s3], $0xF7A  }
0x26: {  	[smem:$0x3F8D] =	sst s1;
	(tag) =	ssettag s2;
	_ =	strace s9  }
0x27: {  	s1 =	sld [smem:$0x3F9D]  }
0x28: {  	s2 =	sld [smem:$0x3F9E]  }
0x29: {  	s4 =	sld [smem:$0x3FA0]  }
0x2a: {  	p0 =	seq.s32 s5, $0x0;
	s5 =	sld [smem:$0x3FA1]  }
0x2b: {  	s6 =	sld [smem:$0x3FA2]  }
0x2c: {  	s7 =	sld [smem:$0x3FA3]  }
0x2d: {  	s3 =	simm.s32 $0x108;
	s8 =	sld [smem:$0x3FA4]  }
0x2e: {  	s3 =	simm.s32 @!p0 $0x1082;
	s9 =	sld [smem:$0x3FA5]  }
0x2f: {  	lr =	sadd.s32 s0, s3;
	s0 =	sld [smem:$0x3F9C]  }
0x30: {  	s3 =	sld [smem:$0x3F9F]  }
0x31: {  	[smem:$0x3FA8] =	sst s10  }
0x32: {  	s10 =	sld [smem:$0x3FA6];
	_ =	sdelay $0x3  }
0x33: {  	p0 =	seq.s32 s10, $0x1;
	s10 =	sld [smem:$0x3FA8];
	_ =	sdelay $0x3  }
0x34: {  	[smem:$0x3FA8] =	sst s10  }
0x35: {  	s10 =	sld [smem:$0x3FA7];
	_ =	sdelay $0x3  }
0x36: {  	p1 =	seq.s32 s10, $0x1;
	s10 =	sld [smem:$0x3FA8];
	_ =	sdelay $0x3  }
0x37: {  	[smem:$0x3FA8] =	sst s10  }
0x38: {  	s10 =	sld [smem:$0x3FA9]  }
0x39: {  	_ = 	snop;
	(pc) =	sbr.ind lr, $3  }
0x3a: {  	_ = 	snop  }
0x3b: {  	_ = 	snop  }
0x3c: {  	p2 =	seq.s32 s10, $0x1;
	s10 =	sld [smem:$0x3FA8]  }
0x3d: {  	_ =	shalt  }
0x3e: {  	_ =	shalt  }
0x3f: {  	_ =	shalt  }
0x40: {  	_ =	shalt  }
0x41: {  	_ =	shalt  }
0x42: {  	_ =	shalt  }
0x43: {  	_ =	shalt  }
0x44: {  	_ =	shalt  }
0x45: {  	_ =	shalt  }
0x46: {  	_ =	shalt  }
0x47: {  	_ =	shalt  }
0x48: {  	_ =	shalt  }
0x49: {  	_ =	shalt  }
0x4a: {  	_ =	shalt  }
0x4b: {  	_ =	shalt  }
0x4c: {  	_ =	shalt  }
0x4d: {  	_ =	shalt  }
0x4e: {  	_ =	shalt  }
0x4f: {  	_ =	shalt  }
0x50: {  	_ =	shalt  }
0x51: {  	_ =	shalt  }
0x52: {  	_ =	shalt  }
0x53: {  	_ =	shalt  }
0x54: {  	_ =	shalt  }
0x55: {  	_ =	shalt  }
0x56: {  	_ =	shalt  }
0x57: {  	_ =	shalt  }
0x58: {  	_ =	shalt  }
0x59: {  	_ =	shalt  }
0x5a: {  	_ =	shalt  }
0x5b: {  	_ =	shalt  }
0x5c: {  	_ =	shalt  }
0x5d: {  	_ =	shalt  }
0x5e: {  	_ =	shalt  }
0x5f: {  	_ =	shalt  }
0x60: {  	_ =	shalt  }
0x61: {  	_ =	shalt  }
0x62: {  	_ =	shalt  }
0x63: {  	_ =	shalt  }
0x64: {  	_ =	shalt  }
0x65: {  	_ =	shalt  }
0x66: {  	_ =	shalt  }
0x67: {  	_ =	shalt  }
0x68: {  	_ =	shalt  }
0x69: {  	_ =	shalt  }
0x6a: {  	_ =	shalt  }
0x6b: {  	_ =	shalt  }
0x6c: {  	_ =	shalt  }
0x6d: {  	_ =	shalt  }
0x6e: {  	_ =	shalt  }
0x6f: {  	_ =	shalt  }
0x70: {  	_ =	shalt  }
0x71: {  	_ =	shalt  }
0x72: {  	_ =	shalt  }
0x73: {  	_ =	shalt  }
0x74: {  	_ =	shalt  }
0x75: {  	_ =	shalt  }
0x76: {  	_ =	shalt  }
0x77: {  	_ =	shalt  }
0x78: {  	_ =	shalt  }
0x79: {  	_ =	shalt  }
0x7a: {  	_ =	shalt  }
0x7b: {  	_ =	shalt  }
0x7c: {  	_ =	shalt  }
0x7d: {  	_ =	shalt  }
0x7e: {  	_ =	shalt  }
0x7f: {  	_ =	shalt  }
0x80: {  	_ =	shalt  }
0x81: {  	_ =	shalt  }
0x82: {  	_ =	shalt  }
0x83: {  	_ =	shalt  }
0x84: {  	_ =	shalt  }
0x85: {  	_ =	shalt  }
0x86: {  	_ =	shalt  }
0x87: {  	_ =	shalt  }
.Lfunc_end0:
.L_simem_size_0:
called_computation.1_lowered:
.L_overlay_start_0:
0x88: {  	s2 =	sld [smem:$0x3FD9]  }
0x89: {  	s3 =	sld [smem:$0x3FFE];
	_ =	sdelay $0x1  }
0x8a: {  	s1 =	srdreg.scid  }
0x8b: {  	s0 =	sand.u32 $0x1, s1  }
0x8c: {  	s17 =	sshll.u32 s0, $0xA;
	s2 =	sadd.s32 s3, s2  }
0x8d: {  	s2 =	sadd.s32 s2, s17  }
0x8e: {  	[smem:$0x3FB4] =	sst s2  }
0x8f: {  	_ = 	snop  }
0x90: {  	s2 =	sld [smem:$0x3FD0];
	(tm) =	ssettm $0x1  }
0x91: {  	s18 =	sld [smem:$0x3FFB];
	_ =	sdelay $0x3  }
0x92: {  	_ =	strace s18  }
0x93: {  	s3 =	sld [smem:$0x3FFC];
	_ =	sdelay $0x3  }
0x94: {  	_ =	strace s3  }
0x95: {  	s3 =	sld [smem:$0x3FFD];
	_ =	sdelay $0x3  }
0x96: {  	_ =	strace s3  }
0x97: {  	_ =	strace $0x8FFFFFFF  }
0x98: {  	s19 =	sld [smem:$0x3FDB];
	_ =	sdelay $0x1  }
0x99: {  	s4 =	simm.s32 $_scs_section_size  }
0x9a: {  	s5 =	simm.s32 $_size__tile_overlayer_lowered;
	s6 =	simm.s32 $_tile_overlayer_lowered  }
0x9b: {  	s22 =	simm.s32 $0x1BFF;
	s21 =	sshll.u32 s6, $0x1;
	s3 =	sadd.s32 s4, s19  }
0x9c: {  	s7 =	simm.s32 $0x0;
	s20 =	sshll.u32 s5, $0x1;
	s5 =	sadd.s32 s21, s3  }
0x9d: {  	[timem:s7], [sflag:s22] =	dma.local [hbm:s5], s20  }
0x9e: {  	_ =	swait.ge [sflag:s22], s20  }
0x9f: {  	s4 =	ssub.s32 $0x0, s20;
	[sflag:s22] =	ssyncset.done $0x0  }
0xa0: {  	[sflag:s22] =	ssyncadd.s32 s4;
	_ =	sdelay $0x1  }
0xa1: {  	s23 =	simm.s32 $0x1B8B  }
0xa2: {  	_ =	swait.ge [sflag:s23], $0x1  }
0xa3: {  	[sflag:s23] =	ssyncset.done $0x0  }
0xa4: {  	s25 =	simm.s32 $0x1B8E;
	s24 =	sld [smem:$0x3FFE];
	[sflag:s23] =	ssyncadd.s32 $0xFFFFFFFF  }
0xa5: {  	s26 =	simm.s32 $execute0_lowered;
	[smem:$0x3FD2] =	sst s25  }
0xa6: {  	s5 =	sshll.u32 s26, $0x1;
	_ =	strace $0x80000049;
	[dreg:$0x1] =	wrdreg $0xFFFFFFFF  }
0xa7: {  	s28 =	simm.s32 $_size_execute0_lowered;
	s3 =	sadd.s32 s3, s5;
	[dreg:$0x0] =	wrdreg $0x0  }
0xa8: {  	s5 =	sshll.u32 s28, $0x1;
	[dreg:$0x2] =	wrdreg s3  }
0xa9: {  	[dreg:$0x3] =	wrdreg s5  }
0xaa: {  	[dreg:$0x4] =	wrdreg $0xC0  }
0xab: {  	_ =	task [dreg:s7], $0x5FFFF  }
0xac: {  	[dreg:$0x1] =	wrdreg $0xFFFFFFFF  }
0xad: {  	[dreg:$0x0] =	wrdreg $0x60  }
0xae: {  	[dreg:$0x2] =	wrdreg s2  }
0xaf: {  	[dreg:$0x3] =	wrdreg s24  }
0xb0: {  	[dreg:$0x4] =	wrdreg $0xBF800  }
0xb1: {  	[dreg:$0x5] =	wrdreg $0x9  }
0xb2: {  	_ =	task.clear_ibuf [dreg:s7], $0x6FFFF;
	_ =	strace $0x90000049  }
0xb3: {  	s29 =	simm.s32 $0x9;
	_ =	strace $0x8000004B  }
0xb4: {  	_ =	swait.ge [sflag:s29], $0x1  }
0xb5: {  	[sflag:s29] =	ssyncadd.s32 $0xFFFFFFFF  }
0xb6: {  	_ =	strace $0x9000004B  }
0xb7: {  	_ =	sfence  }
0xb8: {  	s30 =	sld [smem:$0x0];
	_ =	sdelay $0x2  }
0xb9: {  	s31 =	sshll.u32 s1, $0xD;
	s1 =	sshrl.u32 s1, $0x2  }
0xba: {  	s3 =	sand.u32 $0x4000, s31;
	s1 =	sadd.s32 s1, s30  }
0xbb: {  	s0 =	sor.u32 s3, s0;
	s1 =	sshll.u32 s1, $0x11  }
0xbc: {  	s0 =	sor.u32 s1, s0  }
0xbd: {  	s0 =	sadd.s32 $0x8F2B, s0  }
0xbe: {  	[sflag:s0] =	ssyncadd.remote.s32 $0x1  }
0xbf: {  	_ =	sfence.sel $0xFFFF  }
0xc0: {  	[dreg:$0x0] =	wrdreg $0xFFFFFFFF;
	(pc) =	sbr.abs _section_cstart, $3  }
0xc1: {  	[dreg:$0x1] =	wrdreg $0xFFFFFFFF  }
0xc2: {  	_ =	task.clear_ibuf [dreg:s7], $0x2FFFF;
	_ =	strace $0x9FFFFFFF  }
0xc3: {  	(tm) =	ssettm $0x7FFFFFFF  }
tec
execute0_lowered:
.L_overlay_start_1:
0x0: {  	(tag) =	ssettag $0x1  }
0x1: {  	s1 =	rddreg [dreg:$0x0]  }
0x2: {  	s0 =	srdreg.scid;
	s5 =	rddreg [dreg:$0x1]  }
0x3: {  	s10 =	stileid.u32;
	s3 =	rddreg [dreg:$0x2]  }
0x4: {  	s17 =	simm.s32 $0x5;
	s19 =	simm.s32 $0x30;
	s20 =	simm.s32 $0x8F80  }
0x5: {  	s21 =	simm.s32 $0xA780;
	s22 =	simm.s32 $0x5F80;
	s28 =	simm.s32 $0x1  }
0x6: {  	s29 =	simm.s32 $0x2;
	s30 =	simm.s32 $0x60;
	s8 =	smul.u32 $0x4F000, s10  }
0x7: {  	s0 =	sand.u32 $0x1, s0;
	s7 =	sshll.u32 s10, $0x7;
	s15 =	smul.u32 $0x2780, s10  }
0x8: {  	s2 =	sshll.u32 s0, $0x4;
	s23 =	smul.u32 $0x27800, s0;
	s0 =	ssub.s32 $0x2, s0  }
0x9: {  	s7 =	sand.u32 $0x380, s7;
	s2 =	sor.u32 s10, s2;
	s24 =	sshrl.u32 s0, $0x1  }
0xa: {  	s25 =	sshrl.u32 s8, $0x2;
	s4 =	sshrl.u32 s2, $0x3;
	s2 =	smul.u32 $0x700, s2  }
0xb: {  	s9 =	sadd.s32 s23, s5;
	s0 =	ssub.s32 s0, s24;
	s6 =	smul.u32 $0x13C00, s4  }
0xc: {  	s23 =	simm.s32 $0x3;
	s4 =	simm.s32 $0x0;
	s31 =	sadd.s32 $0x1C400, s9  }
0xd: {  	s9 =	smax.u32 s0, $0x1;
	[smem:$0x7FF] =	sst s4;
	s6 =	sor.u32 s7, s6  }
0xe: {  	s2 =	sadd.s32 s2, s5;
	s24 =	sadd.s32 s15, s31;
	s6 =	sshrl.u32 s6, $0x3  }
0xf: {  	_ =	strace $0x8000004A;
	s7 =	sadd.s32 $0x4600, s2;
	s6 =	sadd.s32 s6, s5  }
0x10: {  	s2 =	simm.s32 $0x0;
	s26 =	sadd.s32 $0x12600, s6;
	s6 =	sadd.s32 s25, s3  }
0x11: {  	s25 =	simm.s32 $0x4;
	[dreg:$0x4] =	wrdreg s26;
	s8 =	sadd.s32 $0x12000, s6  }
0x12: {  	s10 =	sadd.s32 $0x3000, s6;
	s11 =	sadd.s32 $0x6000, s6;
	s12 =	sadd.s32 $0x9000, s6  }
0x13: {  	v0 =	vimm.f32 $0.0e+00;
	s13 =	sadd.s32 $0xC000, s6;
	s14 =	sadd.s32 $0xF000, s6;
	s26 =	simm.s32 $0x7780  }
.LBB2_1:
0x14: {  	s0 =	rddreg [dreg:$0x4];
	s5 =	simm.s32 $0x80;
	s15 =	simm.s32 $0x400  }
0x15: {  	[tilespmem:s4], [sflag:$0x5] =	stream.strided.gather [hbm4b:s0+s5], $0x2780, s15, s5, $0x38;
	[tilespmem:$0x1FB80] =	vst v63  }
0x16: {  	_ =	swait.ge [sflag:s17], $0x2780  }
0x17: {  	[sflag:s17] =	ssyncset.done $0x0  }
0x18: {  	s31 =	simm.s32 $0x2780;
	[sflag:s17] =	ssyncadd.s32 $0xFFFFD880  }
0x19: {  	[tilespmem:s31], [sflag:$0x4] =	stream.linear.gather [hbm4b:s7+s4], $0x3480, $0x38;
	[tilespmem:$0x1FB80] =	vst v63  }
0x1a: {  	_ = 	snop  }
0x1b: {  	[tilespmem:s20], [sflag:$0x1] =	stream.indirect.gather [hbm4b:s1+s19], $0x80, s4, s19, $0xb8;
	[tilespmem:$0x1FB80] =	vst v63  }
0x1c: {  	s0 =	simm.s32 $0x70;
	s15 =	simm.s32 $0x3C0  }
0x1d: {  	[tilespmem:s21], [sflag:$0x2] =	stream.indirect.gather [hbm4b:s1+s19], $0x80, s19, s19, $0xb8;
	[tilespmem:$0x1FB80] =	vst v63  }
.LBB2_2:
0x1e: {  	p0 =	sne.s32 s15, $0xBFC0;
	[tilespmem:s0+$0x5F80] =	vst v0  }
0x1f: {  	[tilespmem:s0+$0x5F10] =	vst v0  }
0x20: {  	[tilespmem:s0+$0x5F20] =	vst v0  }
.Ltmp0:
0x21: {  	[tilespmem:s0+$0x5F30] =	vst v0;
	(pc) =	sbr.rel @p0 .LBB2_2-.Ltmp0, $4  }
0x22: {  	[tilespmem:s0+$0x5F40] =	vst v0  }
0x23: {  	[tilespmem:s0+$0x5F50] =	vst v0  }
0x24: {  	[tilespmem:s0+$0x5F60] =	vst v0  }
0x25: {  	[tilespmem:s0+$0x5F70] =	vst v0;
	s0 =	sshra.s32 s15, $0x2;
	s15 =	sadd.s32 $0x200, s15  }
0x26: {  	[tilespmem:s0+$0x5F80] =	vst v0  }
0x27: {  	[tilespmem:s0+$0x5F10] =	vst v0  }
0x28: {  	[tilespmem:s0+$0x5F20] =	vst v0  }
0x29: {  	[tilespmem:s0+$0x5F30] =	vst v0  }
0x2a: {  	[tilespmem:s0+$0x5F40] =	vst v0  }
0x2b: {  	[tilespmem:s0+$0x5F50] =	vst v0  }
0x2c: {  	[tilespmem:s0+$0x5F60] =	vst v0  }
0x2d: {  	[tilespmem:s0+$0x5F70] =	vst v0  }
0x2e: {  	[spmem:s6] =	stream.linear.scatter [tilespmem:s22], [sflag:$0x3], $0x3000, $0x38;
	[tilespmem:$0x1FB80] =	vst v63  }
0x2f: {  	_ = 	snop  }
0x30: {  	[spmem:s10] =	stream.linear.scatter [tilespmem:s22], [sflag:$0x3], $0x3000, $0x38;
	[tilespmem:$0x1FB80] =	vst v63  }
0x31: {  	_ = 	snop  }
0x32: {  	[spmem:s11] =	stream.linear.scatter [tilespmem:s22], [sflag:$0x3], $0x3000, $0x38;
	[tilespmem:$0x1FB80] =	vst v63  }
0x33: {  	_ = 	snop  }
0x34: {  	[spmem:s12] =	stream.linear.scatter [tilespmem:s22], [sflag:$0x3], $0x3000, $0x38;
	[tilespmem:$0x1FB80] =	vst v63  }
0x35: {  	_ = 	snop  }
0x36: {  	[spmem:s13] =	stream.linear.scatter [tilespmem:s22], [sflag:$0x3], $0x3000, $0x38;
	[tilespmem:$0x1FB80] =	vst v63  }
0x37: {  	_ = 	snop  }
0x38: {  	[spmem:s14] =	stream.linear.scatter [tilespmem:s22], [sflag:$0x3], $0x3000, $0x38;
	[tilespmem:$0x1FB80] =	vst v63  }
0x39: {  	_ = 	snop  }
0x3a: {  	[spmem:s8] =	stream.linear.scatter [tilespmem:s22], [sflag:$0x3], $0x1C00, $0x38;
	[tilespmem:$0x1FB80] =	vst v63  }
0x3b: {  	_ =	swait.ge [sflag:s23], $0x3000  }
0x3c: {  	[sflag:s23] =	ssyncset.done $0x0  }
0x3d: {  	[sflag:s23] =	ssyncadd.s32 $0xFFFFD000  }
0x3e: {  	_ =	swait.ge [sflag:s23], $0x3000  }
0x3f: {  	[sflag:s23] =	ssyncset.done $0x0  }
0x40: {  	[sflag:s23] =	ssyncadd.s32 $0xFFFFD000  }
0x41: {  	_ =	swait.ge [sflag:s23], $0x3000  }
0x42: {  	[sflag:s23] =	ssyncset.done $0x0  }
0x43: {  	[sflag:s23] =	ssyncadd.s32 $0xFFFFD000  }
0x44: {  	_ =	swait.ge [sflag:s23], $0x3000  }
0x45: {  	[sflag:s23] =	ssyncset.done $0x0  }
0x46: {  	[sflag:s23] =	ssyncadd.s32 $0xFFFFD000  }
0x47: {  	_ =	swait.ge [sflag:s23], $0x3000  }
0x48: {  	[sflag:s23] =	ssyncset.done $0x0  }
0x49: {  	[sflag:s23] =	ssyncadd.s32 $0xFFFFD000  }
0x4a: {  	_ =	swait.ge [sflag:s23], $0x3000  }
0x4b: {  	[sflag:s23] =	ssyncset.done $0x0  }
0x4c: {  	[sflag:s23] =	ssyncadd.s32 $0xFFFFD000  }
0x4d: {  	_ =	swait.ge [sflag:s23], $0x1C00  }
0x4e: {  	[sflag:s23] =	ssyncset.done $0x0  }
0x4f: {  	[sflag:s23] =	ssyncadd.s32 $0xFFFFE400  }
0x50: {  	_ =	swait.ge [sflag:s25], $0x3480  }
0x51: {  	[sflag:s25] =	ssyncset.done $0x0  }
0x52: {  	[sflag:s25] =	ssyncadd.s32 $0xFFFFCB80  }
0x53: {  	s31 =	simm.s32 $0x60;
	[bflag:$0x0] =	sbarrier.arrive $0xFFFF  }
0x54: {  	[tilespmem:s22], [sflag:$0x3] =	stream.indirect.gather [hbm4b:s1+s19], $0x80, s31, s19, $0xb8;
	[tilespmem:$0x1FB80] =	vst v63  }
0x55: {  	s5 =	simm.s32 $0x90  }
0x56: {  	[tilespmem:s26], [sflag:$0x4] =	stream.indirect.gather [hbm4b:s1+s19], $0x80, s5, s19, $0xb8;
	[tilespmem:$0x1FB80] =	vst v63  }
0x57: {  	_ =	swait.ge [sflag:s28], $0x1800  }
0x58: {  	[sflag:s28] =	ssyncset.done $0x0  }
0x59: {  	[sflag:s28] =	ssyncadd.s32 $0xFFFFE800  }
0x5a: {  	_ =	swait.ge [sflag:s29], $0x1800  }
0x5b: {  	[sflag:s29] =	ssyncset.done $0x0  }
0x5c: {  	s15 =	simm.s32 $0x2780;
	[sflag:s29] =	ssyncadd.s32 $0xFFFFE800  }
0x5d: {  	[spmem:s3] =	stream.indirect.scatter.add.f32 [tilespmem:s20], [sflag:$0x5], $0x80, s15, s30, $0xb8;
	[tilespmem:$0x1FB80] =	vst v63  }
0x5e: {  	_ =	swait.ge [sflag:s17], $0x3000  }
0x5f: {  	[sflag:s17] =	ssyncset.done $0x0  }
0x60: {  	s16 =	simm.s32 $0xC0;
	[sflag:s17] =	ssyncadd.s32 $0xFFFFD000  }
0x61: {  	[tilespmem:s20], [sflag:$0x1] =	stream.indirect.gather [hbm4b:s1+s19], $0x80, s16, s19, $0xb8;
	[tilespmem:$0x1FB80] =	vst v63  }
0x62: {  	s18 =	simm.s32 $0xF0  }
0x63: {  	[tilespmem:s21], [sflag:$0x2] =	stream.indirect.gather [hbm4b:s1+s19], $0x80, s18, s19, $0xb8;
	[tilespmem:$0x1FB80] =	vst v63  }
0x64: {  	_ =	swait.ge [sflag:s23], $0x1800  }
0x65: {  	[sflag:s23] =	ssyncset.done $0x0  }
0x66: {  	[sflag:s23] =	ssyncadd.s32 $0xFFFFE800  }
0x67: {  	_ =	swait.ge [sflag:s25], $0x1800  }
0x68: {  	[sflag:s25] =	ssyncset.done $0x0  }
0x69: {  	s31 =	simm.s32 $0x2800;
	[sflag:s25] =	ssyncadd.s32 $0xFFFFE800  }
0x6a: {  	[spmem:s3] =	stream.indirect.scatter.add.f32 [tilespmem:s22], [sflag:$0x5], $0x80, s31, s30, $0xb8;
	[tilespmem:$0x1FB80] =	vst v63  }
0x6b: {  	s0 =	simm.s32 $0x2880;
	_ =	swait.ge [sflag:s17], $0x3000  }
0x6c: {  	s15 =	simm.s32 $0xC0;
	s16 =	simm.s32 $0x600;
	[sflag:s17] =	ssyncset.done $0x0  }
.LBB2_4:
0x6d: {  	s18 =	sadd.s32 $0x60, s15  }
0x6e: {  	[sflag:s17] =	ssyncadd.s32 $0xFFFFD000;
	s31 =	smov.u32 s16;
	s5 =	sadd.s32 $0x300, s16  }
0x6f: {  	[tilespmem:s22], [sflag:$0x3] =	stream.indirect.gather [hbm4b:s1+s19], $0x80, s18, s19, $0xb8;
	[tilespmem:$0x1FB80] =	vst v63  }
0x70: {  	p0 =	sne.s32 s16, $0x9900;
	s16 =	sadd.s32 $0x90, s15  }
0x71: {  	[tilespmem:s26], [sflag:$0x4] =	stream.indirect.gather [hbm4b:s1+s19], $0x80, s16, s19, $0xb8;
	[tilespmem:$0x1FB80] =	vst v63  }
0x72: {  	_ =	swait.ge [sflag:s28], $0x1800  }
0x73: {  	[sflag:s28] =	ssyncset.done $0x0  }
0x74: {  	[sflag:s28] =	ssyncadd.s32 $0xFFFFE800  }
0x75: {  	_ =	swait.ge [sflag:s29], $0x1800  }
0x76: {  	[sflag:s29] =	ssyncset.done $0x0  }
0x77: {  	[sflag:s29] =	ssyncadd.s32 $0xFFFFE800  }
0x78: {  	[spmem:s3] =	stream.indirect.scatter.add.f32 [tilespmem:s20], [sflag:$0x5], $0x80, s0, s30, $0xb8;
	[tilespmem:$0x1FB80] =	vst v63  }
0x79: {  	_ =	swait.ge [sflag:s17], $0x3000  }
0x7a: {  	[sflag:s17] =	ssyncset.done $0x0  }
0x7b: {  	s16 =	sadd.s32 $0xC0, s15;
	[sflag:s17] =	ssyncadd.s32 $0xFFFFD000  }
0x7c: {  	[tilespmem:s20], [sflag:$0x1] =	stream.indirect.gather [hbm4b:s1+s19], $0x80, s16, s19, $0xb8;
	[tilespmem:$0x1FB80] =	vst v63  }
0x7d: {  	s15 =	sadd.s32 $0xF0, s15  }
0x7e: {  	[tilespmem:s21], [sflag:$0x2] =	stream.indirect.gather [hbm4b:s1+s19], $0x80, s15, s19, $0xb8;
	[tilespmem:$0x1FB80] =	vst v63  }
0x7f: {  	_ =	swait.ge [sflag:s23], $0x1800  }
0x80: {  	[sflag:s23] =	ssyncset.done $0x0  }
0x81: {  	[sflag:s23] =	ssyncadd.s32 $0xFFFFE800  }
0x82: {  	_ =	swait.ge [sflag:s25], $0x1800  }
.Ltmp1:
0x83: {  	[sflag:s25] =	ssyncset.done $0x0;
	(pc) =	sbr.rel @p0 .LBB2_4-.Ltmp1, $4  }
0x84: {  	s15 =	sadd.s32 $0x80, s0;
	[sflag:s25] =	ssyncadd.s32 $0xFFFFE800  }
0x85: {  	[spmem:s3] =	stream.indirect.scatter.add.f32 [tilespmem:s22], [sflag:$0x5], $0x80, s15, s30, $0xb8;
	[tilespmem:$0x1FB80] =	vst v63  }
0x86: {  	s16 =	smov.u32 s5;
	_ =	swait.ge [sflag:s17], $0x3000  }
0x87: {  	s0 =	sadd.s32 $0x100, s0;
	s15 =	sshra.s32 s31, $0x2;
	[sflag:s17] =	ssyncset.done $0x0  }
0x88: {  	s5 =	sadd.s32 $0x60, s15;
	[sflag:s17] =	ssyncadd.s32 $0xFFFFD000  }
0x89: {  	[tilespmem:s22], [sflag:$0x3] =	stream.indirect.gather [hbm4b:s1+s19], $0x80, s5, s19, $0xb8;
	[tilespmem:$0x1FB80] =	vst v63  }
0x8a: {  	s16 =	sadd.s32 $0x90, s15  }
0x8b: {  	[tilespmem:s26], [sflag:$0x4] =	stream.indirect.gather [hbm4b:s1+s19], $0x80, s16, s19, $0xb8;
	[tilespmem:$0x1FB80] =	vst v63  }
0x8c: {  	_ =	swait.ge [sflag:s28], $0x1800  }
0x8d: {  	[sflag:s28] =	ssyncset.done $0x0  }
0x8e: {  	[sflag:s28] =	ssyncadd.s32 $0xFFFFE800  }
0x8f: {  	_ =	swait.ge [sflag:s29], $0x1800  }
0x90: {  	[sflag:s29] =	ssyncset.done $0x0  }
0x91: {  	[sflag:s29] =	ssyncadd.s32 $0xFFFFE800  }
0x92: {  	[spmem:s3] =	stream.indirect.scatter.add.f32 [tilespmem:s20], [sflag:$0x5], $0x80, s0, s30, $0xb8;
	[tilespmem:$0x1FB80] =	vst v63  }
0x93: {  	_ =	swait.ge [sflag:s17], $0x3000  }
0x94: {  	[sflag:s17] =	ssyncset.done $0x0  }
0x95: {  	s18 =	sadd.s32 $0xC0, s15;
	[sflag:s17] =	ssyncadd.s32 $0xFFFFD000  }
0x96: {  	[tilespmem:s20], [sflag:$0x1] =	stream.indirect.gather [hbm4b:s1+s19], $0x80, s18, s19, $0xb8;
	[tilespmem:$0x1FB80] =	vst v63  }
0x97: {  	s31 =	sadd.s32 $0xF0, s15  }
0x98: {  	[tilespmem:s21], [sflag:$0x2] =	stream.indirect.gather [hbm4b:s1+s19], $0x80, s31, s19, $0xb8;
	[tilespmem:$0x1FB80] =	vst v63  }
0x99: {  	_ =	swait.ge [sflag:s23], $0x1800  }
0x9a: {  	[sflag:s23] =	ssyncset.done $0x0  }
0x9b: {  	[sflag:s23] =	ssyncadd.s32 $0xFFFFE800  }
0x9c: {  	_ =	swait.ge [sflag:s25], $0x1800  }
0x9d: {  	[sflag:s25] =	ssyncset.done $0x0  }
0x9e: {  	s15 =	sadd.s32 $0x80, s0;
	[sflag:s25] =	ssyncadd.s32 $0xFFFFE800  }
0x9f: {  	[spmem:s3] =	stream.indirect.scatter.add.f32 [tilespmem:s22], [sflag:$0x5], $0x80, s15, s30, $0xb8;
	[tilespmem:$0x1FB80] =	vst v63  }
0xa0: {  	_ =	swait.ge [sflag:s17], $0x3000  }
0xa1: {  	[sflag:s17] =	ssyncset.done $0x0  }
0xa2: {  	[sflag:s17] =	ssyncadd.s32 $0xFFFFD000  }
0xa3: {  	_ =	swait.ge [sflag:s28], $0x1800  }
0xa4: {  	[sflag:s28] =	ssyncset.done $0x0  }
0xa5: {  	[sflag:s28] =	ssyncadd.s32 $0xFFFFE800  }
0xa6: {  	_ =	swait.ge [sflag:s29], $0x1800  }
0xa7: {  	[sflag:s29] =	ssyncset.done $0x0  }
0xa8: {  	s16 =	simm.s32 $0x5B80;
	[sflag:s29] =	ssyncadd.s32 $0xFFFFE800  }
0xa9: {  	[spmem:s3] =	stream.indirect.scatter.add.f32 [tilespmem:s20], [sflag:$0x5], $0x80, s16, s30, $0xb8;
	[tilespmem:$0x1FB80] =	vst v63  }
0xaa: {  	s18 =	stileid.u32;
	_ =	swait.ge [sflag:s17], $0x3000  }
0xab: {  	s2 =	sadd.s32 $0x1, s2;
	s0 =	sshll.u32 s18, $0x6;
	[sflag:s17] =	ssyncset.done $0x0  }
0xac: {  	p0 =	sne.s32 s2, s9;
	s0 =	sor.u32 $0x1C05, s0;
	[sflag:s17] =	ssyncadd.s32 $0xFFFFD000  }
.Ltmp2:
0xad: {  	s31 =	sshrl.u32 s6, $0x3;
	[bflag:$0x0] =	sbarrier.arrive $0xFFFF;
	(pc) =	sbr.rel @p0 .LBB2_1-.Ltmp2, $4  }
0xae: {  	[hbm:s24], [sflag:s0] =	dma.local [spmem:s31], $0x2780  }
0xaf: {  	_ =	swait.ge [sflag:s17], $0x2780  }
0xb0: {  	[sflag:s17] =	ssyncset.done $0x0  }
0xb1: {  	[sflag:s17] =	ssyncadd.s32 $0xFFFFD880  }
0xb2: {  	_ =	sfence.sel $0x180000  }
0xb3: {  	[bflag:$0x0] =	sbarrier.arrive $0xFFFF  }
0xb4: {  	_ =	strace $0x9000004A  }
0xb5: {  	s0 =	stileid.u32;
	[bflag:$0x2] =	sbarrier.arrive $0xFFFF  }
0xb6: {  	p0 =	sne.s32 s0, $0x0;
	s0 =	rddreg [dreg:$0x3]  }
0xb7: {  	s0 =	sadd.s32 @!p0 $0x100000, s0  }
0xb8: {  	[sflag:s0] =	ssyncadd.tile.s32 @!p0 $0x1;
	_ =	shalt  }
.Lfunc_end2:
_tile_overlayer_lowered:
.L_overlay_start_2:
0xb9: {  	(tag) =	ssettag $0x2  }
0xba: {  	s0 =	rddreg [dreg:$0x0];
	s2 =	stileid.u32  }
0xbb: {  	s1 =	rddreg [dreg:$0x1];
	p0 =	sne.s32 s2, $0x0  }
0xbc: {  	s3 =	rddreg [dreg:$0x2];
	[bflag:$0x3] =	sbarrier.arrive $0xFFFF;
	s2 =	simm.s32 @!p0 $0x1C05  }
0xbd: {  	[timem:s3], [sflag:s2] =	dma.local @!p0 [hbm:s0], s1  }
0xbe: {  	s0 =	simm.s32 @!p0 $0x5  }
0xbf: {  	_ =	swait.ge @!p0 [sflag:s0], s1  }
0xc0: {  	s1 =	ssub.s32 @!p0 $0x0, s1;
	[sflag:s0] =	ssyncset.done @!p0 $0x0  }
0xc1: {  	[sflag:s0] =	ssyncadd.s32 @!p0 s1  }
0xc2: {  	[bflag:$0x3] =	sbarrier.arrive $0xFFFF  }
0xc3: {  	_ =	shalt  }

// kernel: kernel.17.cloned.1.call-start
scs
__scs_entry_jumppad:
0x0: {  	(pc) =	sbr.rel $0x88, $3  }
0x1: {  	(tag) =	ssettag $0x0;
	lr =	simm.s32 $0x1  }
0x2: {  	[smem:$0x3F8D] =	sst lr;
	_ =	strace $0xD0000000  }
0x3: {  	_ = 	snop  }
0x4: {  	_ = 	snop  }
0x5: {  	_ = 	snop  }
0x6: {  	_ = 	snop  }
0x7: {  	_ = 	snop  }
__scs_overlays_trampoline_lowered:
0x8: {  	[smem:$0x3F9C] =	sst s0  }
0x9: {  	[smem:$0x3F9D] =	sst s1  }
0xa: {  	[smem:$0x3F9E] =	sst s2  }
0xb: {  	[smem:$0x3F9F] =	sst s3  }
0xc: {  	[smem:$0x3FA0] =	sst s4  }
0xd: {  	[smem:$0x3FA1] =	sst s5  }
0xe: {  	[smem:$0x3FA2] =	sst s6  }
0xf: {  	[smem:$0x3FA3] =	sst s7  }
0x10: {  	[smem:$0x3FA4] =	sst s8  }
0x11: {  	[smem:$0x3FA5] =	sst s9;
	s0 =	simm.s32 @!p0 $0x0  }
0x12: {  	s1 =	sld [smem:$0x3F8B];
	s0 =	simm.s32 @p0 $0x1  }
0x13: {  	[smem:$0x3FA6] =	sst s0;
	s0 =	simm.s32 @!p1 $0x0  }
0x14: {  	s2 =	sld [smem:$0x3F8A];
	s0 =	simm.s32 @p1 $0x1  }
0x15: {  	[smem:$0x3FA7] =	sst s0;
	s0 =	simm.s32 @!p2 $0x0  }
0x16: {  	s3 =	sld [smem:$0x3FDB];
	s0 =	simm.s32 @p2 $0x1  }
0x17: {  	s4 =	simm.s32 $0x1BF5;
	[smem:$0x3FA9] =	sst s0  }
0x18: {  	s0 =	sld [smem:$0x3F8C];
	_ =	swait.ge [sflag:s4], $0x0  }
0x19: {  	s7 =	sld [smem:$0x3F8D]  }
0x1a: {  	s8 =	sadd.s32 $0xFFFFE003, lr  }
0x1b: {  	s9 =	sadd.s32 $0xFFFFFEF7, lr;
	s5 =	simm.s32 $0xFFFFFFFF;
	p2 =	slt.u32 s8, $0xFFFFF086  }
0x1c: {  	p1 =	slt.u32 s9, $0xF7A;
	s5 =	simm.s32 @!p2 $0x0  }
0x1d: {  	s5 =	simm.s32 @p1 $0x1;
	p0 =	seq.s32 s7, s2  }
0x1e: {  	s7 =	smul.u32 @!p0 $0xF7A, s2;
	p2 =	seq.s32 @!p0 s5, $0x0  }
0x1f: {  	s9 =	smul.u32 $0xF7A, s1;
	s8 =	simm.s32 @!p0 $0x1BF5;
	p2 =	por !p2, p0  }
0x20: {  	[sflag:s8] =	ssyncset.s32 @!p0 $0xFFFFF086;
	s6 =	sadd.s32 @!p0 s3, s7;
	s7 =	simm.s32 @!p0 $0x108  }
0x21: {  	s3 =	sadd.s32 s3, s9;
	s6 =	sadd.s32 @!p0 $0x88, s6;
	s7 =	simm.s32 @p2 $0x1082  }
0x22: {  	[simem:s7], [sflag:s8] =	dma.local @!p0 [hbm:s6], $0xF7A  }
0x23: {  	s9 =	sor.u32 $0xD0000000, s2;
	s6 =	simm.s32 $0x108;
	_ =	swait.ge @!p0 [sflag:s8], $0x0  }
0x24: {  	s3 =	sadd.s32 $0x88, s3;
	s6 =	simm.s32 @!p1 $0x1082;
	[sflag:s4] =	ssyncset.s32 $0xFFFFF086  }
0x25: {  	[simem:s6], [sflag:s4] =	dma.local [hbm:s3], $0xF7A  }
0x26: {  	[smem:$0x3F8D] =	sst s1;
	(tag) =	ssettag s2;
	_ =	strace s9  }
0x27: {  	s1 =	sld [smem:$0x3F9D]  }
0x28: {  	s2 =	sld [smem:$0x3F9E]  }
0x29: {  	s4 =	sld [smem:$0x3FA0]  }
0x2a: {  	p0 =	seq.s32 s5, $0x0;
	s5 =	sld [smem:$0x3FA1]  }
0x2b: {  	s6 =	sld [smem:$0x3FA2]  }
0x2c: {  	s7 =	sld [smem:$0x3FA3]  }
0x2d: {  	s3 =	simm.s32 $0x108;
	s8 =	sld [smem:$0x3FA4]  }
0x2e: {  	s3 =	simm.s32 @!p0 $0x1082;
	s9 =	sld [smem:$0x3FA5]  }
0x2f: {  	lr =	sadd.s32 s0, s3;
	s0 =	sld [smem:$0x3F9C]  }
0x30: {  	s3 =	sld [smem:$0x3F9F]  }
0x31: {  	[smem:$0x3FA8] =	sst s10  }
0x32: {  	s10 =	sld [smem:$0x3FA6];
	_ =	sdelay $0x3  }
0x33: {  	p0 =	seq.s32 s10, $0x1;
	s10 =	sld [smem:$0x3FA8];
	_ =	sdelay $0x3  }
0x34: {  	[smem:$0x3FA8] =	sst s10  }
0x35: {  	s10 =	sld [smem:$0x3FA7];
	_ =	sdelay $0x3  }
0x36: {  	p1 =	seq.s32 s10, $0x1;
	s10 =	sld [smem:$0x3FA8];
	_ =	sdelay $0x3  }
0x37: {  	[smem:$0x3FA8] =	sst s10  }
0x38: {  	s10 =	sld [smem:$0x3FA9]  }
0x39: {  	_ = 	snop;
	(pc) =	sbr.ind lr, $3  }
0x3a: {  	_ = 	snop  }
0x3b: {  	_ = 	snop  }
0x3c: {  	p2 =	seq.s32 s10, $0x1;
	s10 =	sld [smem:$0x3FA8]  }
0x3d: {  	_ =	shalt  }
0x3e: {  	_ =	shalt  }
0x3f: {  	_ =	shalt  }
0x40: {  	_ =	shalt  }
0x41: {  	_ =	shalt  }
0x42: {  	_ =	shalt  }
0x43: {  	_ =	shalt  }
0x44: {  	_ =	shalt  }
0x45: {  	_ =	shalt  }
0x46: {  	_ =	shalt  }
0x47: {  	_ =	shalt  }
0x48: {  	_ =	shalt  }
0x49: {  	_ =	shalt  }
0x4a: {  	_ =	shalt  }
0x4b: {  	_ =	shalt  }
0x4c: {  	_ =	shalt  }
0x4d: {  	_ =	shalt  }
0x4e: {  	_ =	shalt  }
0x4f: {  	_ =	shalt  }
0x50: {  	_ =	shalt  }
0x51: {  	_ =	shalt  }
0x52: {  	_ =	shalt  }
0x53: {  	_ =	shalt  }
0x54: {  	_ =	shalt  }
0x55: {  	_ =	shalt  }
0x56: {  	_ =	shalt  }
0x57: {  	_ =	shalt  }
0x58: {  	_ =	shalt  }
0x59: {  	_ =	shalt  }
0x5a: {  	_ =	shalt  }
0x5b: {  	_ =	shalt  }
0x5c: {  	_ =	shalt  }
0x5d: {  	_ =	shalt  }
0x5e: {  	_ =	shalt  }
0x5f: {  	_ =	shalt  }
0x60: {  	_ =	shalt  }
0x61: {  	_ =	shalt  }
0x62: {  	_ =	shalt  }
0x63: {  	_ =	shalt  }
0x64: {  	_ =	shalt  }
0x65: {  	_ =	shalt  }
0x66: {  	_ =	shalt  }
0x67: {  	_ =	shalt  }
0x68: {  	_ =	shalt  }
0x69: {  	_ =	shalt  }
0x6a: {  	_ =	shalt  }
0x6b: {  	_ =	shalt  }
0x6c: {  	_ =	shalt  }
0x6d: {  	_ =	shalt  }
0x6e: {  	_ =	shalt  }
0x6f: {  	_ =	shalt  }
0x70: {  	_ =	shalt  }
0x71: {  	_ =	shalt  }
0x72: {  	_ =	shalt  }
0x73: {  	_ =	shalt  }
0x74: {  	_ =	shalt  }
0x75: {  	_ =	shalt  }
0x76: {  	_ =	shalt  }
0x77: {  	_ =	shalt  }
0x78: {  	_ =	shalt  }
0x79: {  	_ =	shalt  }
0x7a: {  	_ =	shalt  }
0x7b: {  	_ =	shalt  }
0x7c: {  	_ =	shalt  }
0x7d: {  	_ =	shalt  }
0x7e: {  	_ =	shalt  }
0x7f: {  	_ =	shalt  }
0x80: {  	_ =	shalt  }
0x81: {  	_ =	shalt  }
0x82: {  	_ =	shalt  }
0x83: {  	_ =	shalt  }
0x84: {  	_ =	shalt  }
0x85: {  	_ =	shalt  }
0x86: {  	_ =	shalt  }
0x87: {  	_ =	shalt  }
.Lfunc_end0:
.L_simem_size_0:
called_computation.2_lowered:
.L_overlay_start_0:
0x88: {  	s2 =	sld [smem:$0x3FD9]  }
0x89: {  	s3 =	sld [smem:$0x3FFE];
	_ =	sdelay $0x1  }
0x8a: {  	s1 =	srdreg.scid  }
0x8b: {  	s0 =	sand.u32 $0x1, s1  }
0x8c: {  	s17 =	sshll.u32 s0, $0xA;
	s2 =	sadd.s32 s3, s2  }
0x8d: {  	s2 =	sadd.s32 s2, s17  }
0x8e: {  	[smem:$0x3FB4] =	sst s2  }
0x8f: {  	_ = 	snop  }
0x90: {  	s2 =	sld [smem:$0x3FD0];
	(tm) =	ssettm $0x1  }
0x91: {  	s18 =	sld [smem:$0x3FFB];
	_ =	sdelay $0x3  }
0x92: {  	_ =	strace s18  }
0x93: {  	s3 =	sld [smem:$0x3FFC];
	_ =	sdelay $0x3  }
0x94: {  	_ =	strace s3  }
0x95: {  	s3 =	sld [smem:$0x3FFD];
	_ =	sdelay $0x3  }
0x96: {  	_ =	strace s3  }
0x97: {  	_ =	strace $0x8FFFFFFF  }
0x98: {  	s19 =	sld [smem:$0x3FDB];
	_ =	sdelay $0x1  }
0x99: {  	s4 =	simm.s32 $_scs_section_size  }
0x9a: {  	s5 =	simm.s32 $_size__tile_overlayer_lowered;
	s6 =	simm.s32 $_tile_overlayer_lowered  }
0x9b: {  	s22 =	simm.s32 $0x1BFF;
	s21 =	sshll.u32 s6, $0x1;
	s3 =	sadd.s32 s4, s19  }
0x9c: {  	s7 =	simm.s32 $0x0;
	s20 =	sshll.u32 s5, $0x1;
	s5 =	sadd.s32 s21, s3  }
0x9d: {  	[timem:s7], [sflag:s22] =	dma.local [hbm:s5], s20  }
0x9e: {  	_ =	swait.ge [sflag:s22], s20  }
0x9f: {  	s4 =	ssub.s32 $0x0, s20;
	[sflag:s22] =	ssyncset.done $0x0  }
0xa0: {  	[sflag:s22] =	ssyncadd.s32 s4;
	_ =	sdelay $0x1  }
0xa1: {  	s23 =	simm.s32 $0x1B8B  }
0xa2: {  	_ =	swait.ge [sflag:s23], $0x1  }
0xa3: {  	[sflag:s23] =	ssyncset.done $0x0  }
0xa4: {  	s25 =	simm.s32 $0x1B8E;
	s24 =	sld [smem:$0x3FFE];
	[sflag:s23] =	ssyncadd.s32 $0xFFFFFFFF  }
0xa5: {  	s26 =	simm.s32 $execute0_lowered;
	[smem:$0x3FD2] =	sst s25  }
0xa6: {  	s5 =	sshll.u32 s26, $0x1;
	_ =	strace $0x8000004C;
	[dreg:$0x1] =	wrdreg $0xFFFFFFFF  }
0xa7: {  	s28 =	simm.s32 $_size_execute0_lowered;
	s3 =	sadd.s32 s3, s5;
	[dreg:$0x0] =	wrdreg $0x0  }
0xa8: {  	s5 =	sshll.u32 s28, $0x1;
	[dreg:$0x2] =	wrdreg s3  }
0xa9: {  	[dreg:$0x3] =	wrdreg s5  }
0xaa: {  	[dreg:$0x4] =	wrdreg $0xC0  }
0xab: {  	_ =	task [dreg:s7], $0x5FFFF  }
0xac: {  	[dreg:$0x1] =	wrdreg $0xFFFFFFFF  }
0xad: {  	[dreg:$0x0] =	wrdreg $0x60  }
0xae: {  	[dreg:$0x2] =	wrdreg s2  }
0xaf: {  	[dreg:$0x3] =	wrdreg s24  }
0xb0: {  	[dreg:$0x4] =	wrdreg $0xBF800  }
0xb1: {  	[dreg:$0x5] =	wrdreg $0x9  }
0xb2: {  	_ =	task.clear_ibuf [dreg:s7], $0x6FFFF;
	_ =	strace $0x9000004C  }
0xb3: {  	s29 =	simm.s32 $0x9;
	_ =	strace $0x8000004E  }
0xb4: {  	_ =	swait.ge [sflag:s29], $0x1  }
0xb5: {  	[sflag:s29] =	ssyncadd.s32 $0xFFFFFFFF  }
0xb6: {  	_ =	strace $0x9000004E  }
0xb7: {  	_ =	sfence  }
0xb8: {  	s30 =	sld [smem:$0x0];
	_ =	sdelay $0x2  }
0xb9: {  	s31 =	sshll.u32 s1, $0xD;
	s1 =	sshrl.u32 s1, $0x2  }
0xba: {  	s3 =	sand.u32 $0x4000, s31;
	s1 =	sadd.s32 s1, s30  }
0xbb: {  	s0 =	sor.u32 s3, s0;
	s1 =	sshll.u32 s1, $0x11  }
0xbc: {  	s0 =	sor.u32 s1, s0  }
0xbd: {  	s0 =	sadd.s32 $0x8F2B, s0  }
0xbe: {  	[sflag:s0] =	ssyncadd.remote.s32 $0x1  }
0xbf: {  	_ =	sfence.sel $0xFFFF  }
0xc0: {  	[dreg:$0x0] =	wrdreg $0xFFFFFFFF;
	(pc) =	sbr.abs _section_cstart, $3  }
0xc1: {  	[dreg:$0x1] =	wrdreg $0xFFFFFFFF  }
0xc2: {  	_ =	task.clear_ibuf [dreg:s7], $0x2FFFF;
	_ =	strace $0x9FFFFFFF  }
0xc3: {  	(tm) =	ssettm $0x7FFFFFFF  }
tec
execute0_lowered:
.L_overlay_start_1:
0x0: {  	(tag) =	ssettag $0x1  }
0x1: {  	s1 =	rddreg [dreg:$0x0]  }
0x2: {  	s0 =	srdreg.scid;
	s5 =	rddreg [dreg:$0x1]  }
0x3: {  	s10 =	stileid.u32;
	s3 =	rddreg [dreg:$0x2]  }
0x4: {  	s17 =	simm.s32 $0x5;
	s19 =	simm.s32 $0x30;
	s20 =	simm.s32 $0x8F80  }
0x5: {  	s21 =	simm.s32 $0xA780;
	s22 =	simm.s32 $0x5F80;
	s28 =	simm.s32 $0x1  }
0x6: {  	s29 =	simm.s32 $0x2;
	s30 =	simm.s32 $0x60;
	s8 =	smul.u32 $0x4F000, s10  }
0x7: {  	s0 =	sand.u32 $0x1, s0;
	s7 =	sshll.u32 s10, $0x7;
	s15 =	smul.u32 $0x2780, s10  }
0x8: {  	s2 =	sshll.u32 s0, $0x4;
	s23 =	smul.u32 $0x27800, s0;
	s0 =	ssub.s32 $0x2, s0  }
0x9: {  	s7 =	sand.u32 $0x380, s7;
	s2 =	sor.u32 s10, s2;
	s24 =	sshrl.u32 s0, $0x1  }
0xa: {  	s25 =	sshrl.u32 s8, $0x2;
	s4 =	sshrl.u32 s2, $0x3;
	s2 =	smul.u32 $0x700, s2  }
0xb: {  	s9 =	sadd.s32 s23, s5;
	s0 =	ssub.s32 s0, s24;
	s6 =	smul.u32 $0x13C00, s4  }
0xc: {  	s23 =	simm.s32 $0x3;
	s4 =	simm.s32 $0x0;
	s31 =	sadd.s32 $0x1C400, s9  }
0xd: {  	s9 =	smax.u32 s0, $0x1;
	[smem:$0x7FF] =	sst s4;
	s6 =	sor.u32 s7, s6  }
0xe: {  	s2 =	sadd.s32 s2, s5;
	s24 =	sadd.s32 s15, s31;
	s6 =	sshrl.u32 s6, $0x3  }
0xf: {  	_ =	strace $0x8000004D;
	s7 =	sadd.s32 $0x4600, s2;
	s6 =	sadd.s32 s6, s5  }
0x10: {  	s2 =	simm.s32 $0x0;
	s26 =	sadd.s32 $0x12600, s6;
	s6 =	sadd.s32 s25, s3  }
0x11: {  	s25 =	simm.s32 $0x4;
	[dreg:$0x4] =	wrdreg s26;
	s8 =	sadd.s32 $0x12000, s6  }
0x12: {  	s10 =	sadd.s32 $0x3000, s6;
	s11 =	sadd.s32 $0x6000, s6;
	s12 =	sadd.s32 $0x9000, s6  }
0x13: {  	v0 =	vimm.f32 $0.0e+00;
	s13 =	sadd.s32 $0xC000, s6;
	s14 =	sadd.s32 $0xF000, s6;
	s26 =	simm.s32 $0x7780  }
.LBB2_1:
0x14: {  	s0 =	rddreg [dreg:$0x4];
	s5 =	simm.s32 $0x80;
	s15 =	simm.s32 $0x400  }
0x15: {  	[tilespmem:s4], [sflag:$0x5] =	stream.strided.gather [hbm4b:s0+s5], $0x2780, s15, s5, $0x38;
	[tilespmem:$0x1FB80] =	vst v63  }
0x16: {  	_ =	swait.ge [sflag:s17], $0x2780  }
0x17: {  	[sflag:s17] =	ssyncset.done $0x0  }
0x18: {  	s31 =	simm.s32 $0x2780;
	[sflag:s17] =	ssyncadd.s32 $0xFFFFD880  }
0x19: {  	[tilespmem:s31], [sflag:$0x4] =	stream.linear.gather [hbm4b:s7+s4], $0x3480, $0x38;
	[tilespmem:$0x1FB80] =	vst v63  }
0x1a: {  	_ = 	snop  }
0x1b: {  	[tilespmem:s20], [sflag:$0x1] =	stream.indirect.gather [hbm4b:s1+s19], $0x80, s4, s19, $0xb8;
	[tilespmem:$0x1FB80] =	vst v63  }
0x1c: {  	s0 =	simm.s32 $0x70;
	s15 =	simm.s32 $0x3C0  }
0x1d: {  	[tilespmem:s21], [sflag:$0x2] =	stream.indirect.gather [hbm4b:s1+s19], $0x80, s19, s19, $0xb8;
	[tilespmem:$0x1FB80] =	vst v63  }
.LBB2_2:
0x1e: {  	p0 =	sne.s32 s15, $0xBFC0;
	[tilespmem:s0+$0x5F80] =	vst v0  }
0x1f: {  	[tilespmem:s0+$0x5F10] =	vst v0  }
0x20: {  	[tilespmem:s0+$0x5F20] =	vst v0  }
.Ltmp0:
0x21: {  	[tilespmem:s0+$0x5F30] =	vst v0;
	(pc) =	sbr.rel @p0 .LBB2_2-.Ltmp0, $4  }
0x22: {  	[tilespmem:s0+$0x5F40] =	vst v0  }
0x23: {  	[tilespmem:s0+$0x5F50] =	vst v0  }
0x24: {  	[tilespmem:s0+$0x5F60] =	vst v0  }
0x25: {  	[tilespmem:s0+$0x5F70] =	vst v0;
	s0 =	sshra.s32 s15, $0x2;
	s15 =	sadd.s32 $0x200, s15  }
0x26: {  	[tilespmem:s0+$0x5F80] =	vst v0  }
0x27: {  	[tilespmem:s0+$0x5F10] =	vst v0  }
0x28: {  	[tilespmem:s0+$0x5F20] =	vst v0  }
0x29: {  	[tilespmem:s0+$0x5F30] =	vst v0  }
0x2a: {  	[tilespmem:s0+$0x5F40] =	vst v0  }
0x2b: {  	[tilespmem:s0+$0x5F50] =	vst v0  }
0x2c: {  	[tilespmem:s0+$0x5F60] =	vst v0  }
0x2d: {  	[tilespmem:s0+$0x5F70] =	vst v0  }
0x2e: {  	[spmem:s6] =	stream.linear.scatter [tilespmem:s22], [sflag:$0x3], $0x3000, $0x38;
	[tilespmem:$0x1FB80] =	vst v63  }
0x2f: {  	_ = 	snop  }
0x30: {  	[spmem:s10] =	stream.linear.scatter [tilespmem:s22], [sflag:$0x3], $0x3000, $0x38;
	[tilespmem:$0x1FB80] =	vst v63  }
0x31: {  	_ = 	snop  }
0x32: {  	[spmem:s11] =	stream.linear.scatter [tilespmem:s22], [sflag:$0x3], $0x3000, $0x38;
	[tilespmem:$0x1FB80] =	vst v63  }
0x33: {  	_ = 	snop  }
0x34: {  	[spmem:s12] =	stream.linear.scatter [tilespmem:s22], [sflag:$0x3], $0x3000, $0x38;
	[tilespmem:$0x1FB80] =	vst v63  }
0x35: {  	_ = 	snop  }
0x36: {  	[spmem:s13] =	stream.linear.scatter [tilespmem:s22], [sflag:$0x3], $0x3000, $0x38;
	[tilespmem:$0x1FB80] =	vst v63  }
0x37: {  	_ = 	snop  }
0x38: {  	[spmem:s14] =	stream.linear.scatter [tilespmem:s22], [sflag:$0x3], $0x3000, $0x38;
	[tilespmem:$0x1FB80] =	vst v63  }
0x39: {  	_ = 	snop  }
0x3a: {  	[spmem:s8] =	stream.linear.scatter [tilespmem:s22], [sflag:$0x3], $0x1C00, $0x38;
	[tilespmem:$0x1FB80] =	vst v63  }
0x3b: {  	_ =	swait.ge [sflag:s23], $0x3000  }
0x3c: {  	[sflag:s23] =	ssyncset.done $0x0  }
0x3d: {  	[sflag:s23] =	ssyncadd.s32 $0xFFFFD000  }
0x3e: {  	_ =	swait.ge [sflag:s23], $0x3000  }
0x3f: {  	[sflag:s23] =	ssyncset.done $0x0  }
0x40: {  	[sflag:s23] =	ssyncadd.s32 $0xFFFFD000  }
0x41: {  	_ =	swait.ge [sflag:s23], $0x3000  }
0x42: {  	[sflag:s23] =	ssyncset.done $0x0  }
0x43: {  	[sflag:s23] =	ssyncadd.s32 $0xFFFFD000  }
0x44: {  	_ =	swait.ge [sflag:s23], $0x3000  }
0x45: {  	[sflag:s23] =	ssyncset.done $0x0  }
0x46: {  	[sflag:s23] =	ssyncadd.s32 $0xFFFFD000  }
0x47: {  	_ =	swait.ge [sflag:s23], $0x3000  }
0x48: {  	[sflag:s23] =	ssyncset.done $0x0  }
0x49: {  	[sflag:s23] =	ssyncadd.s32 $0xFFFFD000  }
0x4a: {  	_ =	swait.ge [sflag:s23], $0x3000  }
0x4b: {  	[sflag:s23] =	ssyncset.done $0x0  }
0x4c: {  	[sflag:s23] =	ssyncadd.s32 $0xFFFFD000  }
0x4d: {  	_ =	swait.ge [sflag:s23], $0x1C00  }
0x4e: {  	[sflag:s23] =	ssyncset.done $0x0  }
0x4f: {  	[sflag:s23] =	ssyncadd.s32 $0xFFFFE400  }
0x50: {  	_ =	swait.ge [sflag:s25], $0x3480  }
0x51: {  	[sflag:s25] =	ssyncset.done $0x0  }
0x52: {  	[sflag:s25] =	ssyncadd.s32 $0xFFFFCB80  }
0x53: {  	s31 =	simm.s32 $0x60;
	[bflag:$0x0] =	sbarrier.arrive $0xFFFF  }
0x54: {  	[tilespmem:s22], [sflag:$0x3] =	stream.indirect.gather [hbm4b:s1+s19], $0x80, s31, s19, $0xb8;
	[tilespmem:$0x1FB80] =	vst v63  }
0x55: {  	s5 =	simm.s32 $0x90  }
0x56: {  	[tilespmem:s26], [sflag:$0x4] =	stream.indirect.gather [hbm4b:s1+s19], $0x80, s5, s19, $0xb8;
	[tilespmem:$0x1FB80] =	vst v63  }
0x57: {  	_ =	swait.ge [sflag:s28], $0x1800  }
0x58: {  	[sflag:s28] =	ssyncset.done $0x0  }
0x59: {  	[sflag:s28] =	ssyncadd.s32 $0xFFFFE800  }
0x5a: {  	_ =	swait.ge [sflag:s29], $0x1800  }
0x5b: {  	[sflag:s29] =	ssyncset.done $0x0  }
0x5c: {  	s15 =	simm.s32 $0x2780;
	[sflag:s29] =	ssyncadd.s32 $0xFFFFE800  }
0x5d: {  	[spmem:s3] =	stream.indirect.scatter.add.f32 [tilespmem:s20], [sflag:$0x5], $0x80, s15, s30, $0xb8;
	[tilespmem:$0x1FB80] =	vst v63  }
0x5e: {  	_ =	swait.ge [sflag:s17], $0x3000  }
0x5f: {  	[sflag:s17] =	ssyncset.done $0x0  }
0x60: {  	s16 =	simm.s32 $0xC0;
	[sflag:s17] =	ssyncadd.s32 $0xFFFFD000  }
0x61: {  	[tilespmem:s20], [sflag:$0x1] =	stream.indirect.gather [hbm4b:s1+s19], $0x80, s16, s19, $0xb8;
	[tilespmem:$0x1FB80] =	vst v63  }
0x62: {  	s18 =	simm.s32 $0xF0  }
0x63: {  	[tilespmem:s21], [sflag:$0x2] =	stream.indirect.gather [hbm4b:s1+s19], $0x80, s18, s19, $0xb8;
	[tilespmem:$0x1FB80] =	vst v63  }
0x64: {  	_ =	swait.ge [sflag:s23], $0x1800  }
0x65: {  	[sflag:s23] =	ssyncset.done $0x0  }
0x66: {  	[sflag:s23] =	ssyncadd.s32 $0xFFFFE800  }
0x67: {  	_ =	swait.ge [sflag:s25], $0x1800  }
0x68: {  	[sflag:s25] =	ssyncset.done $0x0  }
0x69: {  	s31 =	simm.s32 $0x2800;
	[sflag:s25] =	ssyncadd.s32 $0xFFFFE800  }
0x6a: {  	[spmem:s3] =	stream.indirect.scatter.add.f32 [tilespmem:s22], [sflag:$0x5], $0x80, s31, s30, $0xb8;
	[tilespmem:$0x1FB80] =	vst v63  }
0x6b: {  	s0 =	simm.s32 $0x2880;
	_ =	swait.ge [sflag:s17], $0x3000  }
0x6c: {  	s15 =	simm.s32 $0xC0;
	s16 =	simm.s32 $0x600;
	[sflag:s17] =	ssyncset.done $0x0  }
.LBB2_4:
0x6d: {  	s18 =	sadd.s32 $0x60, s15  }
0x6e: {  	[sflag:s17] =	ssyncadd.s32 $0xFFFFD000;
	s31 =	smov.u32 s16;
	s5 =	sadd.s32 $0x300, s16  }
0x6f: {  	[tilespmem:s22], [sflag:$0x3] =	stream.indirect.gather [hbm4b:s1+s19], $0x80, s18, s19, $0xb8;
	[tilespmem:$0x1FB80] =	vst v63  }
0x70: {  	p0 =	sne.s32 s16, $0x9900;
	s16 =	sadd.s32 $0x90, s15  }
0x71: {  	[tilespmem:s26], [sflag:$0x4] =	stream.indirect.gather [hbm4b:s1+s19], $0x80, s16, s19, $0xb8;
	[tilespmem:$0x1FB80] =	vst v63  }
0x72: {  	_ =	swait.ge [sflag:s28], $0x1800  }
0x73: {  	[sflag:s28] =	ssyncset.done $0x0  }
0x74: {  	[sflag:s28] =	ssyncadd.s32 $0xFFFFE800  }
0x75: {  	_ =	swait.ge [sflag:s29], $0x1800  }
0x76: {  	[sflag:s29] =	ssyncset.done $0x0  }
0x77: {  	[sflag:s29] =	ssyncadd.s32 $0xFFFFE800  }
0x78: {  	[spmem:s3] =	stream.indirect.scatter.add.f32 [tilespmem:s20], [sflag:$0x5], $0x80, s0, s30, $0xb8;
	[tilespmem:$0x1FB80] =	vst v63  }
0x79: {  	_ =	swait.ge [sflag:s17], $0x3000  }
0x7a: {  	[sflag:s17] =	ssyncset.done $0x0  }
0x7b: {  	s16 =	sadd.s32 $0xC0, s15;
	[sflag:s17] =	ssyncadd.s32 $0xFFFFD000  }
0x7c: {  	[tilespmem:s20], [sflag:$0x1] =	stream.indirect.gather [hbm4b:s1+s19], $0x80, s16, s19, $0xb8;
	[tilespmem:$0x1FB80] =	vst v63  }
0x7d: {  	s15 =	sadd.s32 $0xF0, s15  }
0x7e: {  	[tilespmem:s21], [sflag:$0x2] =	stream.indirect.gather [hbm4b:s1+s19], $0x80, s15, s19, $0xb8;
	[tilespmem:$0x1FB80] =	vst v63  }
0x7f: {  	_ =	swait.ge [sflag:s23], $0x1800  }
0x80: {  	[sflag:s23] =	ssyncset.done $0x0  }
0x81: {  	[sflag:s23] =	ssyncadd.s32 $0xFFFFE800  }
0x82: {  	_ =	swait.ge [sflag:s25], $0x1800  }
.Ltmp1:
0x83: {  	[sflag:s25] =	ssyncset.done $0x0;
	(pc) =	sbr.rel @p0 .LBB2_4-.Ltmp1, $4  }
0x84: {  	s15 =	sadd.s32 $0x80, s0;
	[sflag:s25] =	ssyncadd.s32 $0xFFFFE800  }
0x85: {  	[spmem:s3] =	stream.indirect.scatter.add.f32 [tilespmem:s22], [sflag:$0x5], $0x80, s15, s30, $0xb8;
	[tilespmem:$0x1FB80] =	vst v63  }
0x86: {  	s16 =	smov.u32 s5;
	_ =	swait.ge [sflag:s17], $0x3000  }
0x87: {  	s0 =	sadd.s32 $0x100, s0;
	s15 =	sshra.s32 s31, $0x2;
	[sflag:s17] =	ssyncset.done $0x0  }
0x88: {  	s5 =	sadd.s32 $0x60, s15;
	[sflag:s17] =	ssyncadd.s32 $0xFFFFD000  }
0x89: {  	[tilespmem:s22], [sflag:$0x3] =	stream.indirect.gather [hbm4b:s1+s19], $0x80, s5, s19, $0xb8;
	[tilespmem:$0x1FB80] =	vst v63  }
0x8a: {  	s16 =	sadd.s32 $0x90, s15  }
0x8b: {  	[tilespmem:s26], [sflag:$0x4] =	stream.indirect.gather [hbm4b:s1+s19], $0x80, s16, s19, $0xb8;
	[tilespmem:$0x1FB80] =	vst v63  }
0x8c: {  	_ =	swait.ge [sflag:s28], $0x1800  }
0x8d: {  	[sflag:s28] =	ssyncset.done $0x0  }
0x8e: {  	[sflag:s28] =	ssyncadd.s32 $0xFFFFE800  }
0x8f: {  	_ =	swait.ge [sflag:s29], $0x1800  }
0x90: {  	[sflag:s29] =	ssyncset.done $0x0  }
0x91: {  	[sflag:s29] =	ssyncadd.s32 $0xFFFFE800  }
0x92: {  	[spmem:s3] =	stream.indirect.scatter.add.f32 [tilespmem:s20], [sflag:$0x5], $0x80, s0, s30, $0xb8;
	[tilespmem:$0x1FB80] =	vst v63  }
0x93: {  	_ =	swait.ge [sflag:s17], $0x3000  }
0x94: {  	[sflag:s17] =	ssyncset.done $0x0  }
0x95: {  	s18 =	sadd.s32 $0xC0, s15;
	[sflag:s17] =	ssyncadd.s32 $0xFFFFD000  }
0x96: {  	[tilespmem:s20], [sflag:$0x1] =	stream.indirect.gather [hbm4b:s1+s19], $0x80, s18, s19, $0xb8;
	[tilespmem:$0x1FB80] =	vst v63  }
0x97: {  	s31 =	sadd.s32 $0xF0, s15  }
0x98: {  	[tilespmem:s21], [sflag:$0x2] =	stream.indirect.gather [hbm4b:s1+s19], $0x80, s31, s19, $0xb8;
	[tilespmem:$0x1FB80] =	vst v63  }
0x99: {  	_ =	swait.ge [sflag:s23], $0x1800  }
0x9a: {  	[sflag:s23] =	ssyncset.done $0x0  }
0x9b: {  	[sflag:s23] =	ssyncadd.s32 $0xFFFFE800  }
0x9c: {  	_ =	swait.ge [sflag:s25], $0x1800  }
0x9d: {  	[sflag:s25] =	ssyncset.done $0x0  }
0x9e: {  	s15 =	sadd.s32 $0x80, s0;
	[sflag:s25] =	ssyncadd.s32 $0xFFFFE800  }
0x9f: {  	[spmem:s3] =	stream.indirect.scatter.add.f32 [tilespmem:s22], [sflag:$0x5], $0x80, s15, s30, $0xb8;
	[tilespmem:$0x1FB80] =	vst v63  }
0xa0: {  	_ =	swait.ge [sflag:s17], $0x3000  }
0xa1: {  	[sflag:s17] =	ssyncset.done $0x0  }
0xa2: {  	[sflag:s17] =	ssyncadd.s32 $0xFFFFD000  }
0xa3: {  	_ =	swait.ge [sflag:s28], $0x1800  }
0xa4: {  	[sflag:s28] =	ssyncset.done $0x0  }
0xa5: {  	[sflag:s28] =	ssyncadd.s32 $0xFFFFE800  }
0xa6: {  	_ =	swait.ge [sflag:s29], $0x1800  }
0xa7: {  	[sflag:s29] =	ssyncset.done $0x0  }
0xa8: {  	s16 =	simm.s32 $0x5B80;
	[sflag:s29] =	ssyncadd.s32 $0xFFFFE800  }
0xa9: {  	[spmem:s3] =	stream.indirect.scatter.add.f32 [tilespmem:s20], [sflag:$0x5], $0x80, s16, s30, $0xb8;
	[tilespmem:$0x1FB80] =	vst v63  }
0xaa: {  	s18 =	stileid.u32;
	_ =	swait.ge [sflag:s17], $0x3000  }
0xab: {  	s2 =	sadd.s32 $0x1, s2;
	s0 =	sshll.u32 s18, $0x6;
	[sflag:s17] =	ssyncset.done $0x0  }
0xac: {  	p0 =	sne.s32 s2, s9;
	s0 =	sor.u32 $0x1C05, s0;
	[sflag:s17] =	ssyncadd.s32 $0xFFFFD000  }
.Ltmp2:
0xad: {  	s31 =	sshrl.u32 s6, $0x3;
	[bflag:$0x0] =	sbarrier.arrive $0xFFFF;
	(pc) =	sbr.rel @p0 .LBB2_1-.Ltmp2, $4  }
0xae: {  	[hbm:s24], [sflag:s0] =	dma.local [spmem:s31], $0x2780  }
0xaf: {  	_ =	swait.ge [sflag:s17], $0x2780  }
0xb0: {  	[sflag:s17] =	ssyncset.done $0x0  }
0xb1: {  	[sflag:s17] =	ssyncadd.s32 $0xFFFFD880  }
0xb2: {  	_ =	sfence.sel $0x180000  }
0xb3: {  	[bflag:$0x0] =	sbarrier.arrive $0xFFFF  }
0xb4: {  	_ =	strace $0x9000004D  }
0xb5: {  	s0 =	stileid.u32;
	[bflag:$0x2] =	sbarrier.arrive $0xFFFF  }
0xb6: {  	p0 =	sne.s32 s0, $0x0;
	s0 =	rddreg [dreg:$0x3]  }
0xb7: {  	s0 =	sadd.s32 @!p0 $0x100000, s0  }
0xb8: {  	[sflag:s0] =	ssyncadd.tile.s32 @!p0 $0x1;
	_ =	shalt  }
.Lfunc_end2:
_tile_overlayer_lowered:
.L_overlay_start_2:
0xb9: {  	(tag) =	ssettag $0x2  }
0xba: {  	s0 =	rddreg [dreg:$0x0];
	s2 =	stileid.u32  }
0xbb: {  	s1 =	rddreg [dreg:$0x1];
	p0 =	sne.s32 s2, $0x0  }
0xbc: {  	s3 =	rddreg [dreg:$0x2];
	[bflag:$0x3] =	sbarrier.arrive $0xFFFF;
	s2 =	simm.s32 @!p0 $0x1C05  }
0xbd: {  	[timem:s3], [sflag:s2] =	dma.local @!p0 [hbm:s0], s1  }
0xbe: {  	s0 =	simm.s32 @!p0 $0x5  }
0xbf: {  	_ =	swait.ge @!p0 [sflag:s0], s1  }
0xc0: {  	s1 =	ssub.s32 @!p0 $0x0, s1;
	[sflag:s0] =	ssyncset.done @!p0 $0x0  }
0xc1: {  	[sflag:s0] =	ssyncadd.s32 @!p0 s1  }
0xc2: {  	[bflag:$0x3] =	sbarrier.arrive $0xFFFF  }
0xc3: {  	_ =	shalt  }

// kernel: kernel.20.cloned.1.call-start
scs
__scs_entry_jumppad:
0x0: {  	(pc) =	sbr.rel $0x88, $3  }
0x1: {  	(tag) =	ssettag $0x0;
	lr =	simm.s32 $0x1  }
0x2: {  	[smem:$0x3F8D] =	sst lr;
	_ =	strace $0xD0000000  }
0x3: {  	_ = 	snop  }
0x4: {  	_ = 	snop  }
0x5: {  	_ = 	snop  }
0x6: {  	_ = 	snop  }
0x7: {  	_ = 	snop  }
__scs_overlays_trampoline_lowered:
0x8: {  	[smem:$0x3F9C] =	sst s0  }
0x9: {  	[smem:$0x3F9D] =	sst s1  }
0xa: {  	[smem:$0x3F9E] =	sst s2  }
0xb: {  	[smem:$0x3F9F] =	sst s3  }
0xc: {  	[smem:$0x3FA0] =	sst s4  }
0xd: {  	[smem:$0x3FA1] =	sst s5  }
0xe: {  	[smem:$0x3FA2] =	sst s6  }
0xf: {  	[smem:$0x3FA3] =	sst s7  }
0x10: {  	[smem:$0x3FA4] =	sst s8  }
0x11: {  	[smem:$0x3FA5] =	sst s9;
	s0 =	simm.s32 @!p0 $0x0  }
0x12: {  	s1 =	sld [smem:$0x3F8B];
	s0 =	simm.s32 @p0 $0x1  }
0x13: {  	[smem:$0x3FA6] =	sst s0;
	s0 =	simm.s32 @!p1 $0x0  }
0x14: {  	s2 =	sld [smem:$0x3F8A];
	s0 =	simm.s32 @p1 $0x1  }
0x15: {  	[smem:$0x3FA7] =	sst s0;
	s0 =	simm.s32 @!p2 $0x0  }
0x16: {  	s3 =	sld [smem:$0x3FDB];
	s0 =	simm.s32 @p2 $0x1  }
0x17: {  	s4 =	simm.s32 $0x1BF5;
	[smem:$0x3FA9] =	sst s0  }
0x18: {  	s0 =	sld [smem:$0x3F8C];
	_ =	swait.ge [sflag:s4], $0x0  }
0x19: {  	s7 =	sld [smem:$0x3F8D]  }
0x1a: {  	s8 =	sadd.s32 $0xFFFFE003, lr  }
0x1b: {  	s9 =	sadd.s32 $0xFFFFFEF7, lr;
	s5 =	simm.s32 $0xFFFFFFFF;
	p2 =	slt.u32 s8, $0xFFFFF086  }
0x1c: {  	p1 =	slt.u32 s9, $0xF7A;
	s5 =	simm.s32 @!p2 $0x0  }
0x1d: {  	s5 =	simm.s32 @p1 $0x1;
	p0 =	seq.s32 s7, s2  }
0x1e: {  	s7 =	smul.u32 @!p0 $0xF7A, s2;
	p2 =	seq.s32 @!p0 s5, $0x0  }
0x1f: {  	s9 =	smul.u32 $0xF7A, s1;
	s8 =	simm.s32 @!p0 $0x1BF5;
	p2 =	por !p2, p0  }
0x20: {  	[sflag:s8] =	ssyncset.s32 @!p0 $0xFFFFF086;
	s6 =	sadd.s32 @!p0 s3, s7;
	s7 =	simm.s32 @!p0 $0x108  }
0x21: {  	s3 =	sadd.s32 s3, s9;
	s6 =	sadd.s32 @!p0 $0x88, s6;
	s7 =	simm.s32 @p2 $0x1082  }
0x22: {  	[simem:s7], [sflag:s8] =	dma.local @!p0 [hbm:s6], $0xF7A  }
0x23: {  	s9 =	sor.u32 $0xD0000000, s2;
	s6 =	simm.s32 $0x108;
	_ =	swait.ge @!p0 [sflag:s8], $0x0  }
0x24: {  	s3 =	sadd.s32 $0x88, s3;
	s6 =	simm.s32 @!p1 $0x1082;
	[sflag:s4] =	ssyncset.s32 $0xFFFFF086  }
0x25: {  	[simem:s6], [sflag:s4] =	dma.local [hbm:s3], $0xF7A  }
0x26: {  	[smem:$0x3F8D] =	sst s1;
	(tag) =	ssettag s2;
	_ =	strace s9  }
0x27: {  	s1 =	sld [smem:$0x3F9D]  }
0x28: {  	s2 =	sld [smem:$0x3F9E]  }
0x29: {  	s4 =	sld [smem:$0x3FA0]  }
0x2a: {  	p0 =	seq.s32 s5, $0x0;
	s5 =	sld [smem:$0x3FA1]  }
0x2b: {  	s6 =	sld [smem:$0x3FA2]  }
0x2c: {  	s7 =	sld [smem:$0x3FA3]  }
0x2d: {  	s3 =	simm.s32 $0x108;
	s8 =	sld [smem:$0x3FA4]  }
0x2e: {  	s3 =	simm.s32 @!p0 $0x1082;
	s9 =	sld [smem:$0x3FA5]  }
0x2f: {  	lr =	sadd.s32 s0, s3;
	s0 =	sld [smem:$0x3F9C]  }
0x30: {  	s3 =	sld [smem:$0x3F9F]  }
0x31: {  	[smem:$0x3FA8] =	sst s10  }
0x32: {  	s10 =	sld [smem:$0x3FA6];
	_ =	sdelay $0x3  }
0x33: {  	p0 =	seq.s32 s10, $0x1;
	s10 =	sld [smem:$0x3FA8];
	_ =	sdelay $0x3  }
0x34: {  	[smem:$0x3FA8] =	sst s10  }
0x35: {  	s10 =	sld [smem:$0x3FA7];
	_ =	sdelay $0x3  }
0x36: {  	p1 =	seq.s32 s10, $0x1;
	s10 =	sld [smem:$0x3FA8];
	_ =	sdelay $0x3  }
0x37: {  	[smem:$0x3FA8] =	sst s10  }
0x38: {  	s10 =	sld [smem:$0x3FA9]  }
0x39: {  	_ = 	snop;
	(pc) =	sbr.ind lr, $3  }
0x3a: {  	_ = 	snop  }
0x3b: {  	_ = 	snop  }
0x3c: {  	p2 =	seq.s32 s10, $0x1;
	s10 =	sld [smem:$0x3FA8]  }
0x3d: {  	_ =	shalt  }
0x3e: {  	_ =	shalt  }
0x3f: {  	_ =	shalt  }
0x40: {  	_ =	shalt  }
0x41: {  	_ =	shalt  }
0x42: {  	_ =	shalt  }
0x43: {  	_ =	shalt  }
0x44: {  	_ =	shalt  }
0x45: {  	_ =	shalt  }
0x46: {  	_ =	shalt  }
0x47: {  	_ =	shalt  }
0x48: {  	_ =	shalt  }
0x49: {  	_ =	shalt  }
0x4a: {  	_ =	shalt  }
0x4b: {  	_ =	shalt  }
0x4c: {  	_ =	shalt  }
0x4d: {  	_ =	shalt  }
0x4e: {  	_ =	shalt  }
0x4f: {  	_ =	shalt  }
0x50: {  	_ =	shalt  }
0x51: {  	_ =	shalt  }
0x52: {  	_ =	shalt  }
0x53: {  	_ =	shalt  }
0x54: {  	_ =	shalt  }
0x55: {  	_ =	shalt  }
0x56: {  	_ =	shalt  }
0x57: {  	_ =	shalt  }
0x58: {  	_ =	shalt  }
0x59: {  	_ =	shalt  }
0x5a: {  	_ =	shalt  }
0x5b: {  	_ =	shalt  }
0x5c: {  	_ =	shalt  }
0x5d: {  	_ =	shalt  }
0x5e: {  	_ =	shalt  }
0x5f: {  	_ =	shalt  }
0x60: {  	_ =	shalt  }
0x61: {  	_ =	shalt  }
0x62: {  	_ =	shalt  }
0x63: {  	_ =	shalt  }
0x64: {  	_ =	shalt  }
0x65: {  	_ =	shalt  }
0x66: {  	_ =	shalt  }
0x67: {  	_ =	shalt  }
0x68: {  	_ =	shalt  }
0x69: {  	_ =	shalt  }
0x6a: {  	_ =	shalt  }
0x6b: {  	_ =	shalt  }
0x6c: {  	_ =	shalt  }
0x6d: {  	_ =	shalt  }
0x6e: {  	_ =	shalt  }
0x6f: {  	_ =	shalt  }
0x70: {  	_ =	shalt  }
0x71: {  	_ =	shalt  }
0x72: {  	_ =	shalt  }
0x73: {  	_ =	shalt  }
0x74: {  	_ =	shalt  }
0x75: {  	_ =	shalt  }
0x76: {  	_ =	shalt  }
0x77: {  	_ =	shalt  }
0x78: {  	_ =	shalt  }
0x79: {  	_ =	shalt  }
0x7a: {  	_ =	shalt  }
0x7b: {  	_ =	shalt  }
0x7c: {  	_ =	shalt  }
0x7d: {  	_ =	shalt  }
0x7e: {  	_ =	shalt  }
0x7f: {  	_ =	shalt  }
0x80: {  	_ =	shalt  }
0x81: {  	_ =	shalt  }
0x82: {  	_ =	shalt  }
0x83: {  	_ =	shalt  }
0x84: {  	_ =	shalt  }
0x85: {  	_ =	shalt  }
0x86: {  	_ =	shalt  }
0x87: {  	_ =	shalt  }
.Lfunc_end0:
.L_simem_size_0:
called_computation.3_lowered:
.L_overlay_start_0:
0x88: {  	s2 =	sld [smem:$0x3FD9]  }
0x89: {  	s3 =	sld [smem:$0x3FFE];
	_ =	sdelay $0x1  }
0x8a: {  	s1 =	srdreg.scid  }
0x8b: {  	s0 =	sand.u32 $0x1, s1  }
0x8c: {  	s17 =	sshll.u32 s0, $0xA;
	s2 =	sadd.s32 s3, s2  }
0x8d: {  	s2 =	sadd.s32 s2, s17  }
0x8e: {  	[smem:$0x3FB4] =	sst s2  }
0x8f: {  	_ = 	snop  }
0x90: {  	s2 =	sld [smem:$0x3FD0];
	(tm) =	ssettm $0x1  }
0x91: {  	s18 =	sld [smem:$0x3FFB];
	_ =	sdelay $0x3  }
0x92: {  	_ =	strace s18  }
0x93: {  	s3 =	sld [smem:$0x3FFC];
	_ =	sdelay $0x3  }
0x94: {  	_ =	strace s3  }
0x95: {  	s3 =	sld [smem:$0x3FFD];
	_ =	sdelay $0x3  }
0x96: {  	_ =	strace s3  }
0x97: {  	_ =	strace $0x8FFFFFFF  }
0x98: {  	s19 =	sld [smem:$0x3FDB];
	_ =	sdelay $0x1  }
0x99: {  	s4 =	simm.s32 $_scs_section_size  }
0x9a: {  	s5 =	simm.s32 $_size__tile_overlayer_lowered;
	s6 =	simm.s32 $_tile_overlayer_lowered  }
0x9b: {  	s22 =	simm.s32 $0x1BFF;
	s21 =	sshll.u32 s6, $0x1;
	s3 =	sadd.s32 s4, s19  }
0x9c: {  	s7 =	simm.s32 $0x0;
	s20 =	sshll.u32 s5, $0x1;
	s5 =	sadd.s32 s21, s3  }
0x9d: {  	[timem:s7], [sflag:s22] =	dma.local [hbm:s5], s20  }
0x9e: {  	_ =	swait.ge [sflag:s22], s20  }
0x9f: {  	s4 =	ssub.s32 $0x0, s20;
	[sflag:s22] =	ssyncset.done $0x0  }
0xa0: {  	[sflag:s22] =	ssyncadd.s32 s4;
	_ =	sdelay $0x1  }
0xa1: {  	s23 =	simm.s32 $0x1B8B  }
0xa2: {  	_ =	swait.ge [sflag:s23], $0x1  }
0xa3: {  	[sflag:s23] =	ssyncset.done $0x0  }
0xa4: {  	s25 =	simm.s32 $0x1B8E;
	s24 =	sld [smem:$0x3FFE];
	[sflag:s23] =	ssyncadd.s32 $0xFFFFFFFF  }
0xa5: {  	s26 =	simm.s32 $execute0_lowered;
	[smem:$0x3FD2] =	sst s25  }
0xa6: {  	s5 =	sshll.u32 s26, $0x1;
	_ =	strace $0x8000004F;
	[dreg:$0x1] =	wrdreg $0xFFFFFFFF  }
0xa7: {  	s28 =	simm.s32 $_size_execute0_lowered;
	s3 =	sadd.s32 s3, s5;
	[dreg:$0x0] =	wrdreg $0x0  }
0xa8: {  	s5 =	sshll.u32 s28, $0x1;
	[dreg:$0x2] =	wrdreg s3  }
0xa9: {  	[dreg:$0x3] =	wrdreg s5  }
0xaa: {  	[dreg:$0x4] =	wrdreg $0xC0  }
0xab: {  	_ =	task [dreg:s7], $0x5FFFF  }
0xac: {  	[dreg:$0x1] =	wrdreg $0xFFFFFFFF  }
0xad: {  	[dreg:$0x0] =	wrdreg $0x60  }
0xae: {  	[dreg:$0x2] =	wrdreg s2  }
0xaf: {  	[dreg:$0x3] =	wrdreg s24  }
0xb0: {  	[dreg:$0x4] =	wrdreg $0xBF800  }
0xb1: {  	[dreg:$0x5] =	wrdreg $0x9  }
0xb2: {  	_ =	task.clear_ibuf [dreg:s7], $0x6FFFF;
	_ =	strace $0x9000004F  }
0xb3: {  	s29 =	simm.s32 $0x9;
	_ =	strace $0x80000051  }
0xb4: {  	_ =	swait.ge [sflag:s29], $0x1  }
0xb5: {  	[sflag:s29] =	ssyncadd.s32 $0xFFFFFFFF  }
0xb6: {  	_ =	strace $0x90000051  }
0xb7: {  	_ =	sfence  }
0xb8: {  	s30 =	sld [smem:$0x0];
	_ =	sdelay $0x2  }
0xb9: {  	s31 =	sshll.u32 s1, $0xD;
	s1 =	sshrl.u32 s1, $0x2  }
0xba: {  	s3 =	sand.u32 $0x4000, s31;
	s1 =	sadd.s32 s1, s30  }
0xbb: {  	s0 =	sor.u32 s3, s0;
	s1 =	sshll.u32 s1, $0x11  }
0xbc: {  	s0 =	sor.u32 s1, s0  }
0xbd: {  	s0 =	sadd.s32 $0x8F2B, s0  }
0xbe: {  	[sflag:s0] =	ssyncadd.remote.s32 $0x1  }
0xbf: {  	_ =	sfence.sel $0xFFFF  }
0xc0: {  	[dreg:$0x0] =	wrdreg $0xFFFFFFFF;
	(pc) =	sbr.abs _section_cstart, $3  }
0xc1: {  	[dreg:$0x1] =	wrdreg $0xFFFFFFFF  }
0xc2: {  	_ =	task.clear_ibuf [dreg:s7], $0x2FFFF;
	_ =	strace $0x9FFFFFFF  }
0xc3: {  	(tm) =	ssettm $0x7FFFFFFF  }
tec
execute0_lowered:
.L_overlay_start_1:
0x0: {  	(tag) =	ssettag $0x1  }
0x1: {  	s1 =	rddreg [dreg:$0x0]  }
0x2: {  	s0 =	srdreg.scid;
	s5 =	rddreg [dreg:$0x1]  }
0x3: {  	s10 =	stileid.u32;
	s3 =	rddreg [dreg:$0x2]  }
0x4: {  	s17 =	simm.s32 $0x5;
	s19 =	simm.s32 $0x30;
	s20 =	simm.s32 $0x8F80  }
0x5: {  	s21 =	simm.s32 $0xA780;
	s22 =	simm.s32 $0x5F80;
	s28 =	simm.s32 $0x1  }
0x6: {  	s29 =	simm.s32 $0x2;
	s30 =	simm.s32 $0x60;
	s8 =	smul.u32 $0x4F000, s10  }
0x7: {  	s0 =	sand.u32 $0x1, s0;
	s7 =	sshll.u32 s10, $0x7;
	s15 =	smul.u32 $0x2780, s10  }
0x8: {  	s2 =	sshll.u32 s0, $0x4;
	s23 =	smul.u32 $0x27800, s0;
	s0 =	ssub.s32 $0x2, s0  }
0x9: {  	s7 =	sand.u32 $0x380, s7;
	s2 =	sor.u32 s10, s2;
	s24 =	sshrl.u32 s0, $0x1  }
0xa: {  	s25 =	sshrl.u32 s8, $0x2;
	s4 =	sshrl.u32 s2, $0x3;
	s2 =	smul.u32 $0x700, s2  }
0xb: {  	s9 =	sadd.s32 s23, s5;
	s0 =	ssub.s32 s0, s24;
	s6 =	smul.u32 $0x13C00, s4  }
0xc: {  	s23 =	simm.s32 $0x3;
	s4 =	simm.s32 $0x0;
	s31 =	sadd.s32 $0x1C400, s9  }
0xd: {  	s9 =	smax.u32 s0, $0x1;
	[smem:$0x7FF] =	sst s4;
	s6 =	sor.u32 s7, s6  }
0xe: {  	s2 =	sadd.s32 s2, s5;
	s24 =	sadd.s32 s15, s31;
	s6 =	sshrl.u32 s6, $0x3  }
0xf: {  	_ =	strace $0x80000050;
	s7 =	sadd.s32 $0x4600, s2;
	s6 =	sadd.s32 s6, s5  }
0x10: {  	s2 =	simm.s32 $0x0;
	s26 =	sadd.s32 $0x12600, s6;
	s6 =	sadd.s32 s25, s3  }
0x11: {  	s25 =	simm.s32 $0x4;
	[dreg:$0x4] =	wrdreg s26;
	s8 =	sadd.s32 $0x12000, s6  }
0x12: {  	s10 =	sadd.s32 $0x3000, s6;
	s11 =	sadd.s32 $0x6000, s6;
	s12 =	sadd.s32 $0x9000, s6  }
0x13: {  	v0 =	vimm.f32 $0.0e+00;
	s13 =	sadd.s32 $0xC000, s6;
	s14 =	sadd.s32 $0xF000, s6;
	s26 =	simm.s32 $0x7780  }
.LBB2_1:
0x14: {  	s0 =	rddreg [dreg:$0x4];
	s5 =	simm.s32 $0x80;
	s15 =	simm.s32 $0x400  }
0x15: {  	[tilespmem:s4], [sflag:$0x5] =	stream.strided.gather [hbm4b:s0+s5], $0x2780, s15, s5, $0x38;
	[tilespmem:$0x1FB80] =	vst v63  }
0x16: {  	_ =	swait.ge [sflag:s17], $0x2780  }
0x17: {  	[sflag:s17] =	ssyncset.done $0x0  }
0x18: {  	s31 =	simm.s32 $0x2780;
	[sflag:s17] =	ssyncadd.s32 $0xFFFFD880  }
0x19: {  	[tilespmem:s31], [sflag:$0x4] =	stream.linear.gather [hbm4b:s7+s4], $0x3480, $0x38;
	[tilespmem:$0x1FB80] =	vst v63  }
0x1a: {  	_ = 	snop  }
0x1b: {  	[tilespmem:s20], [sflag:$0x1] =	stream.indirect.gather [hbm4b:s1+s19], $0x80, s4, s19, $0xb8;
	[tilespmem:$0x1FB80] =	vst v63  }
0x1c: {  	s0 =	simm.s32 $0x70;
	s15 =	simm.s32 $0x3C0  }
0x1d: {  	[tilespmem:s21], [sflag:$0x2] =	stream.indirect.gather [hbm4b:s1+s19], $0x80, s19, s19, $0xb8;
	[tilespmem:$0x1FB80] =	vst v63  }
.LBB2_2:
0x1e: {  	p0 =	sne.s32 s15, $0xBFC0;
	[tilespmem:s0+$0x5F80] =	vst v0  }
0x1f: {  	[tilespmem:s0+$0x5F10] =	vst v0  }
0x20: {  	[tilespmem:s0+$0x5F20] =	vst v0  }
.Ltmp0:
0x21: {  	[tilespmem:s0+$0x5F30] =	vst v0;
	(pc) =	sbr.rel @p0 .LBB2_2-.Ltmp0, $4  }
0x22: {  	[tilespmem:s0+$0x5F40] =	vst v0  }
0x23: {  	[tilespmem:s0+$0x5F50] =	vst v0  }
0x24: {  	[tilespmem:s0+$0x5F60] =	vst v0  }
0x25: {  	[tilespmem:s0+$0x5F70] =	vst v0;
	s0 =	sshra.s32 s15, $0x2;
	s15 =	sadd.s32 $0x200, s15  }
0x26: {  	[tilespmem:s0+$0x5F80] =	vst v0  }
0x27: {  	[tilespmem:s0+$0x5F10] =	vst v0  }
0x28: {  	[tilespmem:s0+$0x5F20] =	vst v0  }
0x29: {  	[tilespmem:s0+$0x5F30] =	vst v0  }
0x2a: {  	[tilespmem:s0+$0x5F40] =	vst v0  }
0x2b: {  	[tilespmem:s0+$0x5F50] =	vst v0  }
0x2c: {  	[tilespmem:s0+$0x5F60] =	vst v0  }
0x2d: {  	[tilespmem:s0+$0x5F70] =	vst v0  }
0x2e: {  	[spmem:s6] =	stream.linear.scatter [tilespmem:s22], [sflag:$0x3], $0x3000, $0x38;
	[tilespmem:$0x1FB80] =	vst v63  }
0x2f: {  	_ = 	snop  }
0x30: {  	[spmem:s10] =	stream.linear.scatter [tilespmem:s22], [sflag:$0x3], $0x3000, $0x38;
	[tilespmem:$0x1FB80] =	vst v63  }
0x31: {  	_ = 	snop  }
0x32: {  	[spmem:s11] =	stream.linear.scatter [tilespmem:s22], [sflag:$0x3], $0x3000, $0x38;
	[tilespmem:$0x1FB80] =	vst v63  }
0x33: {  	_ = 	snop  }
0x34: {  	[spmem:s12] =	stream.linear.scatter [tilespmem:s22], [sflag:$0x3], $0x3000, $0x38;
	[tilespmem:$0x1FB80] =	vst v63  }
0x35: {  	_ = 	snop  }
0x36: {  	[spmem:s13] =	stream.linear.scatter [tilespmem:s22], [sflag:$0x3], $0x3000, $0x38;
	[tilespmem:$0x1FB80] =	vst v63  }
0x37: {  	_ = 	snop  }
0x38: {  	[spmem:s14] =	stream.linear.scatter [tilespmem:s22], [sflag:$0x3], $0x3000, $0x38;
	[tilespmem:$0x1FB80] =	vst v63  }
0x39: {  	_ = 	snop  }
0x3a: {  	[spmem:s8] =	stream.linear.scatter [tilespmem:s22], [sflag:$0x3], $0x1C00, $0x38;
	[tilespmem:$0x1FB80] =	vst v63  }
0x3b: {  	_ =	swait.ge [sflag:s23], $0x3000  }
0x3c: {  	[sflag:s23] =	ssyncset.done $0x0  }
0x3d: {  	[sflag:s23] =	ssyncadd.s32 $0xFFFFD000  }
0x3e: {  	_ =	swait.ge [sflag:s23], $0x3000  }
0x3f: {  	[sflag:s23] =	ssyncset.done $0x0  }
0x40: {  	[sflag:s23] =	ssyncadd.s32 $0xFFFFD000  }
0x41: {  	_ =	swait.ge [sflag:s23], $0x3000  }
0x42: {  	[sflag:s23] =	ssyncset.done $0x0  }
0x43: {  	[sflag:s23] =	ssyncadd.s32 $0xFFFFD000  }
0x44: {  	_ =	swait.ge [sflag:s23], $0x3000  }
0x45: {  	[sflag:s23] =	ssyncset.done $0x0  }
0x46: {  	[sflag:s23] =	ssyncadd.s32 $0xFFFFD000  }
0x47: {  	_ =	swait.ge [sflag:s23], $0x3000  }
0x48: {  	[sflag:s23] =	ssyncset.done $0x0  }
0x49: {  	[sflag:s23] =	ssyncadd.s32 $0xFFFFD000  }
0x4a: {  	_ =	swait.ge [sflag:s23], $0x3000  }
0x4b: {  	[sflag:s23] =	ssyncset.done $0x0  }
0x4c: {  	[sflag:s23] =	ssyncadd.s32 $0xFFFFD000  }
0x4d: {  	_ =	swait.ge [sflag:s23], $0x1C00  }
0x4e: {  	[sflag:s23] =	ssyncset.done $0x0  }
0x4f: {  	[sflag:s23] =	ssyncadd.s32 $0xFFFFE400  }
0x50: {  	_ =	swait.ge [sflag:s25], $0x3480  }
0x51: {  	[sflag:s25] =	ssyncset.done $0x0  }
0x52: {  	[sflag:s25] =	ssyncadd.s32 $0xFFFFCB80  }
0x53: {  	s31 =	simm.s32 $0x60;
	[bflag:$0x0] =	sbarrier.arrive $0xFFFF  }
0x54: {  	[tilespmem:s22], [sflag:$0x3] =	stream.indirect.gather [hbm4b:s1+s19], $0x80, s31, s19, $0xb8;
	[tilespmem:$0x1FB80] =	vst v63  }
0x55: {  	s5 =	simm.s32 $0x90  }
0x56: {  	[tilespmem:s26], [sflag:$0x4] =	stream.indirect.gather [hbm4b:s1+s19], $0x80, s5, s19, $0xb8;
	[tilespmem:$0x1FB80] =	vst v63  }
0x57: {  	_ =	swait.ge [sflag:s28], $0x1800  }
0x58: {  	[sflag:s28] =	ssyncset.done $0x0  }
0x59: {  	[sflag:s28] =	ssyncadd.s32 $0xFFFFE800  }
0x5a: {  	_ =	swait.ge [sflag:s29], $0x1800  }
0x5b: {  	[sflag:s29] =	ssyncset.done $0x0  }
0x5c: {  	s15 =	simm.s32 $0x2780;
	[sflag:s29] =	ssyncadd.s32 $0xFFFFE800  }
0x5d: {  	[spmem:s3] =	stream.indirect.scatter.add.f32 [tilespmem:s20], [sflag:$0x5], $0x80, s15, s30, $0xb8;
	[tilespmem:$0x1FB80] =	vst v63  }
0x5e: {  	_ =	swait.ge [sflag:s17], $0x3000  }
0x5f: {  	[sflag:s17] =	ssyncset.done $0x0  }
0x60: {  	s16 =	simm.s32 $0xC0;
	[sflag:s17] =	ssyncadd.s32 $0xFFFFD000  }
0x61: {  	[tilespmem:s20], [sflag:$0x1] =	stream.indirect.gather [hbm4b:s1+s19], $0x80, s16, s19, $0xb8;
	[tilespmem:$0x1FB80] =	vst v63  }
0x62: {  	s18 =	simm.s32 $0xF0  }
0x63: {  	[tilespmem:s21], [sflag:$0x2] =	stream.indirect.gather [hbm4b:s1+s19], $0x80, s18, s19, $0xb8;
	[tilespmem:$0x1FB80] =	vst v63  }
0x64: {  	_ =	swait.ge [sflag:s23], $0x1800  }
0x65: {  	[sflag:s23] =	ssyncset.done $0x0  }
0x66: {  	[sflag:s23] =	ssyncadd.s32 $0xFFFFE800  }
0x67: {  	_ =	swait.ge [sflag:s25], $0x1800  }
0x68: {  	[sflag:s25] =	ssyncset.done $0x0  }
0x69: {  	s31 =	simm.s32 $0x2800;
	[sflag:s25] =	ssyncadd.s32 $0xFFFFE800  }
0x6a: {  	[spmem:s3] =	stream.indirect.scatter.add.f32 [tilespmem:s22], [sflag:$0x5], $0x80, s31, s30, $0xb8;
	[tilespmem:$0x1FB80] =	vst v63  }
0x6b: {  	s0 =	simm.s32 $0x2880;
	_ =	swait.ge [sflag:s17], $0x3000  }
0x6c: {  	s15 =	simm.s32 $0xC0;
	s16 =	simm.s32 $0x600;
	[sflag:s17] =	ssyncset.done $0x0  }
.LBB2_4:
0x6d: {  	s18 =	sadd.s32 $0x60, s15  }
0x6e: {  	[sflag:s17] =	ssyncadd.s32 $0xFFFFD000;
	s31 =	smov.u32 s16;
	s5 =	sadd.s32 $0x300, s16  }
0x6f: {  	[tilespmem:s22], [sflag:$0x3] =	stream.indirect.gather [hbm4b:s1+s19], $0x80, s18, s19, $0xb8;
	[tilespmem:$0x1FB80] =	vst v63  }
0x70: {  	p0 =	sne.s32 s16, $0x9900;
	s16 =	sadd.s32 $0x90, s15  }
0x71: {  	[tilespmem:s26], [sflag:$0x4] =	stream.indirect.gather [hbm4b:s1+s19], $0x80, s16, s19, $0xb8;
	[tilespmem:$0x1FB80] =	vst v63  }
0x72: {  	_ =	swait.ge [sflag:s28], $0x1800  }
0x73: {  	[sflag:s28] =	ssyncset.done $0x0  }
0x74: {  	[sflag:s28] =	ssyncadd.s32 $0xFFFFE800  }
0x75: {  	_ =	swait.ge [sflag:s29], $0x1800  }
0x76: {  	[sflag:s29] =	ssyncset.done $0x0  }
0x77: {  	[sflag:s29] =	ssyncadd.s32 $0xFFFFE800  }
0x78: {  	[spmem:s3] =	stream.indirect.scatter.add.f32 [tilespmem:s20], [sflag:$0x5], $0x80, s0, s30, $0xb8;
	[tilespmem:$0x1FB80] =	vst v63  }
0x79: {  	_ =	swait.ge [sflag:s17], $0x3000  }
0x7a: {  	[sflag:s17] =	ssyncset.done $0x0  }
0x7b: {  	s16 =	sadd.s32 $0xC0, s15;
	[sflag:s17] =	ssyncadd.s32 $0xFFFFD000  }
0x7c: {  	[tilespmem:s20], [sflag:$0x1] =	stream.indirect.gather [hbm4b:s1+s19], $0x80, s16, s19, $0xb8;
	[tilespmem:$0x1FB80] =	vst v63  }
0x7d: {  	s15 =	sadd.s32 $0xF0, s15  }
0x7e: {  	[tilespmem:s21], [sflag:$0x2] =	stream.indirect.gather [hbm4b:s1+s19], $0x80, s15, s19, $0xb8;
	[tilespmem:$0x1FB80] =	vst v63  }
0x7f: {  	_ =	swait.ge [sflag:s23], $0x1800  }
0x80: {  	[sflag:s23] =	ssyncset.done $0x0  }
0x81: {  	[sflag:s23] =	ssyncadd.s32 $0xFFFFE800  }
0x82: {  	_ =	swait.ge [sflag:s25], $0x1800  }
.Ltmp1:
0x83: {  	[sflag:s25] =	ssyncset.done $0x0;
	(pc) =	sbr.rel @p0 .LBB2_4-.Ltmp1, $4  }
0x84: {  	s15 =	sadd.s32 $0x80, s0;
	[sflag:s25] =	ssyncadd.s32 $0xFFFFE800  }
0x85: {  	[spmem:s3] =	stream.indirect.scatter.add.f32 [tilespmem:s22], [sflag:$0x5], $0x80, s15, s30, $0xb8;
	[tilespmem:$0x1FB80] =	vst v63  }
0x86: {  	s16 =	smov.u32 s5;
	_ =	swait.ge [sflag:s17], $0x3000  }
0x87: {  	s0 =	sadd.s32 $0x100, s0;
	s15 =	sshra.s32 s31, $0x2;
	[sflag:s17] =	ssyncset.done $0x0  }
0x88: {  	s5 =	sadd.s32 $0x60, s15;
	[sflag:s17] =	ssyncadd.s32 $0xFFFFD000  }
0x89: {  	[tilespmem:s22], [sflag:$0x3] =	stream.indirect.gather [hbm4b:s1+s19], $0x80, s5, s19, $0xb8;
	[tilespmem:$0x1FB80] =	vst v63  }
0x8a: {  	s16 =	sadd.s32 $0x90, s15  }
0x8b: {  	[tilespmem:s26], [sflag:$0x4] =	stream.indirect.gather [hbm4b:s1+s19], $0x80, s16, s19, $0xb8;
	[tilespmem:$0x1FB80] =	vst v63  }
0x8c: {  	_ =	swait.ge [sflag:s28], $0x1800  }
0x8d: {  	[sflag:s28] =	ssyncset.done $0x0  }
0x8e: {  	[sflag:s28] =	ssyncadd.s32 $0xFFFFE800  }
0x8f: {  	_ =	swait.ge [sflag:s29], $0x1800  }
0x90: {  	[sflag:s29] =	ssyncset.done $0x0  }
0x91: {  	[sflag:s29] =	ssyncadd.s32 $0xFFFFE800  }
0x92: {  	[spmem:s3] =	stream.indirect.scatter.add.f32 [tilespmem:s20], [sflag:$0x5], $0x80, s0, s30, $0xb8;
	[tilespmem:$0x1FB80] =	vst v63  }
0x93: {  	_ =	swait.ge [sflag:s17], $0x3000  }
0x94: {  	[sflag:s17] =	ssyncset.done $0x0  }
0x95: {  	s18 =	sadd.s32 $0xC0, s15;
	[sflag:s17] =	ssyncadd.s32 $0xFFFFD000  }
0x96: {  	[tilespmem:s20], [sflag:$0x1] =	stream.indirect.gather [hbm4b:s1+s19], $0x80, s18, s19, $0xb8;
	[tilespmem:$0x1FB80] =	vst v63  }
0x97: {  	s31 =	sadd.s32 $0xF0, s15  }
0x98: {  	[tilespmem:s21], [sflag:$0x2] =	stream.indirect.gather [hbm4b:s1+s19], $0x80, s31, s19, $0xb8;
	[tilespmem:$0x1FB80] =	vst v63  }
0x99: {  	_ =	swait.ge [sflag:s23], $0x1800  }
0x9a: {  	[sflag:s23] =	ssyncset.done $0x0  }
0x9b: {  	[sflag:s23] =	ssyncadd.s32 $0xFFFFE800  }
0x9c: {  	_ =	swait.ge [sflag:s25], $0x1800  }
0x9d: {  	[sflag:s25] =	ssyncset.done $0x0  }
0x9e: {  	s15 =	sadd.s32 $0x80, s0;
	[sflag:s25] =	ssyncadd.s32 $0xFFFFE800  }
0x9f: {  	[spmem:s3] =	stream.indirect.scatter.add.f32 [tilespmem:s22], [sflag:$0x5], $0x80, s15, s30, $0xb8;
	[tilespmem:$0x1FB80] =	vst v63  }
0xa0: {  	_ =	swait.ge [sflag:s17], $0x3000  }
0xa1: {  	[sflag:s17] =	ssyncset.done $0x0  }
0xa2: {  	[sflag:s17] =	ssyncadd.s32 $0xFFFFD000  }
0xa3: {  	_ =	swait.ge [sflag:s28], $0x1800  }
0xa4: {  	[sflag:s28] =	ssyncset.done $0x0  }
0xa5: {  	[sflag:s28] =	ssyncadd.s32 $0xFFFFE800  }
0xa6: {  	_ =	swait.ge [sflag:s29], $0x1800  }
0xa7: {  	[sflag:s29] =	ssyncset.done $0x0  }
0xa8: {  	s16 =	simm.s32 $0x5B80;
	[sflag:s29] =	ssyncadd.s32 $0xFFFFE800  }
0xa9: {  	[spmem:s3] =	stream.indirect.scatter.add.f32 [tilespmem:s20], [sflag:$0x5], $0x80, s16, s30, $0xb8;
	[tilespmem:$0x1FB80] =	vst v63  }
0xaa: {  	s18 =	stileid.u32;
	_ =	swait.ge [sflag:s17], $0x3000  }
0xab: {  	s2 =	sadd.s32 $0x1, s2;
	s0 =	sshll.u32 s18, $0x6;
	[sflag:s17] =	ssyncset.done $0x0  }
0xac: {  	p0 =	sne.s32 s2, s9;
	s0 =	sor.u32 $0x1C05, s0;
	[sflag:s17] =	ssyncadd.s32 $0xFFFFD000  }
.Ltmp2:
0xad: {  	s31 =	sshrl.u32 s6, $0x3;
	[bflag:$0x0] =	sbarrier.arrive $0xFFFF;
	(pc) =	sbr.rel @p0 .LBB2_1-.Ltmp2, $4  }
0xae: {  	[hbm:s24], [sflag:s0] =	dma.local [spmem:s31], $0x2780  }
0xaf: {  	_ =	swait.ge [sflag:s17], $0x2780  }
0xb0: {  	[sflag:s17] =	ssyncset.done $0x0  }
0xb1: {  	[sflag:s17] =	ssyncadd.s32 $0xFFFFD880  }
0xb2: {  	_ =	sfence.sel $0x180000  }
0xb3: {  	[bflag:$0x0] =	sbarrier.arrive $0xFFFF  }
0xb4: {  	_ =	strace $0x90000050  }
0xb5: {  	s0 =	stileid.u32;
	[bflag:$0x2] =	sbarrier.arrive $0xFFFF  }
0xb6: {  	p0 =	sne.s32 s0, $0x0;
	s0 =	rddreg [dreg:$0x3]  }
0xb7: {  	s0 =	sadd.s32 @!p0 $0x100000, s0  }
0xb8: {  	[sflag:s0] =	ssyncadd.tile.s32 @!p0 $0x1;
	_ =	shalt  }
.Lfunc_end2:
_tile_overlayer_lowered:
.L_overlay_start_2:
0xb9: {  	(tag) =	ssettag $0x2  }
0xba: {  	s0 =	rddreg [dreg:$0x0];
	s2 =	stileid.u32  }
0xbb: {  	s1 =	rddreg [dreg:$0x1];
	p0 =	sne.s32 s2, $0x0  }
0xbc: {  	s3 =	rddreg [dreg:$0x2];
	[bflag:$0x3] =	sbarrier.arrive $0xFFFF;
	s2 =	simm.s32 @!p0 $0x1C05  }
0xbd: {  	[timem:s3], [sflag:s2] =	dma.local @!p0 [hbm:s0], s1  }
0xbe: {  	s0 =	simm.s32 @!p0 $0x5  }
0xbf: {  	_ =	swait.ge @!p0 [sflag:s0], s1  }
0xc0: {  	s1 =	ssub.s32 @!p0 $0x0, s1;
	[sflag:s0] =	ssyncset.done @!p0 $0x0  }
0xc1: {  	[sflag:s0] =	ssyncadd.s32 @!p0 s1  }
0xc2: {  	[bflag:$0x3] =	sbarrier.arrive $0xFFFF  }
0xc3: {  	_ =	shalt  }

</sc_bundles>
